<compile_context>
chip_gen: v7x
topology: tpu7x:2x2x1
jax: 0.10.2.dev20260603
libtpu: 0.0.44.dev20260713+nightly
codegen_flags: <defaults>
</compile_context>

<pallas_src>
import functools

import jax
import jax.numpy as jnp
from jax import lax
from jax.experimental import pallas as pl
from jax.experimental.pallas import tpu as pltpu
from jax.experimental.pallas import tpu_sc as plsc

_TAU = 5.0
_LAMBDA_MSE = 0.5

_S = 16384
_K = 200
_NW = 32
_CHUNK = 6400


def _sc_gather(idx_flat, theta):
    n = idx_flat.shape[0]
    per_w = n // _NW
    chunk = _CHUNK
    while per_w % chunk or (per_w // chunk) % 2:
        chunk //= 2
    steps = per_w // chunk
    mesh = plsc.VectorSubcoreMesh(core_axis_name="c", subcore_axis_name="s")

    @functools.partial(
        pl.kernel,
        mesh=mesh,
        out_type=jax.ShapeDtypeStruct((n,), jnp.float32),
        scratch_types=[
            pltpu.VMEM((chunk,), jnp.int32),
            pltpu.VMEM((chunk,), jnp.int32),
            pltpu.VMEM((chunk,), jnp.float32),
            pltpu.VMEM((chunk,), jnp.float32),
            pltpu.SemaphoreType.DMA,
            pltpu.SemaphoreType.DMA,
            pltpu.SemaphoreType.DMA,
            pltpu.SemaphoreType.DMA,
            pltpu.SemaphoreType.DMA,
            pltpu.SemaphoreType.DMA,
        ],
    )
    def gather_kernel(idx_hbm, theta_hbm, out_hbm, idx0, idx1, val0, val1,
                      si0, si1, sg0, sg1, sw0, sw1):
        nc = lax.axis_size("c")
        wid = lax.axis_index("s") * nc + lax.axis_index("c")
        base = wid * per_w
        idx_v = (idx0, idx1)
        val_v = (val0, val1)
        semi = (si0, si1)
        semg = (sg0, sg1)
        semw = (sw0, sw1)

        def idx_start(g, p):
            pltpu.async_copy(
                idx_hbm.at[pl.ds(base + g * chunk, chunk)], idx_v[p], semi[p]
            )

        idx_start(0, 0)

        def phase(g, p):
            q = 1 - p
            pltpu.make_async_copy(
                idx_hbm.at[pl.ds(0, chunk)], idx_v[p], semi[p]
            ).wait()
            @pl.when(g >= 2)
            def _():
                pltpu.make_async_copy(
                    val_v[p], out_hbm.at[pl.ds(0, chunk)], semw[p]
                ).wait()
            pltpu.async_copy(theta_hbm.at[idx_v[p]], val_v[p], semg[p])
            @pl.when(g >= 1)
            def _():
                pltpu.make_async_copy(
                    theta_hbm.at[idx_v[q]], val_v[q], semg[q]
                ).wait()
                pltpu.async_copy(
                    val_v[q],
                    out_hbm.at[pl.ds(base + (g - 1) * chunk, chunk)],
                    semw[q],
                )
            @pl.when(g + 1 < steps)
            def _():
                idx_start(g + 1, q)

        def pair(g2, carry):
            phase(2 * g2, 0)
            phase(2 * g2 + 1, 1)
            return carry

        lax.fori_loop(0, steps // 2, pair, 0)
        pltpu.make_async_copy(theta_hbm.at[idx1], val1, sg1).wait()
        pltpu.async_copy(
            val1, out_hbm.at[pl.ds(base + (steps - 1) * chunk, chunk)], sw1
        )
        pltpu.make_async_copy(val0, out_hbm.at[pl.ds(0, chunk)], sw0).wait()
        pltpu.make_async_copy(val1, out_hbm.at[pl.ds(0, chunk)], sw1).wait()

    return gather_kernel(idx_flat, theta)


def _make_tc_body(final):
    def tc_body(a_ref, prev_ref, lens_ref, b_ref, t_ref, sc_ref, out_ref,
                acc_ref):
        i = pl.program_id(0)
        n = pl.num_programs(0)

        @pl.when(i == 0)
        def _init():
            acc_ref[0] = prev_ref[0]
            acc_ref[1] = prev_ref[1]
            acc_ref[2] = prev_ref[2]
            acc_ref[3] = prev_ref[3]

        t = t_ref[...] * _TAU
        bs = t.shape[0]
        kio = lax.broadcasted_iota(jnp.int32, (bs, _K), 1)
        mask = kio < lens_ref[...]
        maskf = mask.astype(jnp.float32)

        e = jnp.where(mask, jnp.exp(t), 0.0)
        rj = lax.broadcasted_iota(jnp.int32, (_K, _K), 0)
        ci = lax.broadcasted_iota(jnp.int32, (_K, _K), 1)
        tri = (rj >= ci).astype(jnp.float32)
        cumexp = jnp.dot(e, tri, preferred_element_type=jnp.float32)
        logc = jnp.log(cumexp + 1e-12)

        sum_t = jnp.sum(t * maskf)
        sum_lc = jnp.sum(logc * maskf)

        sc = sc_ref[...]
        w = jnp.maximum(1.0 / (1.0 + jnp.exp(-(sc - 0.5))), 0.1)
        wm = w * maskf
        pred = a_ref[0, 0] * t + b_ref[...]
        d = pred - sc * _TAU
        sum_se = jnp.sum(d * d * wm)
        sum_wm = jnp.sum(wm)

        acc_ref[0] += sum_t
        acc_ref[1] += sum_lc
        acc_ref[2] += sum_se
        acc_ref[3] += sum_wm

        if final:
            @pl.when(i == n - 1)
            def _fin():
                nll = -(acc_ref[0] - acc_ref[1]) / float(_S)
                mse = acc_ref[2] / acc_ref[3]
                out_ref[0] = (1.0 - _LAMBDA_MSE) * nll + _LAMBDA_MSE * mse
                out_ref[1] = nll
                out_ref[2] = mse
        else:
            @pl.when(i == n - 1)
            def _fin():
                out_ref[0] = acc_ref[0]
                out_ref[1] = acc_ref[1]
                out_ref[2] = acc_ref[2]
                out_ref[3] = acc_ref[3]

    return tc_body


def _tc_reduce(t, scores, lens2d, a2d, b2d, prev, block0, final):
    ns = t.shape[0]
    bs = 512
    grid = ns // bs
    out = pl.pallas_call(
        _make_tc_body(final),
        grid=(grid,),
        in_specs=[
            pl.BlockSpec((1, 1), lambda i: (0, 0), memory_space=pltpu.SMEM),
            pl.BlockSpec(memory_space=pltpu.SMEM),
            pl.BlockSpec((bs, 1), lambda i: (i + block0, 0)),
            pl.BlockSpec((bs, 1), lambda i: (i + block0, 0)),
            pl.BlockSpec((bs, _K), lambda i: (i, 0)),
            pl.BlockSpec((bs, _K), lambda i: (i + block0, 0)),
        ],
        out_specs=pl.BlockSpec(memory_space=pltpu.SMEM),
        out_shape=jax.ShapeDtypeStruct((3 if final else 4,), jnp.float32),
        scratch_shapes=[pltpu.SMEM((4,), jnp.float32)],
    )(
        a2d,
        prev,
        lens2d,
        b2d,
        t,
        scores,
    )
    return out


_SPLITS = (1024, 5120, 5120, 4096, 1024)


def kernel(slates, scores, lens, theta, a, b_s):
    a2d = jnp.asarray(a, jnp.float32).reshape(1, 1)
    lens2d = lens.reshape(_S, 1)
    b2d = b_s.reshape(_S, 1)
    offs = [0]
    for ns in _SPLITS:
        offs.append(offs[-1] + ns)
    gs = [
        _sc_gather(slates[offs[i]:offs[i + 1]].reshape(-1), theta)
        for i in range(len(_SPLITS))
    ]
    acc = jnp.zeros((4,), jnp.float32)
    for i, ns in enumerate(_SPLITS):
        acc = _tc_reduce(
            gs[i].reshape(ns, _K), scores, lens2d, a2d, b2d, acc,
            offs[i] // 512, i == len(_SPLITS) - 1
        )
    return (acc[0], acc[1], acc[2])

# --- scband reference (transcript-rebuilt; emitter-appended) ---
"""Pipeline reference for scband-pllinear-prior-model-2800318677271 (READ-ONLY COPY).

The authoritative reference and input builder live on the scoring server;
editing this copy changes nothing except your own understanding.
"""

import jax, jax.numpy as jnp
import numpy as np

TOTAL_N = 1000000
NUM_SLATES = 16384
MAXK = 200
TAU = 5.0
LAMBDA_MSE = 0.5


def setup_inputs(seed: int = 0) -> dict:
    key = jax.random.key(seed)
    k0, k1, k2, k3, k4 = jax.random.split(key, 5)
    slates = jax.random.randint(k0, (NUM_SLATES, MAXK), 0, TOTAL_N, dtype=jnp.int32)
    scores = jax.random.uniform(k1, (NUM_SLATES, MAXK), dtype=jnp.float32)
    lens = jax.random.randint(k2, (NUM_SLATES,), 0, MAXK, dtype=jnp.int32)
    theta = jax.random.normal(k3, (TOTAL_N,), dtype=jnp.float32) * 0.01
    a = jnp.array(1.0, dtype=jnp.float32)
    b_s = jnp.zeros((NUM_SLATES,), dtype=jnp.float32)
    return {"slates": slates, "scores": scores, "lens": lens, "theta": theta, "a": a, "b_s": b_s}


def reference(slates, scores, lens, theta, a, b_s):
    S, maxK = slates.shape
    # gather: embedding-style lookup into theta
    t = jnp.take(theta, slates, axis=0) * TAU  # (S, maxK)
    mask = jnp.arange(maxK)[None, :] < lens[:, None]  # (S, maxK) bool
    t_masked = jnp.where(mask, t, -jnp.inf)
    exp_t = jnp.exp(t_masked)
    rev_exp = jnp.flip(exp_t, axis=1)
    rev_cumsum = jnp.cumsum(rev_exp, axis=1)
    cumexp = jnp.flip(rev_cumsum, axis=1)
    logcumexp = jnp.log(cumexp + 1e-12)
    maskf = mask.astype(t.dtype)
    ll = (t * maskf).sum(axis=1) - (logcumexp * maskf).sum(axis=1)
    nll = -ll.mean()
    b_per_point = jnp.broadcast_to(b_s[:, None], t.shape)
    pred = a * t + b_per_point
    sc = scores * TAU
    weights = jnp.maximum(1.0 / (1.0 + jnp.exp(-1.0 * (scores - 0.5))), 0.1)
    wm = weights * maskf
    mse_loss = (((pred - sc) ** 2) * wm).sum() / wm.sum()
    total = (1.0 - LAMBDA_MSE) * nll + LAMBDA_MSE * mse_loss
    return (total, nll, mse_loss)

if __name__ == "__main__":
    import jax
    _d = setup_inputs()
    print(jax.jit(kernel)(*tuple(_d.values())))

</pallas_src>

<mosaic_0001>
#map = affine_map<(d0, d1) -> (0)>
module attributes {stable_mosaic.version = 14 : i64} {
  func.func @gather_kernel(%arg0: i32, %arg1: i32, %arg2: memref<819200xi32, #tpu.memory_space<hbm>>, %arg3: memref<1000000xf32, #tpu.memory_space<hbm>>, %arg4: memref<819200xf32, #tpu.memory_space<hbm>>, %arg5: memref<6400xi32, #tpu.memory_space<vmem>>, %arg6: memref<6400xi32, #tpu.memory_space<vmem>>, %arg7: memref<6400xf32, #tpu.memory_space<vmem>>, %arg8: memref<6400xf32, #tpu.memory_space<vmem>>, %arg9: memref<!tpu.dma_semaphore, #tpu.memory_space<semaphore_mem>>, %arg10: memref<!tpu.dma_semaphore, #tpu.memory_space<semaphore_mem>>, %arg11: memref<!tpu.dma_semaphore, #tpu.memory_space<semaphore_mem>>, %arg12: memref<!tpu.dma_semaphore, #tpu.memory_space<semaphore_mem>>, %arg13: memref<!tpu.dma_semaphore, #tpu.memory_space<semaphore_mem>>, %arg14: memref<!tpu.dma_semaphore, #tpu.memory_space<semaphore_mem>>) attributes {dimension_semantics = [#tpu.dimension_semantics<core_parallel>, #tpu.dimension_semantics<subcore_parallel>], iteration_bounds = array<i64: 2, 16>, scalar_prefetch = 0 : i64, scratch_operands = 10 : i64, tpu.core_type = #tpu.core_type<sc_vector_subcore>, window_params = [{transform_indices = #map}, {transform_indices = #map}, {transform_indices = #map}]} {
    %mul3A = arith.constant 2 : i32
    %mul3A_0 = arith.muli %arg1, %mul3A : i32
    %add3A = arith.addi %mul3A_0, %arg0 : i32
    %mul3A_1 = arith.constant 25600 : i32
    %mul3A_2 = arith.muli %add3A, %mul3A_1 : i32
    %add3A_3 = arith.constant 0 : i32
    %add3A_4 = arith.addi %mul3A_2, %add3A_3 : i32
    %dma_start3A = tpu.memref_slice %arg2[%add3A_4] : memref<819200xi32, #tpu.memory_space<hbm>> -> memref<6400xi32, #tpu.memory_space<hbm>>
    %dma_start3A_5 = tpu.memref_slice %arg2[%add3A_4] : memref<819200xi32, #tpu.memory_space<hbm>> -> memref<6400xi32, #tpu.memory_space<hbm>>
    tpu.enqueue_dma source(%dma_start3A_5 : memref<6400xi32, #tpu.memory_space<hbm>>) target(%arg5 : memref<6400xi32, #tpu.memory_space<vmem>>) target_semaphore(%arg9 : memref<!tpu.dma_semaphore, #tpu.memory_space<semaphore_mem>>)
    %scan3A = arith.constant 0 : i32
    %scan3A_6 = arith.constant 0 : i32
    %scan3A_7 = arith.constant 2 : i32
    %scan3A_8 = arith.addi %scan3A_6, %scan3A_7 : i32
    %scan3A_9 = arith.constant 1 : i32
    scf.for %scan3A_24 = %scan3A_6 to %scan3A_8 step %scan3A_9  : i32 {
      %mul3A_25 = arith.constant 2 : i32
      %mul3A_26 = arith.muli %mul3A_25, %scan3A_24 : i32
      %dma_wait3A_27 = arith.constant 0 : i32
      %dma_wait3A_28 = tpu.memref_slice %arg2[%dma_wait3A_27] : memref<819200xi32, #tpu.memory_space<hbm>> -> memref<6400xi32, #tpu.memory_space<hbm>>
      %dma_wait3A_29 = arith.constant 0 : i32
      %dma_wait3A_30 = tpu.memref_slice %arg2[%dma_wait3A_29] : memref<819200xi32, #tpu.memory_space<hbm>> -> memref<6400xi32, #tpu.memory_space<hbm>>
      tpu.wait_dma2 semaphore(%arg9 : memref<!tpu.dma_semaphore, #tpu.memory_space<semaphore_mem>>) src(%dma_wait3A_30 : memref<6400xi32, #tpu.memory_space<hbm>>) dst(%arg5 : memref<6400xi32, #tpu.memory_space<vmem>>)
      %ge3A = arith.constant 2 : i32
      %ge3A_31 = arith.cmpi sge, %mul3A_26, %ge3A : i32
      %convert_element_type3A = arith.extui %ge3A_31 : i1 to i32
      %cond3A = arith.constant 0 : i32
      %cond3A_32 = arith.cmpi ne, %convert_element_type3A, %cond3A : i32
      scf.if %cond3A_32 {
        %dma_wait3A_73 = arith.constant 0 : i32
        %dma_wait3A_74 = tpu.memref_slice %arg4[%dma_wait3A_73] : memref<819200xf32, #tpu.memory_space<hbm>> -> memref<6400xf32, #tpu.memory_space<hbm>>
        %dma_wait3A_75 = arith.constant 0 : i32
        %dma_wait3A_76 = tpu.memref_slice %arg4[%dma_wait3A_75] : memref<819200xf32, #tpu.memory_space<hbm>> -> memref<6400xf32, #tpu.memory_space<hbm>>
        tpu.wait_dma2 semaphore(%arg13 : memref<!tpu.dma_semaphore, #tpu.memory_space<semaphore_mem>>) src(%arg7 : memref<6400xf32, #tpu.memory_space<vmem>>) dst(%dma_wait3A_76 : memref<6400xf32, #tpu.memory_space<hbm>>)
      } else {
      }
      %dma_start3A_33 = arith.constant 0 : i32
      %dma_start3A_34 = tpu.memref_slice %arg3[%dma_start3A_33] : memref<1000000xf32, #tpu.memory_space<hbm>> -> memref<1000000xf32, #tpu.memory_space<hbm>>
      tpu.enqueue_indirect_dma source(%dma_start3A_34 : memref<1000000xf32, #tpu.memory_space<hbm>>) target(%arg7 : memref<6400xf32, #tpu.memory_space<vmem>>) offsets(%arg5 : memref<6400xi32, #tpu.memory_space<vmem>>) semaphore(%arg11 : memref<!tpu.dma_semaphore, #tpu.memory_space<semaphore_mem>>)
      %ge3A_35 = arith.constant 1 : i32
      %ge3A_36 = arith.cmpi sge, %mul3A_26, %ge3A_35 : i32
      %convert_element_type3A_37 = arith.extui %ge3A_36 : i1 to i32
      %cond3A_38 = arith.constant 0 : i32
      %cond3A_39 = arith.cmpi ne, %convert_element_type3A_37, %cond3A_38 : i32
      scf.if %cond3A_39 {
        %dma_wait3A_73 = arith.constant 0 : i32
        %dma_wait3A_74 = tpu.memref_slice %arg3[%dma_wait3A_73] : memref<1000000xf32, #tpu.memory_space<hbm>> -> memref<1000000xf32, #tpu.memory_space<hbm>>
        tpu.wait_indirect_dma semaphore(%arg12 : memref<!tpu.dma_semaphore, #tpu.memory_space<semaphore_mem>>) src(%dma_wait3A_74 : memref<1000000xf32, #tpu.memory_space<hbm>>) dst(%arg8 : memref<6400xf32, #tpu.memory_space<vmem>>)
        %sub3A = arith.constant 1 : i32
        %sub3A_75 = arith.subi %mul3A_26, %sub3A : i32
        %mul3A_76 = arith.constant 6400 : i32
        %mul3A_77 = arith.muli %sub3A_75, %mul3A_76 : i32
        %add3A_78 = arith.addi %mul3A_2, %mul3A_77 : i32
        %dma_start3A_79 = tpu.memref_slice %arg4[%add3A_78] : memref<819200xf32, #tpu.memory_space<hbm>> -> memref<6400xf32, #tpu.memory_space<hbm>>
        %dma_start3A_80 = tpu.memref_slice %arg4[%add3A_78] : memref<819200xf32, #tpu.memory_space<hbm>> -> memref<6400xf32, #tpu.memory_space<hbm>>
        tpu.enqueue_dma source(%arg8 : memref<6400xf32, #tpu.memory_space<vmem>>) target(%dma_start3A_80 : memref<6400xf32, #tpu.memory_space<hbm>>) target_semaphore(%arg14 : memref<!tpu.dma_semaphore, #tpu.memory_space<semaphore_mem>>)
      } else {
      }
      %add3A_40 = arith.constant 1 : i32
      %add3A_41 = arith.addi %mul3A_26, %add3A_40 : i32
      %lt3A = arith.constant 4 : i32
      %lt3A_42 = arith.cmpi slt, %add3A_41, %lt3A : i32
      %convert_element_type3A_43 = arith.extui %lt3A_42 : i1 to i32
      %cond3A_44 = arith.constant 0 : i32
      %cond3A_45 = arith.cmpi ne, %convert_element_type3A_43, %cond3A_44 : i32
      scf.if %cond3A_45 {
        %add3A_73 = arith.constant 1 : i32
        %add3A_74 = arith.addi %mul3A_26, %add3A_73 : i32
        %mul3A_75 = arith.constant 6400 : i32
        %mul3A_76 = arith.muli %add3A_74, %mul3A_75 : i32
        %add3A_77 = arith.addi %mul3A_2, %mul3A_76 : i32
        %dma_start3A_78 = tpu.memref_slice %arg2[%add3A_77] : memref<819200xi32, #tpu.memory_space<hbm>> -> memref<6400xi32, #tpu.memory_space<hbm>>
        %dma_start3A_79 = tpu.memref_slice %arg2[%add3A_77] : memref<819200xi32, #tpu.memory_space<hbm>> -> memref<6400xi32, #tpu.memory_space<hbm>>
        tpu.enqueue_dma source(%dma_start3A_79 : memref<6400xi32, #tpu.memory_space<hbm>>) target(%arg6 : memref<6400xi32, #tpu.memory_space<vmem>>) target_semaphore(%arg10 : memref<!tpu.dma_semaphore, #tpu.memory_space<semaphore_mem>>)
      } else {
      }
      %mul3A_46 = arith.constant 2 : i32
      %mul3A_47 = arith.muli %mul3A_46, %scan3A_24 : i32
      %add3A_48 = arith.constant 1 : i32
      %add3A_49 = arith.addi %mul3A_47, %add3A_48 : i32
      %dma_wait3A_50 = arith.constant 0 : i32
      %dma_wait3A_51 = tpu.memref_slice %arg2[%dma_wait3A_50] : memref<819200xi32, #tpu.memory_space<hbm>> -> memref<6400xi32, #tpu.memory_space<hbm>>
      %dma_wait3A_52 = arith.constant 0 : i32
      %dma_wait3A_53 = tpu.memref_slice %arg2[%dma_wait3A_52] : memref<819200xi32, #tpu.memory_space<hbm>> -> memref<6400xi32, #tpu.memory_space<hbm>>
      tpu.wait_dma2 semaphore(%arg10 : memref<!tpu.dma_semaphore, #tpu.memory_space<semaphore_mem>>) src(%dma_wait3A_53 : memref<6400xi32, #tpu.memory_space<hbm>>) dst(%arg6 : memref<6400xi32, #tpu.memory_space<vmem>>)
      %ge3A_54 = arith.constant 2 : i32
      %ge3A_55 = arith.cmpi sge, %add3A_49, %ge3A_54 : i32
      %convert_element_type3A_56 = arith.extui %ge3A_55 : i1 to i32
      %cond3A_57 = arith.constant 0 : i32
      %cond3A_58 = arith.cmpi ne, %convert_element_type3A_56, %cond3A_57 : i32
      scf.if %cond3A_58 {
        %dma_wait3A_73 = arith.constant 0 : i32
        %dma_wait3A_74 = tpu.memref_slice %arg4[%dma_wait3A_73] : memref<819200xf32, #tpu.memory_space<hbm>> -> memref<6400xf32, #tpu.memory_space<hbm>>
        %dma_wait3A_75 = arith.constant 0 : i32
        %dma_wait3A_76 = tpu.memref_slice %arg4[%dma_wait3A_75] : memref<819200xf32, #tpu.memory_space<hbm>> -> memref<6400xf32, #tpu.memory_space<hbm>>
        tpu.wait_dma2 semaphore(%arg14 : memref<!tpu.dma_semaphore, #tpu.memory_space<semaphore_mem>>) src(%arg8 : memref<6400xf32, #tpu.memory_space<vmem>>) dst(%dma_wait3A_76 : memref<6400xf32, #tpu.memory_space<hbm>>)
      } else {
      }
      %dma_start3A_59 = arith.constant 0 : i32
      %dma_start3A_60 = tpu.memref_slice %arg3[%dma_start3A_59] : memref<1000000xf32, #tpu.memory_space<hbm>> -> memref<1000000xf32, #tpu.memory_space<hbm>>
      tpu.enqueue_indirect_dma source(%dma_start3A_60 : memref<1000000xf32, #tpu.memory_space<hbm>>) target(%arg8 : memref<6400xf32, #tpu.memory_space<vmem>>) offsets(%arg6 : memref<6400xi32, #tpu.memory_space<vmem>>) semaphore(%arg12 : memref<!tpu.dma_semaphore, #tpu.memory_space<semaphore_mem>>)
      %ge3A_61 = arith.constant 1 : i32
      %ge3A_62 = arith.cmpi sge, %add3A_49, %ge3A_61 : i32
      %convert_element_type3A_63 = arith.extui %ge3A_62 : i1 to i32
      %cond3A_64 = arith.constant 0 : i32
      %cond3A_65 = arith.cmpi ne, %convert_element_type3A_63, %cond3A_64 : i32
      scf.if %cond3A_65 {
        %dma_wait3A_73 = arith.constant 0 : i32
        %dma_wait3A_74 = tpu.memref_slice %arg3[%dma_wait3A_73] : memref<1000000xf32, #tpu.memory_space<hbm>> -> memref<1000000xf32, #tpu.memory_space<hbm>>
        tpu.wait_indirect_dma semaphore(%arg11 : memref<!tpu.dma_semaphore, #tpu.memory_space<semaphore_mem>>) src(%dma_wait3A_74 : memref<1000000xf32, #tpu.memory_space<hbm>>) dst(%arg7 : memref<6400xf32, #tpu.memory_space<vmem>>)
        %sub3A = arith.constant 1 : i32
        %sub3A_75 = arith.subi %add3A_49, %sub3A : i32
        %mul3A_76 = arith.constant 6400 : i32
        %mul3A_77 = arith.muli %sub3A_75, %mul3A_76 : i32
        %add3A_78 = arith.addi %mul3A_2, %mul3A_77 : i32
        %dma_start3A_79 = tpu.memref_slice %arg4[%add3A_78] : memref<819200xf32, #tpu.memory_space<hbm>> -> memref<6400xf32, #tpu.memory_space<hbm>>
        %dma_start3A_80 = tpu.memref_slice %arg4[%add3A_78] : memref<819200xf32, #tpu.memory_space<hbm>> -> memref<6400xf32, #tpu.memory_space<hbm>>
        tpu.enqueue_dma source(%arg7 : memref<6400xf32, #tpu.memory_space<vmem>>) target(%dma_start3A_80 : memref<6400xf32, #tpu.memory_space<hbm>>) target_semaphore(%arg13 : memref<!tpu.dma_semaphore, #tpu.memory_space<semaphore_mem>>)
      } else {
      }
      %add3A_66 = arith.constant 1 : i32
      %add3A_67 = arith.addi %add3A_49, %add3A_66 : i32
      %lt3A_68 = arith.constant 4 : i32
      %lt3A_69 = arith.cmpi slt, %add3A_67, %lt3A_68 : i32
      %convert_element_type3A_70 = arith.extui %lt3A_69 : i1 to i32
      %cond3A_71 = arith.constant 0 : i32
      %cond3A_72 = arith.cmpi ne, %convert_element_type3A_70, %cond3A_71 : i32
      scf.if %cond3A_72 {
        %add3A_73 = arith.constant 1 : i32
        %add3A_74 = arith.addi %add3A_49, %add3A_73 : i32
        %mul3A_75 = arith.constant 6400 : i32
        %mul3A_76 = arith.muli %add3A_74, %mul3A_75 : i32
        %add3A_77 = arith.addi %mul3A_2, %mul3A_76 : i32
        %dma_start3A_78 = tpu.memref_slice %arg2[%add3A_77] : memref<819200xi32, #tpu.memory_space<hbm>> -> memref<6400xi32, #tpu.memory_space<hbm>>
        %dma_start3A_79 = tpu.memref_slice %arg2[%add3A_77] : memref<819200xi32, #tpu.memory_space<hbm>> -> memref<6400xi32, #tpu.memory_space<hbm>>
        tpu.enqueue_dma source(%dma_start3A_79 : memref<6400xi32, #tpu.memory_space<hbm>>) target(%arg5 : memref<6400xi32, #tpu.memory_space<vmem>>) target_semaphore(%arg9 : memref<!tpu.dma_semaphore, #tpu.memory_space<semaphore_mem>>)
      } else {
      }
    }
    %scan3A_10 = arith.constant 2 : i32
    %dma_wait3A = arith.constant 0 : i32
    %dma_wait3A_11 = tpu.memref_slice %arg3[%dma_wait3A] : memref<1000000xf32, #tpu.memory_space<hbm>> -> memref<1000000xf32, #tpu.memory_space<hbm>>
    tpu.wait_indirect_dma semaphore(%arg12 : memref<!tpu.dma_semaphore, #tpu.memory_space<semaphore_mem>>) src(%dma_wait3A_11 : memref<1000000xf32, #tpu.memory_space<hbm>>) dst(%arg8 : memref<6400xf32, #tpu.memory_space<vmem>>)
    %add3A_12 = arith.constant 19200 : i32
    %add3A_13 = arith.addi %mul3A_2, %add3A_12 : i32
    %dma_start3A_14 = tpu.memref_slice %arg4[%add3A_13] : memref<819200xf32, #tpu.memory_space<hbm>> -> memref<6400xf32, #tpu.memory_space<hbm>>
    %dma_start3A_15 = tpu.memref_slice %arg4[%add3A_13] : memref<819200xf32, #tpu.memory_space<hbm>> -> memref<6400xf32, #tpu.memory_space<hbm>>
    tpu.enqueue_dma source(%arg8 : memref<6400xf32, #tpu.memory_space<vmem>>) target(%dma_start3A_15 : memref<6400xf32, #tpu.memory_space<hbm>>) target_semaphore(%arg14 : memref<!tpu.dma_semaphore, #tpu.memory_space<semaphore_mem>>)
    %dma_wait3A_16 = arith.constant 0 : i32
    %dma_wait3A_17 = tpu.memref_slice %arg4[%dma_wait3A_16] : memref<819200xf32, #tpu.memory_space<hbm>> -> memref<6400xf32, #tpu.memory_space<hbm>>
    %dma_wait3A_18 = arith.constant 0 : i32
    %dma_wait3A_19 = tpu.memref_slice %arg4[%dma_wait3A_18] : memref<819200xf32, #tpu.memory_space<hbm>> -> memref<6400xf32, #tpu.memory_space<hbm>>
    tpu.wait_dma2 semaphore(%arg13 : memref<!tpu.dma_semaphore, #tpu.memory_space<semaphore_mem>>) src(%arg7 : memref<6400xf32, #tpu.memory_space<vmem>>) dst(%dma_wait3A_19 : memref<6400xf32, #tpu.memory_space<hbm>>)
    %dma_wait3A_20 = arith.constant 0 : i32
    %dma_wait3A_21 = tpu.memref_slice %arg4[%dma_wait3A_20] : memref<819200xf32, #tpu.memory_space<hbm>> -> memref<6400xf32, #tpu.memory_space<hbm>>
    %dma_wait3A_22 = arith.constant 0 : i32
    %dma_wait3A_23 = tpu.memref_slice %arg4[%dma_wait3A_22] : memref<819200xf32, #tpu.memory_space<hbm>> -> memref<6400xf32, #tpu.memory_space<hbm>>
    tpu.wait_dma2 semaphore(%arg14 : memref<!tpu.dma_semaphore, #tpu.memory_space<semaphore_mem>>) src(%arg8 : memref<6400xf32, #tpu.memory_space<vmem>>) dst(%dma_wait3A_23 : memref<6400xf32, #tpu.memory_space<hbm>>)
    return
  }
}

#map = affine_map<(d0, d1) -> (0)>
module attributes {stable_mosaic.version = 14 : i64} {
  func.func @gather_kernel(%arg0: i32, %arg1: i32, %arg2: memref<1024000xi32, #tpu.memory_space<hbm>>, %arg3: memref<1000000xf32, #tpu.memory_space<hbm>>, %arg4: memref<1024000xf32, #tpu.memory_space<hbm>>, %arg5: memref<3200xi32, #tpu.memory_space<vmem>>, %arg6: memref<3200xi32, #tpu.memory_space<vmem>>, %arg7: memref<3200xf32, #tpu.memory_space<vmem>>, %arg8: memref<3200xf32, #tpu.memory_space<vmem>>, %arg9: memref<!tpu.dma_semaphore, #tpu.memory_space<semaphore_mem>>, %arg10: memref<!tpu.dma_semaphore, #tpu.memory_space<semaphore_mem>>, %arg11: memref<!tpu.dma_semaphore, #tpu.memory_space<semaphore_mem>>, %arg12: memref<!tpu.dma_semaphore, #tpu.memory_space<semaphore_mem>>, %arg13: memref<!tpu.dma_semaphore, #tpu.memory_space<semaphore_mem>>, %arg14: memref<!tpu.dma_semaphore, #tpu.memory_space<semaphore_mem>>) attributes {dimension_semantics = [#tpu.dimension_semantics<core_parallel>, #tpu.dimension_semantics<subcore_parallel>], iteration_bounds = array<i64: 2, 16>, scalar_prefetch = 0 : i64, scratch_operands = 10 : i64, tpu.core_type = #tpu.core_type<sc_vector_subcore>, window_params = [{transform_indices = #map}, {transform_indices = #map}, {transform_indices = #map}]} {
    %mul3A = arith.constant 2 : i32
    %mul3A_0 = arith.muli %arg1, %mul3A : i32
    %add3A = arith.addi %mul3A_0, %arg0 : i32
    %mul3A_1 = arith.constant 32000 : i32
    %mul3A_2 = arith.muli %add3A, %mul3A_1 : i32
    %add3A_3 = arith.constant 0 : i32
    %add3A_4 = arith.addi %mul3A_2, %add3A_3 : i32
    %dma_start3A = tpu.memref_slice %arg2[%add3A_4] : memref<1024000xi32, #tpu.memory_space<hbm>> -> memref<3200xi32, #tpu.memory_space<hbm>>
    %dma_start3A_5 = tpu.memref_slice %arg2[%add3A_4] : memref<1024000xi32, #tpu.memory_space<hbm>> -> memref<3200xi32, #tpu.memory_space<hbm>>
    tpu.enqueue_dma source(%dma_start3A_5 : memref<3200xi32, #tpu.memory_space<hbm>>) target(%arg5 : memref<3200xi32, #tpu.memory_space<vmem>>) target_semaphore(%arg9 : memref<!tpu.dma_semaphore, #tpu.memory_space<semaphore_mem>>)
    %scan3A = arith.constant 0 : i32
    %scan3A_6 = arith.constant 0 : i32
    %scan3A_7 = arith.constant 5 : i32
    %scan3A_8 = arith.addi %scan3A_6, %scan3A_7 : i32
    %scan3A_9 = arith.constant 1 : i32
    scf.for %scan3A_24 = %scan3A_6 to %scan3A_8 step %scan3A_9  : i32 {
      %mul3A_25 = arith.constant 2 : i32
      %mul3A_26 = arith.muli %mul3A_25, %scan3A_24 : i32
      %dma_wait3A_27 = arith.constant 0 : i32
      %dma_wait3A_28 = tpu.memref_slice %arg2[%dma_wait3A_27] : memref<1024000xi32, #tpu.memory_space<hbm>> -> memref<3200xi32, #tpu.memory_space<hbm>>
      %dma_wait3A_29 = arith.constant 0 : i32
      %dma_wait3A_30 = tpu.memref_slice %arg2[%dma_wait3A_29] : memref<1024000xi32, #tpu.memory_space<hbm>> -> memref<3200xi32, #tpu.memory_space<hbm>>
      tpu.wait_dma2 semaphore(%arg9 : memref<!tpu.dma_semaphore, #tpu.memory_space<semaphore_mem>>) src(%dma_wait3A_30 : memref<3200xi32, #tpu.memory_space<hbm>>) dst(%arg5 : memref<3200xi32, #tpu.memory_space<vmem>>)
      %ge3A = arith.constant 2 : i32
      %ge3A_31 = arith.cmpi sge, %mul3A_26, %ge3A : i32
      %convert_element_type3A = arith.extui %ge3A_31 : i1 to i32
      %cond3A = arith.constant 0 : i32
      %cond3A_32 = arith.cmpi ne, %convert_element_type3A, %cond3A : i32
      scf.if %cond3A_32 {
        %dma_wait3A_73 = arith.constant 0 : i32
        %dma_wait3A_74 = tpu.memref_slice %arg4[%dma_wait3A_73] : memref<1024000xf32, #tpu.memory_space<hbm>> -> memref<3200xf32, #tpu.memory_space<hbm>>
        %dma_wait3A_75 = arith.constant 0 : i32
        %dma_wait3A_76 = tpu.memref_slice %arg4[%dma_wait3A_75] : memref<1024000xf32, #tpu.memory_space<hbm>> -> memref<3200xf32, #tpu.memory_space<hbm>>
        tpu.wait_dma2 semaphore(%arg13 : memref<!tpu.dma_semaphore, #tpu.memory_space<semaphore_mem>>) src(%arg7 : memref<3200xf32, #tpu.memory_space<vmem>>) dst(%dma_wait3A_76 : memref<3200xf32, #tpu.memory_space<hbm>>)
      } else {
      }
      %dma_start3A_33 = arith.constant 0 : i32
      %dma_start3A_34 = tpu.memref_slice %arg3[%dma_start3A_33] : memref<1000000xf32, #tpu.memory_space<hbm>> -> memref<1000000xf32, #tpu.memory_space<hbm>>
      tpu.enqueue_indirect_dma source(%dma_start3A_34 : memref<1000000xf32, #tpu.memory_space<hbm>>) target(%arg7 : memref<3200xf32, #tpu.memory_space<vmem>>) offsets(%arg5 : memref<3200xi32, #tpu.memory_space<vmem>>) semaphore(%arg11 : memref<!tpu.dma_semaphore, #tpu.memory_space<semaphore_mem>>)
      %ge3A_35 = arith.constant 1 : i32
      %ge3A_36 = arith.cmpi sge, %mul3A_26, %ge3A_35 : i32
      %convert_element_type3A_37 = arith.extui %ge3A_36 : i1 to i32
      %cond3A_38 = arith.constant 0 : i32
      %cond3A_39 = arith.cmpi ne, %convert_element_type3A_37, %cond3A_38 : i32
      scf.if %cond3A_39 {
        %dma_wait3A_73 = arith.constant 0 : i32
        %dma_wait3A_74 = tpu.memref_slice %arg3[%dma_wait3A_73] : memref<1000000xf32, #tpu.memory_space<hbm>> -> memref<1000000xf32, #tpu.memory_space<hbm>>
        tpu.wait_indirect_dma semaphore(%arg12 : memref<!tpu.dma_semaphore, #tpu.memory_space<semaphore_mem>>) src(%dma_wait3A_74 : memref<1000000xf32, #tpu.memory_space<hbm>>) dst(%arg8 : memref<3200xf32, #tpu.memory_space<vmem>>)
        %sub3A = arith.constant 1 : i32
        %sub3A_75 = arith.subi %mul3A_26, %sub3A : i32
        %mul3A_76 = arith.constant 3200 : i32
        %mul3A_77 = arith.muli %sub3A_75, %mul3A_76 : i32
        %add3A_78 = arith.addi %mul3A_2, %mul3A_77 : i32
        %dma_start3A_79 = tpu.memref_slice %arg4[%add3A_78] : memref<1024000xf32, #tpu.memory_space<hbm>> -> memref<3200xf32, #tpu.memory_space<hbm>>
        %dma_start3A_80 = tpu.memref_slice %arg4[%add3A_78] : memref<1024000xf32, #tpu.memory_space<hbm>> -> memref<3200xf32, #tpu.memory_space<hbm>>
        tpu.enqueue_dma source(%arg8 : memref<3200xf32, #tpu.memory_space<vmem>>) target(%dma_start3A_80 : memref<3200xf32, #tpu.memory_space<hbm>>) target_semaphore(%arg14 : memref<!tpu.dma_semaphore, #tpu.memory_space<semaphore_mem>>)
      } else {
      }
      %add3A_40 = arith.constant 1 : i32
      %add3A_41 = arith.addi %mul3A_26, %add3A_40 : i32
      %lt3A = arith.constant 10 : i32
      %lt3A_42 = arith.cmpi slt, %add3A_41, %lt3A : i32
      %convert_element_type3A_43 = arith.extui %lt3A_42 : i1 to i32
      %cond3A_44 = arith.constant 0 : i32
      %cond3A_45 = arith.cmpi ne, %convert_element_type3A_43, %cond3A_44 : i32
      scf.if %cond3A_45 {
        %add3A_73 = arith.constant 1 : i32
        %add3A_74 = arith.addi %mul3A_26, %add3A_73 : i32
        %mul3A_75 = arith.constant 3200 : i32
        %mul3A_76 = arith.muli %add3A_74, %mul3A_75 : i32
        %add3A_77 = arith.addi %mul3A_2, %mul3A_76 : i32
        %dma_start3A_78 = tpu.memref_slice %arg2[%add3A_77] : memref<1024000xi32, #tpu.memory_space<hbm>> -> memref<3200xi32, #tpu.memory_space<hbm>>
        %dma_start3A_79 = tpu.memref_slice %arg2[%add3A_77] : memref<1024000xi32, #tpu.memory_space<hbm>> -> memref<3200xi32, #tpu.memory_space<hbm>>
        tpu.enqueue_dma source(%dma_start3A_79 : memref<3200xi32, #tpu.memory_space<hbm>>) target(%arg6 : memref<3200xi32, #tpu.memory_space<vmem>>) target_semaphore(%arg10 : memref<!tpu.dma_semaphore, #tpu.memory_space<semaphore_mem>>)
      } else {
      }
      %mul3A_46 = arith.constant 2 : i32
      %mul3A_47 = arith.muli %mul3A_46, %scan3A_24 : i32
      %add3A_48 = arith.constant 1 : i32
      %add3A_49 = arith.addi %mul3A_47, %add3A_48 : i32
      %dma_wait3A_50 = arith.constant 0 : i32
      %dma_wait3A_51 = tpu.memref_slice %arg2[%dma_wait3A_50] : memref<1024000xi32, #tpu.memory_space<hbm>> -> memref<3200xi32, #tpu.memory_space<hbm>>
      %dma_wait3A_52 = arith.constant 0 : i32
      %dma_wait3A_53 = tpu.memref_slice %arg2[%dma_wait3A_52] : memref<1024000xi32, #tpu.memory_space<hbm>> -> memref<3200xi32, #tpu.memory_space<hbm>>
      tpu.wait_dma2 semaphore(%arg10 : memref<!tpu.dma_semaphore, #tpu.memory_space<semaphore_mem>>) src(%dma_wait3A_53 : memref<3200xi32, #tpu.memory_space<hbm>>) dst(%arg6 : memref<3200xi32, #tpu.memory_space<vmem>>)
      %ge3A_54 = arith.constant 2 : i32
      %ge3A_55 = arith.cmpi sge, %add3A_49, %ge3A_54 : i32
      %convert_element_type3A_56 = arith.extui %ge3A_55 : i1 to i32
      %cond3A_57 = arith.constant 0 : i32
      %cond3A_58 = arith.cmpi ne, %convert_element_type3A_56, %cond3A_57 : i32
      scf.if %cond3A_58 {
        %dma_wait3A_73 = arith.constant 0 : i32
        %dma_wait3A_74 = tpu.memref_slice %arg4[%dma_wait3A_73] : memref<1024000xf32, #tpu.memory_space<hbm>> -> memref<3200xf32, #tpu.memory_space<hbm>>
        %dma_wait3A_75 = arith.constant 0 : i32
        %dma_wait3A_76 = tpu.memref_slice %arg4[%dma_wait3A_75] : memref<1024000xf32, #tpu.memory_space<hbm>> -> memref<3200xf32, #tpu.memory_space<hbm>>
        tpu.wait_dma2 semaphore(%arg14 : memref<!tpu.dma_semaphore, #tpu.memory_space<semaphore_mem>>) src(%arg8 : memref<3200xf32, #tpu.memory_space<vmem>>) dst(%dma_wait3A_76 : memref<3200xf32, #tpu.memory_space<hbm>>)
      } else {
      }
      %dma_start3A_59 = arith.constant 0 : i32
      %dma_start3A_60 = tpu.memref_slice %arg3[%dma_start3A_59] : memref<1000000xf32, #tpu.memory_space<hbm>> -> memref<1000000xf32, #tpu.memory_space<hbm>>
      tpu.enqueue_indirect_dma source(%dma_start3A_60 : memref<1000000xf32, #tpu.memory_space<hbm>>) target(%arg8 : memref<3200xf32, #tpu.memory_space<vmem>>) offsets(%arg6 : memref<3200xi32, #tpu.memory_space<vmem>>) semaphore(%arg12 : memref<!tpu.dma_semaphore, #tpu.memory_space<semaphore_mem>>)
      %ge3A_61 = arith.constant 1 : i32
      %ge3A_62 = arith.cmpi sge, %add3A_49, %ge3A_61 : i32
      %convert_element_type3A_63 = arith.extui %ge3A_62 : i1 to i32
      %cond3A_64 = arith.constant 0 : i32
      %cond3A_65 = arith.cmpi ne, %convert_element_type3A_63, %cond3A_64 : i32
      scf.if %cond3A_65 {
        %dma_wait3A_73 = arith.constant 0 : i32
        %dma_wait3A_74 = tpu.memref_slice %arg3[%dma_wait3A_73] : memref<1000000xf32, #tpu.memory_space<hbm>> -> memref<1000000xf32, #tpu.memory_space<hbm>>
        tpu.wait_indirect_dma semaphore(%arg11 : memref<!tpu.dma_semaphore, #tpu.memory_space<semaphore_mem>>) src(%dma_wait3A_74 : memref<1000000xf32, #tpu.memory_space<hbm>>) dst(%arg7 : memref<3200xf32, #tpu.memory_space<vmem>>)
        %sub3A = arith.constant 1 : i32
        %sub3A_75 = arith.subi %add3A_49, %sub3A : i32
        %mul3A_76 = arith.constant 3200 : i32
        %mul3A_77 = arith.muli %sub3A_75, %mul3A_76 : i32
        %add3A_78 = arith.addi %mul3A_2, %mul3A_77 : i32
        %dma_start3A_79 = tpu.memref_slice %arg4[%add3A_78] : memref<1024000xf32, #tpu.memory_space<hbm>> -> memref<3200xf32, #tpu.memory_space<hbm>>
        %dma_start3A_80 = tpu.memref_slice %arg4[%add3A_78] : memref<1024000xf32, #tpu.memory_space<hbm>> -> memref<3200xf32, #tpu.memory_space<hbm>>
        tpu.enqueue_dma source(%arg7 : memref<3200xf32, #tpu.memory_space<vmem>>) target(%dma_start3A_80 : memref<3200xf32, #tpu.memory_space<hbm>>) target_semaphore(%arg13 : memref<!tpu.dma_semaphore, #tpu.memory_space<semaphore_mem>>)
      } else {
      }
      %add3A_66 = arith.constant 1 : i32
      %add3A_67 = arith.addi %add3A_49, %add3A_66 : i32
      %lt3A_68 = arith.constant 10 : i32
      %lt3A_69 = arith.cmpi slt, %add3A_67, %lt3A_68 : i32
      %convert_element_type3A_70 = arith.extui %lt3A_69 : i1 to i32
      %cond3A_71 = arith.constant 0 : i32
      %cond3A_72 = arith.cmpi ne, %convert_element_type3A_70, %cond3A_71 : i32
      scf.if %cond3A_72 {
        %add3A_73 = arith.constant 1 : i32
        %add3A_74 = arith.addi %add3A_49, %add3A_73 : i32
        %mul3A_75 = arith.constant 3200 : i32
        %mul3A_76 = arith.muli %add3A_74, %mul3A_75 : i32
        %add3A_77 = arith.addi %mul3A_2, %mul3A_76 : i32
        %dma_start3A_78 = tpu.memref_slice %arg2[%add3A_77] : memref<1024000xi32, #tpu.memory_space<hbm>> -> memref<3200xi32, #tpu.memory_space<hbm>>
        %dma_start3A_79 = tpu.memref_slice %arg2[%add3A_77] : memref<1024000xi32, #tpu.memory_space<hbm>> -> memref<3200xi32, #tpu.memory_space<hbm>>
        tpu.enqueue_dma source(%dma_start3A_79 : memref<3200xi32, #tpu.memory_space<hbm>>) target(%arg5 : memref<3200xi32, #tpu.memory_space<vmem>>) target_semaphore(%arg9 : memref<!tpu.dma_semaphore, #tpu.memory_space<semaphore_mem>>)
      } else {
      }
    }
    %scan3A_10 = arith.constant 5 : i32
    %dma_wait3A = arith.constant 0 : i32
    %dma_wait3A_11 = tpu.memref_slice %arg3[%dma_wait3A] : memref<1000000xf32, #tpu.memory_space<hbm>> -> memref<1000000xf32, #tpu.memory_space<hbm>>
    tpu.wait_indirect_dma semaphore(%arg12 : memref<!tpu.dma_semaphore, #tpu.memory_space<semaphore_mem>>) src(%dma_wait3A_11 : memref<1000000xf32, #tpu.memory_space<hbm>>) dst(%arg8 : memref<3200xf32, #tpu.memory_space<vmem>>)
    %add3A_12 = arith.constant 28800 : i32
    %add3A_13 = arith.addi %mul3A_2, %add3A_12 : i32
    %dma_start3A_14 = tpu.memref_slice %arg4[%add3A_13] : memref<1024000xf32, #tpu.memory_space<hbm>> -> memref<3200xf32, #tpu.memory_space<hbm>>
    %dma_start3A_15 = tpu.memref_slice %arg4[%add3A_13] : memref<1024000xf32, #tpu.memory_space<hbm>> -> memref<3200xf32, #tpu.memory_space<hbm>>
    tpu.enqueue_dma source(%arg8 : memref<3200xf32, #tpu.memory_space<vmem>>) target(%dma_start3A_15 : memref<3200xf32, #tpu.memory_space<hbm>>) target_semaphore(%arg14 : memref<!tpu.dma_semaphore, #tpu.memory_space<semaphore_mem>>)
    %dma_wait3A_16 = arith.constant 0 : i32
    %dma_wait3A_17 = tpu.memref_slice %arg4[%dma_wait3A_16] : memref<1024000xf32, #tpu.memory_space<hbm>> -> memref<3200xf32, #tpu.memory_space<hbm>>
    %dma_wait3A_18 = arith.constant 0 : i32
    %dma_wait3A_19 = tpu.memref_slice %arg4[%dma_wait3A_18] : memref<1024000xf32, #tpu.memory_space<hbm>> -> memref<3200xf32, #tpu.memory_space<hbm>>
    tpu.wait_dma2 semaphore(%arg13 : memref<!tpu.dma_semaphore, #tpu.memory_space<semaphore_mem>>) src(%arg7 : memref<3200xf32, #tpu.memory_space<vmem>>) dst(%dma_wait3A_19 : memref<3200xf32, #tpu.memory_space<hbm>>)
    %dma_wait3A_20 = arith.constant 0 : i32
    %dma_wait3A_21 = tpu.memref_slice %arg4[%dma_wait3A_20] : memref<1024000xf32, #tpu.memory_space<hbm>> -> memref<3200xf32, #tpu.memory_space<hbm>>
    %dma_wait3A_22 = arith.constant 0 : i32
    %dma_wait3A_23 = tpu.memref_slice %arg4[%dma_wait3A_22] : memref<1024000xf32, #tpu.memory_space<hbm>> -> memref<3200xf32, #tpu.memory_space<hbm>>
    tpu.wait_dma2 semaphore(%arg14 : memref<!tpu.dma_semaphore, #tpu.memory_space<semaphore_mem>>) src(%arg8 : memref<3200xf32, #tpu.memory_space<vmem>>) dst(%dma_wait3A_23 : memref<3200xf32, #tpu.memory_space<hbm>>)
    return
  }
}

#map = affine_map<(d0, d1) -> (0)>
module attributes {stable_mosaic.version = 14 : i64} {
  func.func @gather_kernel(%arg0: i32, %arg1: i32, %arg2: memref<1024000xi32, #tpu.memory_space<hbm>>, %arg3: memref<1000000xf32, #tpu.memory_space<hbm>>, %arg4: memref<1024000xf32, #tpu.memory_space<hbm>>, %arg5: memref<3200xi32, #tpu.memory_space<vmem>>, %arg6: memref<3200xi32, #tpu.memory_space<vmem>>, %arg7: memref<3200xf32, #tpu.memory_space<vmem>>, %arg8: memref<3200xf32, #tpu.memory_space<vmem>>, %arg9: memref<!tpu.dma_semaphore, #tpu.memory_space<semaphore_mem>>, %arg10: memref<!tpu.dma_semaphore, #tpu.memory_space<semaphore_mem>>, %arg11: memref<!tpu.dma_semaphore, #tpu.memory_space<semaphore_mem>>, %arg12: memref<!tpu.dma_semaphore, #tpu.memory_space<semaphore_mem>>, %arg13: memref<!tpu.dma_semaphore, #tpu.memory_space<semaphore_mem>>, %arg14: memref<!tpu.dma_semaphore, #tpu.memory_space<semaphore_mem>>) attributes {dimension_semantics = [#tpu.dimension_semantics<core_parallel>, #tpu.dimension_semantics<subcore_parallel>], iteration_bounds = array<i64: 2, 16>, scalar_prefetch = 0 : i64, scratch_operands = 10 : i64, tpu.core_type = #tpu.core_type<sc_vector_subcore>, window_params = [{transform_indices = #map}, {transform_indices = #map}, {transform_indices = #map}]} {
    %mul3A = arith.constant 2 : i32
    %mul3A_0 = arith.muli %arg1, %mul3A : i32
    %add3A = arith.addi %mul3A_0, %arg0 : i32
    %mul3A_1 = arith.constant 32000 : i32
    %mul3A_2 = arith.muli %add3A, %mul3A_1 : i32
    %add3A_3 = arith.constant 0 : i32
    %add3A_4 = arith.addi %mul3A_2, %add3A_3 : i32
    %dma_start3A = tpu.memref_slice %arg2[%add3A_4] : memref<1024000xi32, #tpu.memory_space<hbm>> -> memref<3200xi32, #tpu.memory_space<hbm>>
    %dma_start3A_5 = tpu.memref_slice %arg2[%add3A_4] : memref<1024000xi32, #tpu.memory_space<hbm>> -> memref<3200xi32, #tpu.memory_space<hbm>>
    tpu.enqueue_dma source(%dma_start3A_5 : memref<3200xi32, #tpu.memory_space<hbm>>) target(%arg5 : memref<3200xi32, #tpu.memory_space<vmem>>) target_semaphore(%arg9 : memref<!tpu.dma_semaphore, #tpu.memory_space<semaphore_mem>>)
    %scan3A = arith.constant 0 : i32
    %scan3A_6 = arith.constant 0 : i32
    %scan3A_7 = arith.constant 5 : i32
    %scan3A_8 = arith.addi %scan3A_6, %scan3A_7 : i32
    %scan3A_9 = arith.constant 1 : i32
    scf.for %scan3A_24 = %scan3A_6 to %scan3A_8 step %scan3A_9  : i32 {
      %mul3A_25 = arith.constant 2 : i32
      %mul3A_26 = arith.muli %mul3A_25, %scan3A_24 : i32
      %dma_wait3A_27 = arith.constant 0 : i32
      %dma_wait3A_28 = tpu.memref_slice %arg2[%dma_wait3A_27] : memref<1024000xi32, #tpu.memory_space<hbm>> -> memref<3200xi32, #tpu.memory_space<hbm>>
      %dma_wait3A_29 = arith.constant 0 : i32
      %dma_wait3A_30 = tpu.memref_slice %arg2[%dma_wait3A_29] : memref<1024000xi32, #tpu.memory_space<hbm>> -> memref<3200xi32, #tpu.memory_space<hbm>>
      tpu.wait_dma2 semaphore(%arg9 : memref<!tpu.dma_semaphore, #tpu.memory_space<semaphore_mem>>) src(%dma_wait3A_30 : memref<3200xi32, #tpu.memory_space<hbm>>) dst(%arg5 : memref<3200xi32, #tpu.memory_space<vmem>>)
      %ge3A = arith.constant 2 : i32
      %ge3A_31 = arith.cmpi sge, %mul3A_26, %ge3A : i32
      %convert_element_type3A = arith.extui %ge3A_31 : i1 to i32
      %cond3A = arith.constant 0 : i32
      %cond3A_32 = arith.cmpi ne, %convert_element_type3A, %cond3A : i32
      scf.if %cond3A_32 {
        %dma_wait3A_73 = arith.constant 0 : i32
        %dma_wait3A_74 = tpu.memref_slice %arg4[%dma_wait3A_73] : memref<1024000xf32, #tpu.memory_space<hbm>> -> memref<3200xf32, #tpu.memory_space<hbm>>
        %dma_wait3A_75 = arith.constant 0 : i32
        %dma_wait3A_76 = tpu.memref_slice %arg4[%dma_wait3A_75] : memref<1024000xf32, #tpu.memory_space<hbm>> -> memref<3200xf32, #tpu.memory_space<hbm>>
        tpu.wait_dma2 semaphore(%arg13 : memref<!tpu.dma_semaphore, #tpu.memory_space<semaphore_mem>>) src(%arg7 : memref<3200xf32, #tpu.memory_space<vmem>>) dst(%dma_wait3A_76 : memref<3200xf32, #tpu.memory_space<hbm>>)
      } else {
      }
      %dma_start3A_33 = arith.constant 0 : i32
      %dma_start3A_34 = tpu.memref_slice %arg3[%dma_start3A_33] : memref<1000000xf32, #tpu.memory_space<hbm>> -> memref<1000000xf32, #tpu.memory_space<hbm>>
      tpu.enqueue_indirect_dma source(%dma_start3A_34 : memref<1000000xf32, #tpu.memory_space<hbm>>) target(%arg7 : memref<3200xf32, #tpu.memory_space<vmem>>) offsets(%arg5 : memref<3200xi32, #tpu.memory_space<vmem>>) semaphore(%arg11 : memref<!tpu.dma_semaphore, #tpu.memory_space<semaphore_mem>>)
      %ge3A_35 = arith.constant 1 : i32
      %ge3A_36 = arith.cmpi sge, %mul3A_26, %ge3A_35 : i32
      %convert_element_type3A_37 = arith.extui %ge3A_36 : i1 to i32
      %cond3A_38 = arith.constant 0 : i32
      %cond3A_39 = arith.cmpi ne, %convert_element_type3A_37, %cond3A_38 : i32
      scf.if %cond3A_39 {
        %dma_wait3A_73 = arith.constant 0 : i32
        %dma_wait3A_74 = tpu.memref_slice %arg3[%dma_wait3A_73] : memref<1000000xf32, #tpu.memory_space<hbm>> -> memref<1000000xf32, #tpu.memory_space<hbm>>
        tpu.wait_indirect_dma semaphore(%arg12 : memref<!tpu.dma_semaphore, #tpu.memory_space<semaphore_mem>>) src(%dma_wait3A_74 : memref<1000000xf32, #tpu.memory_space<hbm>>) dst(%arg8 : memref<3200xf32, #tpu.memory_space<vmem>>)
        %sub3A = arith.constant 1 : i32
        %sub3A_75 = arith.subi %mul3A_26, %sub3A : i32
        %mul3A_76 = arith.constant 3200 : i32
        %mul3A_77 = arith.muli %sub3A_75, %mul3A_76 : i32
        %add3A_78 = arith.addi %mul3A_2, %mul3A_77 : i32
        %dma_start3A_79 = tpu.memref_slice %arg4[%add3A_78] : memref<1024000xf32, #tpu.memory_space<hbm>> -> memref<3200xf32, #tpu.memory_space<hbm>>
        %dma_start3A_80 = tpu.memref_slice %arg4[%add3A_78] : memref<1024000xf32, #tpu.memory_space<hbm>> -> memref<3200xf32, #tpu.memory_space<hbm>>
        tpu.enqueue_dma source(%arg8 : memref<3200xf32, #tpu.memory_space<vmem>>) target(%dma_start3A_80 : memref<3200xf32, #tpu.memory_space<hbm>>) target_semaphore(%arg14 : memref<!tpu.dma_semaphore, #tpu.memory_space<semaphore_mem>>)
      } else {
      }
      %add3A_40 = arith.constant 1 : i32
      %add3A_41 = arith.addi %mul3A_26, %add3A_40 : i32
      %lt3A = arith.constant 10 : i32
      %lt3A_42 = arith.cmpi slt, %add3A_41, %lt3A : i32
      %convert_element_type3A_43 = arith.extui %lt3A_42 : i1 to i32
      %cond3A_44 = arith.constant 0 : i32
      %cond3A_45 = arith.cmpi ne, %convert_element_type3A_43, %cond3A_44 : i32
      scf.if %cond3A_45 {
        %add3A_73 = arith.constant 1 : i32
        %add3A_74 = arith.addi %mul3A_26, %add3A_73 : i32
        %mul3A_75 = arith.constant 3200 : i32
        %mul3A_76 = arith.muli %add3A_74, %mul3A_75 : i32
        %add3A_77 = arith.addi %mul3A_2, %mul3A_76 : i32
        %dma_start3A_78 = tpu.memref_slice %arg2[%add3A_77] : memref<1024000xi32, #tpu.memory_space<hbm>> -> memref<3200xi32, #tpu.memory_space<hbm>>
        %dma_start3A_79 = tpu.memref_slice %arg2[%add3A_77] : memref<1024000xi32, #tpu.memory_space<hbm>> -> memref<3200xi32, #tpu.memory_space<hbm>>
        tpu.enqueue_dma source(%dma_start3A_79 : memref<3200xi32, #tpu.memory_space<hbm>>) target(%arg6 : memref<3200xi32, #tpu.memory_space<vmem>>) target_semaphore(%arg10 : memref<!tpu.dma_semaphore, #tpu.memory_space<semaphore_mem>>)
      } else {
      }
      %mul3A_46 = arith.constant 2 : i32
      %mul3A_47 = arith.muli %mul3A_46, %scan3A_24 : i32
      %add3A_48 = arith.constant 1 : i32
      %add3A_49 = arith.addi %mul3A_47, %add3A_48 : i32
      %dma_wait3A_50 = arith.constant 0 : i32
      %dma_wait3A_51 = tpu.memref_slice %arg2[%dma_wait3A_50] : memref<1024000xi32, #tpu.memory_space<hbm>> -> memref<3200xi32, #tpu.memory_space<hbm>>
      %dma_wait3A_52 = arith.constant 0 : i32
      %dma_wait3A_53 = tpu.memref_slice %arg2[%dma_wait3A_52] : memref<1024000xi32, #tpu.memory_space<hbm>> -> memref<3200xi32, #tpu.memory_space<hbm>>
      tpu.wait_dma2 semaphore(%arg10 : memref<!tpu.dma_semaphore, #tpu.memory_space<semaphore_mem>>) src(%dma_wait3A_53 : memref<3200xi32, #tpu.memory_space<hbm>>) dst(%arg6 : memref<3200xi32, #tpu.memory_space<vmem>>)
      %ge3A_54 = arith.constant 2 : i32
      %ge3A_55 = arith.cmpi sge, %add3A_49, %ge3A_54 : i32
      %convert_element_type3A_56 = arith.extui %ge3A_55 : i1 to i32
      %cond3A_57 = arith.constant 0 : i32
      %cond3A_58 = arith.cmpi ne, %convert_element_type3A_56, %cond3A_57 : i32
      scf.if %cond3A_58 {
        %dma_wait3A_73 = arith.constant 0 : i32
        %dma_wait3A_74 = tpu.memref_slice %arg4[%dma_wait3A_73] : memref<1024000xf32, #tpu.memory_space<hbm>> -> memref<3200xf32, #tpu.memory_space<hbm>>
        %dma_wait3A_75 = arith.constant 0 : i32
        %dma_wait3A_76 = tpu.memref_slice %arg4[%dma_wait3A_75] : memref<1024000xf32, #tpu.memory_space<hbm>> -> memref<3200xf32, #tpu.memory_space<hbm>>
        tpu.wait_dma2 semaphore(%arg14 : memref<!tpu.dma_semaphore, #tpu.memory_space<semaphore_mem>>) src(%arg8 : memref<3200xf32, #tpu.memory_space<vmem>>) dst(%dma_wait3A_76 : memref<3200xf32, #tpu.memory_space<hbm>>)
      } else {
      }
      %dma_start3A_59 = arith.constant 0 : i32
      %dma_start3A_60 = tpu.memref_slice %arg3[%dma_start3A_59] : memref<1000000xf32, #tpu.memory_space<hbm>> -> memref<1000000xf32, #tpu.memory_space<hbm>>
      tpu.enqueue_indirect_dma source(%dma_start3A_60 : memref<1000000xf32, #tpu.memory_space<hbm>>) target(%arg8 : memref<3200xf32, #tpu.memory_space<vmem>>) offsets(%arg6 : memref<3200xi32, #tpu.memory_space<vmem>>) semaphore(%arg12 : memref<!tpu.dma_semaphore, #tpu.memory_space<semaphore_mem>>)
      %ge3A_61 = arith.constant 1 : i32
      %ge3A_62 = arith.cmpi sge, %add3A_49, %ge3A_61 : i32
      %convert_element_type3A_63 = arith.extui %ge3A_62 : i1 to i32
      %cond3A_64 = arith.constant 0 : i32
      %cond3A_65 = arith.cmpi ne, %convert_element_type3A_63, %cond3A_64 : i32
      scf.if %cond3A_65 {
        %dma_wait3A_73 = arith.constant 0 : i32
        %dma_wait3A_74 = tpu.memref_slice %arg3[%dma_wait3A_73] : memref<1000000xf32, #tpu.memory_space<hbm>> -> memref<1000000xf32, #tpu.memory_space<hbm>>
        tpu.wait_indirect_dma semaphore(%arg11 : memref<!tpu.dma_semaphore, #tpu.memory_space<semaphore_mem>>) src(%dma_wait3A_74 : memref<1000000xf32, #tpu.memory_space<hbm>>) dst(%arg7 : memref<3200xf32, #tpu.memory_space<vmem>>)
        %sub3A = arith.constant 1 : i32
        %sub3A_75 = arith.subi %add3A_49, %sub3A : i32
        %mul3A_76 = arith.constant 3200 : i32
        %mul3A_77 = arith.muli %sub3A_75, %mul3A_76 : i32
        %add3A_78 = arith.addi %mul3A_2, %mul3A_77 : i32
        %dma_start3A_79 = tpu.memref_slice %arg4[%add3A_78] : memref<1024000xf32, #tpu.memory_space<hbm>> -> memref<3200xf32, #tpu.memory_space<hbm>>
        %dma_start3A_80 = tpu.memref_slice %arg4[%add3A_78] : memref<1024000xf32, #tpu.memory_space<hbm>> -> memref<3200xf32, #tpu.memory_space<hbm>>
        tpu.enqueue_dma source(%arg7 : memref<3200xf32, #tpu.memory_space<vmem>>) target(%dma_start3A_80 : memref<3200xf32, #tpu.memory_space<hbm>>) target_semaphore(%arg13 : memref<!tpu.dma_semaphore, #tpu.memory_space<semaphore_mem>>)
      } else {
      }
      %add3A_66 = arith.constant 1 : i32
      %add3A_67 = arith.addi %add3A_49, %add3A_66 : i32
      %lt3A_68 = arith.constant 10 : i32
      %lt3A_69 = arith.cmpi slt, %add3A_67, %lt3A_68 : i32
      %convert_element_type3A_70 = arith.extui %lt3A_69 : i1 to i32
      %cond3A_71 = arith.constant 0 : i32
      %cond3A_72 = arith.cmpi ne, %convert_element_type3A_70, %cond3A_71 : i32
      scf.if %cond3A_72 {
        %add3A_73 = arith.constant 1 : i32
        %add3A_74 = arith.addi %add3A_49, %add3A_73 : i32
        %mul3A_75 = arith.constant 3200 : i32
        %mul3A_76 = arith.muli %add3A_74, %mul3A_75 : i32
        %add3A_77 = arith.addi %mul3A_2, %mul3A_76 : i32
        %dma_start3A_78 = tpu.memref_slice %arg2[%add3A_77] : memref<1024000xi32, #tpu.memory_space<hbm>> -> memref<3200xi32, #tpu.memory_space<hbm>>
        %dma_start3A_79 = tpu.memref_slice %arg2[%add3A_77] : memref<1024000xi32, #tpu.memory_space<hbm>> -> memref<3200xi32, #tpu.memory_space<hbm>>
        tpu.enqueue_dma source(%dma_start3A_79 : memref<3200xi32, #tpu.memory_space<hbm>>) target(%arg5 : memref<3200xi32, #tpu.memory_space<vmem>>) target_semaphore(%arg9 : memref<!tpu.dma_semaphore, #tpu.memory_space<semaphore_mem>>)
      } else {
      }
    }
    %scan3A_10 = arith.constant 5 : i32
    %dma_wait3A = arith.constant 0 : i32
    %dma_wait3A_11 = tpu.memref_slice %arg3[%dma_wait3A] : memref<1000000xf32, #tpu.memory_space<hbm>> -> memref<1000000xf32, #tpu.memory_space<hbm>>
    tpu.wait_indirect_dma semaphore(%arg12 : memref<!tpu.dma_semaphore, #tpu.memory_space<semaphore_mem>>) src(%dma_wait3A_11 : memref<1000000xf32, #tpu.memory_space<hbm>>) dst(%arg8 : memref<3200xf32, #tpu.memory_space<vmem>>)
    %add3A_12 = arith.constant 28800 : i32
    %add3A_13 = arith.addi %mul3A_2, %add3A_12 : i32
    %dma_start3A_14 = tpu.memref_slice %arg4[%add3A_13] : memref<1024000xf32, #tpu.memory_space<hbm>> -> memref<3200xf32, #tpu.memory_space<hbm>>
    %dma_start3A_15 = tpu.memref_slice %arg4[%add3A_13] : memref<1024000xf32, #tpu.memory_space<hbm>> -> memref<3200xf32, #tpu.memory_space<hbm>>
    tpu.enqueue_dma source(%arg8 : memref<3200xf32, #tpu.memory_space<vmem>>) target(%dma_start3A_15 : memref<3200xf32, #tpu.memory_space<hbm>>) target_semaphore(%arg14 : memref<!tpu.dma_semaphore, #tpu.memory_space<semaphore_mem>>)
    %dma_wait3A_16 = arith.constant 0 : i32
    %dma_wait3A_17 = tpu.memref_slice %arg4[%dma_wait3A_16] : memref<1024000xf32, #tpu.memory_space<hbm>> -> memref<3200xf32, #tpu.memory_space<hbm>>
    %dma_wait3A_18 = arith.constant 0 : i32
    %dma_wait3A_19 = tpu.memref_slice %arg4[%dma_wait3A_18] : memref<1024000xf32, #tpu.memory_space<hbm>> -> memref<3200xf32, #tpu.memory_space<hbm>>
    tpu.wait_dma2 semaphore(%arg13 : memref<!tpu.dma_semaphore, #tpu.memory_space<semaphore_mem>>) src(%arg7 : memref<3200xf32, #tpu.memory_space<vmem>>) dst(%dma_wait3A_19 : memref<3200xf32, #tpu.memory_space<hbm>>)
    %dma_wait3A_20 = arith.constant 0 : i32
    %dma_wait3A_21 = tpu.memref_slice %arg4[%dma_wait3A_20] : memref<1024000xf32, #tpu.memory_space<hbm>> -> memref<3200xf32, #tpu.memory_space<hbm>>
    %dma_wait3A_22 = arith.constant 0 : i32
    %dma_wait3A_23 = tpu.memref_slice %arg4[%dma_wait3A_22] : memref<1024000xf32, #tpu.memory_space<hbm>> -> memref<3200xf32, #tpu.memory_space<hbm>>
    tpu.wait_dma2 semaphore(%arg14 : memref<!tpu.dma_semaphore, #tpu.memory_space<semaphore_mem>>) src(%arg8 : memref<3200xf32, #tpu.memory_space<vmem>>) dst(%dma_wait3A_23 : memref<3200xf32, #tpu.memory_space<hbm>>)
    return
  }
}

#map = affine_map<(d0, d1) -> (0)>
module attributes {stable_mosaic.version = 14 : i64} {
  func.func @gather_kernel(%arg0: i32, %arg1: i32, %arg2: memref<204800xi32, #tpu.memory_space<hbm>>, %arg3: memref<1000000xf32, #tpu.memory_space<hbm>>, %arg4: memref<204800xf32, #tpu.memory_space<hbm>>, %arg5: memref<3200xi32, #tpu.memory_space<vmem>>, %arg6: memref<3200xi32, #tpu.memory_space<vmem>>, %arg7: memref<3200xf32, #tpu.memory_space<vmem>>, %arg8: memref<3200xf32, #tpu.memory_space<vmem>>, %arg9: memref<!tpu.dma_semaphore, #tpu.memory_space<semaphore_mem>>, %arg10: memref<!tpu.dma_semaphore, #tpu.memory_space<semaphore_mem>>, %arg11: memref<!tpu.dma_semaphore, #tpu.memory_space<semaphore_mem>>, %arg12: memref<!tpu.dma_semaphore, #tpu.memory_space<semaphore_mem>>, %arg13: memref<!tpu.dma_semaphore, #tpu.memory_space<semaphore_mem>>, %arg14: memref<!tpu.dma_semaphore, #tpu.memory_space<semaphore_mem>>) attributes {dimension_semantics = [#tpu.dimension_semantics<core_parallel>, #tpu.dimension_semantics<subcore_parallel>], iteration_bounds = array<i64: 2, 16>, scalar_prefetch = 0 : i64, scratch_operands = 10 : i64, tpu.core_type = #tpu.core_type<sc_vector_subcore>, window_params = [{transform_indices = #map}, {transform_indices = #map}, {transform_indices = #map}]} {
    %mul3A = arith.constant 2 : i32
    %mul3A_0 = arith.muli %arg1, %mul3A : i32
    %add3A = arith.addi %mul3A_0, %arg0 : i32
    %mul3A_1 = arith.constant 6400 : i32
    %mul3A_2 = arith.muli %add3A, %mul3A_1 : i32
    %add3A_3 = arith.constant 0 : i32
    %add3A_4 = arith.addi %mul3A_2, %add3A_3 : i32
    %dma_start3A = tpu.memref_slice %arg2[%add3A_4] : memref<204800xi32, #tpu.memory_space<hbm>> -> memref<3200xi32, #tpu.memory_space<hbm>>
    %dma_start3A_5 = tpu.memref_slice %arg2[%add3A_4] : memref<204800xi32, #tpu.memory_space<hbm>> -> memref<3200xi32, #tpu.memory_space<hbm>>
    tpu.enqueue_dma source(%dma_start3A_5 : memref<3200xi32, #tpu.memory_space<hbm>>) target(%arg5 : memref<3200xi32, #tpu.memory_space<vmem>>) target_semaphore(%arg9 : memref<!tpu.dma_semaphore, #tpu.memory_space<semaphore_mem>>)
    %scan3A = arith.constant 0 : i32
    %scan3A_6 = arith.constant 0 : i32
    %mul3A_7 = arith.constant 2 : i32
    %mul3A_8 = arith.muli %mul3A_7, %scan3A_6 : i32
    %dma_wait3A = arith.constant 0 : i32
    %dma_wait3A_9 = tpu.memref_slice %arg2[%dma_wait3A] : memref<204800xi32, #tpu.memory_space<hbm>> -> memref<3200xi32, #tpu.memory_space<hbm>>
    %dma_wait3A_10 = arith.constant 0 : i32
    %dma_wait3A_11 = tpu.memref_slice %arg2[%dma_wait3A_10] : memref<204800xi32, #tpu.memory_space<hbm>> -> memref<3200xi32, #tpu.memory_space<hbm>>
    tpu.wait_dma2 semaphore(%arg9 : memref<!tpu.dma_semaphore, #tpu.memory_space<semaphore_mem>>) src(%dma_wait3A_11 : memref<3200xi32, #tpu.memory_space<hbm>>) dst(%arg5 : memref<3200xi32, #tpu.memory_space<vmem>>)
    %ge3A = arith.constant 2 : i32
    %ge3A_12 = arith.cmpi sge, %mul3A_8, %ge3A : i32
    %convert_element_type3A = arith.extui %ge3A_12 : i1 to i32
    %cond3A = arith.constant 0 : i32
    %cond3A_13 = arith.cmpi ne, %convert_element_type3A, %cond3A : i32
    scf.if %cond3A_13 {
      %dma_wait3A_69 = arith.constant 0 : i32
      %dma_wait3A_70 = tpu.memref_slice %arg4[%dma_wait3A_69] : memref<204800xf32, #tpu.memory_space<hbm>> -> memref<3200xf32, #tpu.memory_space<hbm>>
      %dma_wait3A_71 = arith.constant 0 : i32
      %dma_wait3A_72 = tpu.memref_slice %arg4[%dma_wait3A_71] : memref<204800xf32, #tpu.memory_space<hbm>> -> memref<3200xf32, #tpu.memory_space<hbm>>
      tpu.wait_dma2 semaphore(%arg13 : memref<!tpu.dma_semaphore, #tpu.memory_space<semaphore_mem>>) src(%arg7 : memref<3200xf32, #tpu.memory_space<vmem>>) dst(%dma_wait3A_72 : memref<3200xf32, #tpu.memory_space<hbm>>)
    } else {
    }
    %dma_start3A_14 = arith.constant 0 : i32
    %dma_start3A_15 = tpu.memref_slice %arg3[%dma_start3A_14] : memref<1000000xf32, #tpu.memory_space<hbm>> -> memref<1000000xf32, #tpu.memory_space<hbm>>
    tpu.enqueue_indirect_dma source(%dma_start3A_15 : memref<1000000xf32, #tpu.memory_space<hbm>>) target(%arg7 : memref<3200xf32, #tpu.memory_space<vmem>>) offsets(%arg5 : memref<3200xi32, #tpu.memory_space<vmem>>) semaphore(%arg11 : memref<!tpu.dma_semaphore, #tpu.memory_space<semaphore_mem>>)
    %ge3A_16 = arith.constant 1 : i32
    %ge3A_17 = arith.cmpi sge, %mul3A_8, %ge3A_16 : i32
    %convert_element_type3A_18 = arith.extui %ge3A_17 : i1 to i32
    %cond3A_19 = arith.constant 0 : i32
    %cond3A_20 = arith.cmpi ne, %convert_element_type3A_18, %cond3A_19 : i32
    scf.if %cond3A_20 {
      %dma_wait3A_69 = arith.constant 0 : i32
      %dma_wait3A_70 = tpu.memref_slice %arg3[%dma_wait3A_69] : memref<1000000xf32, #tpu.memory_space<hbm>> -> memref<1000000xf32, #tpu.memory_space<hbm>>
      tpu.wait_indirect_dma semaphore(%arg12 : memref<!tpu.dma_semaphore, #tpu.memory_space<semaphore_mem>>) src(%dma_wait3A_70 : memref<1000000xf32, #tpu.memory_space<hbm>>) dst(%arg8 : memref<3200xf32, #tpu.memory_space<vmem>>)
      %sub3A = arith.constant 1 : i32
      %sub3A_71 = arith.subi %mul3A_8, %sub3A : i32
      %mul3A_72 = arith.constant 3200 : i32
      %mul3A_73 = arith.muli %sub3A_71, %mul3A_72 : i32
      %add3A_74 = arith.addi %mul3A_2, %mul3A_73 : i32
      %dma_start3A_75 = tpu.memref_slice %arg4[%add3A_74] : memref<204800xf32, #tpu.memory_space<hbm>> -> memref<3200xf32, #tpu.memory_space<hbm>>
      %dma_start3A_76 = tpu.memref_slice %arg4[%add3A_74] : memref<204800xf32, #tpu.memory_space<hbm>> -> memref<3200xf32, #tpu.memory_space<hbm>>
      tpu.enqueue_dma source(%arg8 : memref<3200xf32, #tpu.memory_space<vmem>>) target(%dma_start3A_76 : memref<3200xf32, #tpu.memory_space<hbm>>) target_semaphore(%arg14 : memref<!tpu.dma_semaphore, #tpu.memory_space<semaphore_mem>>)
    } else {
    }
    %add3A_21 = arith.constant 1 : i32
    %add3A_22 = arith.addi %mul3A_8, %add3A_21 : i32
    %lt3A = arith.constant 2 : i32
    %lt3A_23 = arith.cmpi slt, %add3A_22, %lt3A : i32
    %convert_element_type3A_24 = arith.extui %lt3A_23 : i1 to i32
    %cond3A_25 = arith.constant 0 : i32
    %cond3A_26 = arith.cmpi ne, %convert_element_type3A_24, %cond3A_25 : i32
    scf.if %cond3A_26 {
      %add3A_69 = arith.constant 1 : i32
      %add3A_70 = arith.addi %mul3A_8, %add3A_69 : i32
      %mul3A_71 = arith.constant 3200 : i32
      %mul3A_72 = arith.muli %add3A_70, %mul3A_71 : i32
      %add3A_73 = arith.addi %mul3A_2, %mul3A_72 : i32
      %dma_start3A_74 = tpu.memref_slice %arg2[%add3A_73] : memref<204800xi32, #tpu.memory_space<hbm>> -> memref<3200xi32, #tpu.memory_space<hbm>>
      %dma_start3A_75 = tpu.memref_slice %arg2[%add3A_73] : memref<204800xi32, #tpu.memory_space<hbm>> -> memref<3200xi32, #tpu.memory_space<hbm>>
      tpu.enqueue_dma source(%dma_start3A_75 : memref<3200xi32, #tpu.memory_space<hbm>>) target(%arg6 : memref<3200xi32, #tpu.memory_space<vmem>>) target_semaphore(%arg10 : memref<!tpu.dma_semaphore, #tpu.memory_space<semaphore_mem>>)
    } else {
    }
    %mul3A_27 = arith.constant 2 : i32
    %mul3A_28 = arith.muli %mul3A_27, %scan3A_6 : i32
    %add3A_29 = arith.constant 1 : i32
    %add3A_30 = arith.addi %mul3A_28, %add3A_29 : i32
    %dma_wait3A_31 = arith.constant 0 : i32
    %dma_wait3A_32 = tpu.memref_slice %arg2[%dma_wait3A_31] : memref<204800xi32, #tpu.memory_space<hbm>> -> memref<3200xi32, #tpu.memory_space<hbm>>
    %dma_wait3A_33 = arith.constant 0 : i32
    %dma_wait3A_34 = tpu.memref_slice %arg2[%dma_wait3A_33] : memref<204800xi32, #tpu.memory_space<hbm>> -> memref<3200xi32, #tpu.memory_space<hbm>>
    tpu.wait_dma2 semaphore(%arg10 : memref<!tpu.dma_semaphore, #tpu.memory_space<semaphore_mem>>) src(%dma_wait3A_34 : memref<3200xi32, #tpu.memory_space<hbm>>) dst(%arg6 : memref<3200xi32, #tpu.memory_space<vmem>>)
    %ge3A_35 = arith.constant 2 : i32
    %ge3A_36 = arith.cmpi sge, %add3A_30, %ge3A_35 : i32
    %convert_element_type3A_37 = arith.extui %ge3A_36 : i1 to i32
    %cond3A_38 = arith.constant 0 : i32
    %cond3A_39 = arith.cmpi ne, %convert_element_type3A_37, %cond3A_38 : i32
    scf.if %cond3A_39 {
      %dma_wait3A_69 = arith.constant 0 : i32
      %dma_wait3A_70 = tpu.memref_slice %arg4[%dma_wait3A_69] : memref<204800xf32, #tpu.memory_space<hbm>> -> memref<3200xf32, #tpu.memory_space<hbm>>
      %dma_wait3A_71 = arith.constant 0 : i32
      %dma_wait3A_72 = tpu.memref_slice %arg4[%dma_wait3A_71] : memref<204800xf32, #tpu.memory_space<hbm>> -> memref<3200xf32, #tpu.memory_space<hbm>>
      tpu.wait_dma2 semaphore(%arg14 : memref<!tpu.dma_semaphore, #tpu.memory_space<semaphore_mem>>) src(%arg8 : memref<3200xf32, #tpu.memory_space<vmem>>) dst(%dma_wait3A_72 : memref<3200xf32, #tpu.memory_space<hbm>>)
    } else {
    }
    %dma_start3A_40 = arith.constant 0 : i32
    %dma_start3A_41 = tpu.memref_slice %arg3[%dma_start3A_40] : memref<1000000xf32, #tpu.memory_space<hbm>> -> memref<1000000xf32, #tpu.memory_space<hbm>>
    tpu.enqueue_indirect_dma source(%dma_start3A_41 : memref<1000000xf32, #tpu.memory_space<hbm>>) target(%arg8 : memref<3200xf32, #tpu.memory_space<vmem>>) offsets(%arg6 : memref<3200xi32, #tpu.memory_space<vmem>>) semaphore(%arg12 : memref<!tpu.dma_semaphore, #tpu.memory_space<semaphore_mem>>)
    %ge3A_42 = arith.constant 1 : i32
    %ge3A_43 = arith.cmpi sge, %add3A_30, %ge3A_42 : i32
    %convert_element_type3A_44 = arith.extui %ge3A_43 : i1 to i32
    %cond3A_45 = arith.constant 0 : i32
    %cond3A_46 = arith.cmpi ne, %convert_element_type3A_44, %cond3A_45 : i32
    scf.if %cond3A_46 {
      %dma_wait3A_69 = arith.constant 0 : i32
      %dma_wait3A_70 = tpu.memref_slice %arg3[%dma_wait3A_69] : memref<1000000xf32, #tpu.memory_space<hbm>> -> memref<1000000xf32, #tpu.memory_space<hbm>>
      tpu.wait_indirect_dma semaphore(%arg11 : memref<!tpu.dma_semaphore, #tpu.memory_space<semaphore_mem>>) src(%dma_wait3A_70 : memref<1000000xf32, #tpu.memory_space<hbm>>) dst(%arg7 : memref<3200xf32, #tpu.memory_space<vmem>>)
      %sub3A = arith.constant 1 : i32
      %sub3A_71 = arith.subi %add3A_30, %sub3A : i32
      %mul3A_72 = arith.constant 3200 : i32
      %mul3A_73 = arith.muli %sub3A_71, %mul3A_72 : i32
      %add3A_74 = arith.addi %mul3A_2, %mul3A_73 : i32
      %dma_start3A_75 = tpu.memref_slice %arg4[%add3A_74] : memref<204800xf32, #tpu.memory_space<hbm>> -> memref<3200xf32, #tpu.memory_space<hbm>>
      %dma_start3A_76 = tpu.memref_slice %arg4[%add3A_74] : memref<204800xf32, #tpu.memory_space<hbm>> -> memref<3200xf32, #tpu.memory_space<hbm>>
      tpu.enqueue_dma source(%arg7 : memref<3200xf32, #tpu.memory_space<vmem>>) target(%dma_start3A_76 : memref<3200xf32, #tpu.memory_space<hbm>>) target_semaphore(%arg13 : memref<!tpu.dma_semaphore, #tpu.memory_space<semaphore_mem>>)
    } else {
    }
    %add3A_47 = arith.constant 1 : i32
    %add3A_48 = arith.addi %add3A_30, %add3A_47 : i32
    %lt3A_49 = arith.constant 2 : i32
    %lt3A_50 = arith.cmpi slt, %add3A_48, %lt3A_49 : i32
    %convert_element_type3A_51 = arith.extui %lt3A_50 : i1 to i32
    %cond3A_52 = arith.constant 0 : i32
    %cond3A_53 = arith.cmpi ne, %convert_element_type3A_51, %cond3A_52 : i32
    scf.if %cond3A_53 {
      %add3A_69 = arith.constant 1 : i32
      %add3A_70 = arith.addi %add3A_30, %add3A_69 : i32
      %mul3A_71 = arith.constant 3200 : i32
      %mul3A_72 = arith.muli %add3A_70, %mul3A_71 : i32
      %add3A_73 = arith.addi %mul3A_2, %mul3A_72 : i32
      %dma_start3A_74 = tpu.memref_slice %arg2[%add3A_73] : memref<204800xi32, #tpu.memory_space<hbm>> -> memref<3200xi32, #tpu.memory_space<hbm>>
      %dma_start3A_75 = tpu.memref_slice %arg2[%add3A_73] : memref<204800xi32, #tpu.memory_space<hbm>> -> memref<3200xi32, #tpu.memory_space<hbm>>
      tpu.enqueue_dma source(%dma_start3A_75 : memref<3200xi32, #tpu.memory_space<hbm>>) target(%arg5 : memref<3200xi32, #tpu.memory_space<vmem>>) target_semaphore(%arg9 : memref<!tpu.dma_semaphore, #tpu.memory_space<semaphore_mem>>)
    } else {
    }
    %scan3A_54 = arith.constant 1 : i32
    %dma_wait3A_55 = arith.constant 0 : i32
    %dma_wait3A_56 = tpu.memref_slice %arg3[%dma_wait3A_55] : memref<1000000xf32, #tpu.memory_space<hbm>> -> memref<1000000xf32, #tpu.memory_space<hbm>>
    tpu.wait_indirect_dma semaphore(%arg12 : memref<!tpu.dma_semaphore, #tpu.memory_space<semaphore_mem>>) src(%dma_wait3A_56 : memref<1000000xf32, #tpu.memory_space<hbm>>) dst(%arg8 : memref<3200xf32, #tpu.memory_space<vmem>>)
    %add3A_57 = arith.constant 3200 : i32
    %add3A_58 = arith.addi %mul3A_2, %add3A_57 : i32
    %dma_start3A_59 = tpu.memref_slice %arg4[%add3A_58] : memref<204800xf32, #tpu.memory_space<hbm>> -> memref<3200xf32, #tpu.memory_space<hbm>>
    %dma_start3A_60 = tpu.memref_slice %arg4[%add3A_58] : memref<204800xf32, #tpu.memory_space<hbm>> -> memref<3200xf32, #tpu.memory_space<hbm>>
    tpu.enqueue_dma source(%arg8 : memref<3200xf32, #tpu.memory_space<vmem>>) target(%dma_start3A_60 : memref<3200xf32, #tpu.memory_space<hbm>>) target_semaphore(%arg14 : memref<!tpu.dma_semaphore, #tpu.memory_space<semaphore_mem>>)
    %dma_wait3A_61 = arith.constant 0 : i32
    %dma_wait3A_62 = tpu.memref_slice %arg4[%dma_wait3A_61] : memref<204800xf32, #tpu.memory_space<hbm>> -> memref<3200xf32, #tpu.memory_space<hbm>>
    %dma_wait3A_63 = arith.constant 0 : i32
    %dma_wait3A_64 = tpu.memref_slice %arg4[%dma_wait3A_63] : memref<204800xf32, #tpu.memory_space<hbm>> -> memref<3200xf32, #tpu.memory_space<hbm>>
    tpu.wait_dma2 semaphore(%arg13 : memref<!tpu.dma_semaphore, #tpu.memory_space<semaphore_mem>>) src(%arg7 : memref<3200xf32, #tpu.memory_space<vmem>>) dst(%dma_wait3A_64 : memref<3200xf32, #tpu.memory_space<hbm>>)
    %dma_wait3A_65 = arith.constant 0 : i32
    %dma_wait3A_66 = tpu.memref_slice %arg4[%dma_wait3A_65] : memref<204800xf32, #tpu.memory_space<hbm>> -> memref<3200xf32, #tpu.memory_space<hbm>>
    %dma_wait3A_67 = arith.constant 0 : i32
    %dma_wait3A_68 = tpu.memref_slice %arg4[%dma_wait3A_67] : memref<204800xf32, #tpu.memory_space<hbm>> -> memref<3200xf32, #tpu.memory_space<hbm>>
    tpu.wait_dma2 semaphore(%arg14 : memref<!tpu.dma_semaphore, #tpu.memory_space<semaphore_mem>>) src(%arg8 : memref<3200xf32, #tpu.memory_space<vmem>>) dst(%dma_wait3A_68 : memref<3200xf32, #tpu.memory_space<hbm>>)
    return
  }
}

#map = affine_map<(d0, d1) -> (0)>
module attributes {stable_mosaic.version = 14 : i64} {
  func.func @gather_kernel(%arg0: i32, %arg1: i32, %arg2: memref<204800xi32, #tpu.memory_space<hbm>>, %arg3: memref<1000000xf32, #tpu.memory_space<hbm>>, %arg4: memref<204800xf32, #tpu.memory_space<hbm>>, %arg5: memref<3200xi32, #tpu.memory_space<vmem>>, %arg6: memref<3200xi32, #tpu.memory_space<vmem>>, %arg7: memref<3200xf32, #tpu.memory_space<vmem>>, %arg8: memref<3200xf32, #tpu.memory_space<vmem>>, %arg9: memref<!tpu.dma_semaphore, #tpu.memory_space<semaphore_mem>>, %arg10: memref<!tpu.dma_semaphore, #tpu.memory_space<semaphore_mem>>, %arg11: memref<!tpu.dma_semaphore, #tpu.memory_space<semaphore_mem>>, %arg12: memref<!tpu.dma_semaphore, #tpu.memory_space<semaphore_mem>>, %arg13: memref<!tpu.dma_semaphore, #tpu.memory_space<semaphore_mem>>, %arg14: memref<!tpu.dma_semaphore, #tpu.memory_space<semaphore_mem>>) attributes {dimension_semantics = [#tpu.dimension_semantics<core_parallel>, #tpu.dimension_semantics<subcore_parallel>], iteration_bounds = array<i64: 2, 16>, scalar_prefetch = 0 : i64, scratch_operands = 10 : i64, tpu.core_type = #tpu.core_type<sc_vector_subcore>, window_params = [{transform_indices = #map}, {transform_indices = #map}, {transform_indices = #map}]} {
    %mul3A = arith.constant 2 : i32
    %mul3A_0 = arith.muli %arg1, %mul3A : i32
    %add3A = arith.addi %mul3A_0, %arg0 : i32
    %mul3A_1 = arith.constant 6400 : i32
    %mul3A_2 = arith.muli %add3A, %mul3A_1 : i32
    %add3A_3 = arith.constant 0 : i32
    %add3A_4 = arith.addi %mul3A_2, %add3A_3 : i32
    %dma_start3A = tpu.memref_slice %arg2[%add3A_4] : memref<204800xi32, #tpu.memory_space<hbm>> -> memref<3200xi32, #tpu.memory_space<hbm>>
    %dma_start3A_5 = tpu.memref_slice %arg2[%add3A_4] : memref<204800xi32, #tpu.memory_space<hbm>> -> memref<3200xi32, #tpu.memory_space<hbm>>
    tpu.enqueue_dma source(%dma_start3A_5 : memref<3200xi32, #tpu.memory_space<hbm>>) target(%arg5 : memref<3200xi32, #tpu.memory_space<vmem>>) target_semaphore(%arg9 : memref<!tpu.dma_semaphore, #tpu.memory_space<semaphore_mem>>)
    %scan3A = arith.constant 0 : i32
    %scan3A_6 = arith.constant 0 : i32
    %mul3A_7 = arith.constant 2 : i32
    %mul3A_8 = arith.muli %mul3A_7, %scan3A_6 : i32
    %dma_wait3A = arith.constant 0 : i32
    %dma_wait3A_9 = tpu.memref_slice %arg2[%dma_wait3A] : memref<204800xi32, #tpu.memory_space<hbm>> -> memref<3200xi32, #tpu.memory_space<hbm>>
    %dma_wait3A_10 = arith.constant 0 : i32
    %dma_wait3A_11 = tpu.memref_slice %arg2[%dma_wait3A_10] : memref<204800xi32, #tpu.memory_space<hbm>> -> memref<3200xi32, #tpu.memory_space<hbm>>
    tpu.wait_dma2 semaphore(%arg9 : memref<!tpu.dma_semaphore, #tpu.memory_space<semaphore_mem>>) src(%dma_wait3A_11 : memref<3200xi32, #tpu.memory_space<hbm>>) dst(%arg5 : memref<3200xi32, #tpu.memory_space<vmem>>)
    %ge3A = arith.constant 2 : i32
    %ge3A_12 = arith.cmpi sge, %mul3A_8, %ge3A : i32
    %convert_element_type3A = arith.extui %ge3A_12 : i1 to i32
    %cond3A = arith.constant 0 : i32
    %cond3A_13 = arith.cmpi ne, %convert_element_type3A, %cond3A : i32
    scf.if %cond3A_13 {
      %dma_wait3A_69 = arith.constant 0 : i32
      %dma_wait3A_70 = tpu.memref_slice %arg4[%dma_wait3A_69] : memref<204800xf32, #tpu.memory_space<hbm>> -> memref<3200xf32, #tpu.memory_space<hbm>>
      %dma_wait3A_71 = arith.constant 0 : i32
      %dma_wait3A_72 = tpu.memref_slice %arg4[%dma_wait3A_71] : memref<204800xf32, #tpu.memory_space<hbm>> -> memref<3200xf32, #tpu.memory_space<hbm>>
      tpu.wait_dma2 semaphore(%arg13 : memref<!tpu.dma_semaphore, #tpu.memory_space<semaphore_mem>>) src(%arg7 : memref<3200xf32, #tpu.memory_space<vmem>>) dst(%dma_wait3A_72 : memref<3200xf32, #tpu.memory_space<hbm>>)
    } else {
    }
    %dma_start3A_14 = arith.constant 0 : i32
    %dma_start3A_15 = tpu.memref_slice %arg3[%dma_start3A_14] : memref<1000000xf32, #tpu.memory_space<hbm>> -> memref<1000000xf32, #tpu.memory_space<hbm>>
    tpu.enqueue_indirect_dma source(%dma_start3A_15 : memref<1000000xf32, #tpu.memory_space<hbm>>) target(%arg7 : memref<3200xf32, #tpu.memory_space<vmem>>) offsets(%arg5 : memref<3200xi32, #tpu.memory_space<vmem>>) semaphore(%arg11 : memref<!tpu.dma_semaphore, #tpu.memory_space<semaphore_mem>>)
    %ge3A_16 = arith.constant 1 : i32
    %ge3A_17 = arith.cmpi sge, %mul3A_8, %ge3A_16 : i32
    %convert_element_type3A_18 = arith.extui %ge3A_17 : i1 to i32
    %cond3A_19 = arith.constant 0 : i32
    %cond3A_20 = arith.cmpi ne, %convert_element_type3A_18, %cond3A_19 : i32
    scf.if %cond3A_20 {
      %dma_wait3A_69 = arith.constant 0 : i32
      %dma_wait3A_70 = tpu.memref_slice %arg3[%dma_wait3A_69] : memref<1000000xf32, #tpu.memory_space<hbm>> -> memref<1000000xf32, #tpu.memory_space<hbm>>
      tpu.wait_indirect_dma semaphore(%arg12 : memref<!tpu.dma_semaphore, #tpu.memory_space<semaphore_mem>>) src(%dma_wait3A_70 : memref<1000000xf32, #tpu.memory_space<hbm>>) dst(%arg8 : memref<3200xf32, #tpu.memory_space<vmem>>)
      %sub3A = arith.constant 1 : i32
      %sub3A_71 = arith.subi %mul3A_8, %sub3A : i32
      %mul3A_72 = arith.constant 3200 : i32
      %mul3A_73 = arith.muli %sub3A_71, %mul3A_72 : i32
      %add3A_74 = arith.addi %mul3A_2, %mul3A_73 : i32
      %dma_start3A_75 = tpu.memref_slice %arg4[%add3A_74] : memref<204800xf32, #tpu.memory_space<hbm>> -> memref<3200xf32, #tpu.memory_space<hbm>>
      %dma_start3A_76 = tpu.memref_slice %arg4[%add3A_74] : memref<204800xf32, #tpu.memory_space<hbm>> -> memref<3200xf32, #tpu.memory_space<hbm>>
      tpu.enqueue_dma source(%arg8 : memref<3200xf32, #tpu.memory_space<vmem>>) target(%dma_start3A_76 : memref<3200xf32, #tpu.memory_space<hbm>>) target_semaphore(%arg14 : memref<!tpu.dma_semaphore, #tpu.memory_space<semaphore_mem>>)
    } else {
    }
    %add3A_21 = arith.constant 1 : i32
    %add3A_22 = arith.addi %mul3A_8, %add3A_21 : i32
    %lt3A = arith.constant 2 : i32
    %lt3A_23 = arith.cmpi slt, %add3A_22, %lt3A : i32
    %convert_element_type3A_24 = arith.extui %lt3A_23 : i1 to i32
    %cond3A_25 = arith.constant 0 : i32
    %cond3A_26 = arith.cmpi ne, %convert_element_type3A_24, %cond3A_25 : i32
    scf.if %cond3A_26 {
      %add3A_69 = arith.constant 1 : i32
      %add3A_70 = arith.addi %mul3A_8, %add3A_69 : i32
      %mul3A_71 = arith.constant 3200 : i32
      %mul3A_72 = arith.muli %add3A_70, %mul3A_71 : i32
      %add3A_73 = arith.addi %mul3A_2, %mul3A_72 : i32
      %dma_start3A_74 = tpu.memref_slice %arg2[%add3A_73] : memref<204800xi32, #tpu.memory_space<hbm>> -> memref<3200xi32, #tpu.memory_space<hbm>>
      %dma_start3A_75 = tpu.memref_slice %arg2[%add3A_73] : memref<204800xi32, #tpu.memory_space<hbm>> -> memref<3200xi32, #tpu.memory_space<hbm>>
      tpu.enqueue_dma source(%dma_start3A_75 : memref<3200xi32, #tpu.memory_space<hbm>>) target(%arg6 : memref<3200xi32, #tpu.memory_space<vmem>>) target_semaphore(%arg10 : memref<!tpu.dma_semaphore, #tpu.memory_space<semaphore_mem>>)
    } else {
    }
    %mul3A_27 = arith.constant 2 : i32
    %mul3A_28 = arith.muli %mul3A_27, %scan3A_6 : i32
    %add3A_29 = arith.constant 1 : i32
    %add3A_30 = arith.addi %mul3A_28, %add3A_29 : i32
    %dma_wait3A_31 = arith.constant 0 : i32
    %dma_wait3A_32 = tpu.memref_slice %arg2[%dma_wait3A_31] : memref<204800xi32, #tpu.memory_space<hbm>> -> memref<3200xi32, #tpu.memory_space<hbm>>
    %dma_wait3A_33 = arith.constant 0 : i32
    %dma_wait3A_34 = tpu.memref_slice %arg2[%dma_wait3A_33] : memref<204800xi32, #tpu.memory_space<hbm>> -> memref<3200xi32, #tpu.memory_space<hbm>>
    tpu.wait_dma2 semaphore(%arg10 : memref<!tpu.dma_semaphore, #tpu.memory_space<semaphore_mem>>) src(%dma_wait3A_34 : memref<3200xi32, #tpu.memory_space<hbm>>) dst(%arg6 : memref<3200xi32, #tpu.memory_space<vmem>>)
    %ge3A_35 = arith.constant 2 : i32
    %ge3A_36 = arith.cmpi sge, %add3A_30, %ge3A_35 : i32
    %convert_element_type3A_37 = arith.extui %ge3A_36 : i1 to i32
    %cond3A_38 = arith.constant 0 : i32
    %cond3A_39 = arith.cmpi ne, %convert_element_type3A_37, %cond3A_38 : i32
    scf.if %cond3A_39 {
      %dma_wait3A_69 = arith.constant 0 : i32
      %dma_wait3A_70 = tpu.memref_slice %arg4[%dma_wait3A_69] : memref<204800xf32, #tpu.memory_space<hbm>> -> memref<3200xf32, #tpu.memory_space<hbm>>
      %dma_wait3A_71 = arith.constant 0 : i32
      %dma_wait3A_72 = tpu.memref_slice %arg4[%dma_wait3A_71] : memref<204800xf32, #tpu.memory_space<hbm>> -> memref<3200xf32, #tpu.memory_space<hbm>>
      tpu.wait_dma2 semaphore(%arg14 : memref<!tpu.dma_semaphore, #tpu.memory_space<semaphore_mem>>) src(%arg8 : memref<3200xf32, #tpu.memory_space<vmem>>) dst(%dma_wait3A_72 : memref<3200xf32, #tpu.memory_space<hbm>>)
    } else {
    }
    %dma_start3A_40 = arith.constant 0 : i32
    %dma_start3A_41 = tpu.memref_slice %arg3[%dma_start3A_40] : memref<1000000xf32, #tpu.memory_space<hbm>> -> memref<1000000xf32, #tpu.memory_space<hbm>>
    tpu.enqueue_indirect_dma source(%dma_start3A_41 : memref<1000000xf32, #tpu.memory_space<hbm>>) target(%arg8 : memref<3200xf32, #tpu.memory_space<vmem>>) offsets(%arg6 : memref<3200xi32, #tpu.memory_space<vmem>>) semaphore(%arg12 : memref<!tpu.dma_semaphore, #tpu.memory_space<semaphore_mem>>)
    %ge3A_42 = arith.constant 1 : i32
    %ge3A_43 = arith.cmpi sge, %add3A_30, %ge3A_42 : i32
    %convert_element_type3A_44 = arith.extui %ge3A_43 : i1 to i32
    %cond3A_45 = arith.constant 0 : i32
    %cond3A_46 = arith.cmpi ne, %convert_element_type3A_44, %cond3A_45 : i32
    scf.if %cond3A_46 {
      %dma_wait3A_69 = arith.constant 0 : i32
      %dma_wait3A_70 = tpu.memref_slice %arg3[%dma_wait3A_69] : memref<1000000xf32, #tpu.memory_space<hbm>> -> memref<1000000xf32, #tpu.memory_space<hbm>>
      tpu.wait_indirect_dma semaphore(%arg11 : memref<!tpu.dma_semaphore, #tpu.memory_space<semaphore_mem>>) src(%dma_wait3A_70 : memref<1000000xf32, #tpu.memory_space<hbm>>) dst(%arg7 : memref<3200xf32, #tpu.memory_space<vmem>>)
      %sub3A = arith.constant 1 : i32
      %sub3A_71 = arith.subi %add3A_30, %sub3A : i32
      %mul3A_72 = arith.constant 3200 : i32
      %mul3A_73 = arith.muli %sub3A_71, %mul3A_72 : i32
      %add3A_74 = arith.addi %mul3A_2, %mul3A_73 : i32
      %dma_start3A_75 = tpu.memref_slice %arg4[%add3A_74] : memref<204800xf32, #tpu.memory_space<hbm>> -> memref<3200xf32, #tpu.memory_space<hbm>>
      %dma_start3A_76 = tpu.memref_slice %arg4[%add3A_74] : memref<204800xf32, #tpu.memory_space<hbm>> -> memref<3200xf32, #tpu.memory_space<hbm>>
      tpu.enqueue_dma source(%arg7 : memref<3200xf32, #tpu.memory_space<vmem>>) target(%dma_start3A_76 : memref<3200xf32, #tpu.memory_space<hbm>>) target_semaphore(%arg13 : memref<!tpu.dma_semaphore, #tpu.memory_space<semaphore_mem>>)
    } else {
    }
    %add3A_47 = arith.constant 1 : i32
    %add3A_48 = arith.addi %add3A_30, %add3A_47 : i32
    %lt3A_49 = arith.constant 2 : i32
    %lt3A_50 = arith.cmpi slt, %add3A_48, %lt3A_49 : i32
    %convert_element_type3A_51 = arith.extui %lt3A_50 : i1 to i32
    %cond3A_52 = arith.constant 0 : i32
    %cond3A_53 = arith.cmpi ne, %convert_element_type3A_51, %cond3A_52 : i32
    scf.if %cond3A_53 {
      %add3A_69 = arith.constant 1 : i32
      %add3A_70 = arith.addi %add3A_30, %add3A_69 : i32
      %mul3A_71 = arith.constant 3200 : i32
      %mul3A_72 = arith.muli %add3A_70, %mul3A_71 : i32
      %add3A_73 = arith.addi %mul3A_2, %mul3A_72 : i32
      %dma_start3A_74 = tpu.memref_slice %arg2[%add3A_73] : memref<204800xi32, #tpu.memory_space<hbm>> -> memref<3200xi32, #tpu.memory_space<hbm>>
      %dma_start3A_75 = tpu.memref_slice %arg2[%add3A_73] : memref<204800xi32, #tpu.memory_space<hbm>> -> memref<3200xi32, #tpu.memory_space<hbm>>
      tpu.enqueue_dma source(%dma_start3A_75 : memref<3200xi32, #tpu.memory_space<hbm>>) target(%arg5 : memref<3200xi32, #tpu.memory_space<vmem>>) target_semaphore(%arg9 : memref<!tpu.dma_semaphore, #tpu.memory_space<semaphore_mem>>)
    } else {
    }
    %scan3A_54 = arith.constant 1 : i32
    %dma_wait3A_55 = arith.constant 0 : i32
    %dma_wait3A_56 = tpu.memref_slice %arg3[%dma_wait3A_55] : memref<1000000xf32, #tpu.memory_space<hbm>> -> memref<1000000xf32, #tpu.memory_space<hbm>>
    tpu.wait_indirect_dma semaphore(%arg12 : memref<!tpu.dma_semaphore, #tpu.memory_space<semaphore_mem>>) src(%dma_wait3A_56 : memref<1000000xf32, #tpu.memory_space<hbm>>) dst(%arg8 : memref<3200xf32, #tpu.memory_space<vmem>>)
    %add3A_57 = arith.constant 3200 : i32
    %add3A_58 = arith.addi %mul3A_2, %add3A_57 : i32
    %dma_start3A_59 = tpu.memref_slice %arg4[%add3A_58] : memref<204800xf32, #tpu.memory_space<hbm>> -> memref<3200xf32, #tpu.memory_space<hbm>>
    %dma_start3A_60 = tpu.memref_slice %arg4[%add3A_58] : memref<204800xf32, #tpu.memory_space<hbm>> -> memref<3200xf32, #tpu.memory_space<hbm>>
    tpu.enqueue_dma source(%arg8 : memref<3200xf32, #tpu.memory_space<vmem>>) target(%dma_start3A_60 : memref<3200xf32, #tpu.memory_space<hbm>>) target_semaphore(%arg14 : memref<!tpu.dma_semaphore, #tpu.memory_space<semaphore_mem>>)
    %dma_wait3A_61 = arith.constant 0 : i32
    %dma_wait3A_62 = tpu.memref_slice %arg4[%dma_wait3A_61] : memref<204800xf32, #tpu.memory_space<hbm>> -> memref<3200xf32, #tpu.memory_space<hbm>>
    %dma_wait3A_63 = arith.constant 0 : i32
    %dma_wait3A_64 = tpu.memref_slice %arg4[%dma_wait3A_63] : memref<204800xf32, #tpu.memory_space<hbm>> -> memref<3200xf32, #tpu.memory_space<hbm>>
    tpu.wait_dma2 semaphore(%arg13 : memref<!tpu.dma_semaphore, #tpu.memory_space<semaphore_mem>>) src(%arg7 : memref<3200xf32, #tpu.memory_space<vmem>>) dst(%dma_wait3A_64 : memref<3200xf32, #tpu.memory_space<hbm>>)
    %dma_wait3A_65 = arith.constant 0 : i32
    %dma_wait3A_66 = tpu.memref_slice %arg4[%dma_wait3A_65] : memref<204800xf32, #tpu.memory_space<hbm>> -> memref<3200xf32, #tpu.memory_space<hbm>>
    %dma_wait3A_67 = arith.constant 0 : i32
    %dma_wait3A_68 = tpu.memref_slice %arg4[%dma_wait3A_67] : memref<204800xf32, #tpu.memory_space<hbm>> -> memref<3200xf32, #tpu.memory_space<hbm>>
    tpu.wait_dma2 semaphore(%arg14 : memref<!tpu.dma_semaphore, #tpu.memory_space<semaphore_mem>>) src(%arg8 : memref<3200xf32, #tpu.memory_space<vmem>>) dst(%dma_wait3A_68 : memref<3200xf32, #tpu.memory_space<hbm>>)
    return
  }
}

module attributes {stable_mosaic.version = 14 : i64} {
  func.func @tc_body(%arg0: i32, %arg1: memref<1x1xf32, #tpu.memory_space<smem>>, %arg2: memref<4xf32, #tpu.memory_space<smem>>, %arg3: memref<512x1xi32, #tpu.memory_space<vmem>>, %arg4: memref<512x1xf32, #tpu.memory_space<vmem>>, %arg5: memref<512x200xf32, #tpu.memory_space<vmem>>, %arg6: memref<512x200xf32, #tpu.memory_space<vmem>>, %arg7: memref<4xf32, #tpu.memory_space<smem>>, %arg8: memref<4xf32, #tpu.memory_space<smem>>) attributes {dimension_semantics = [#tpu.dimension_semantics<arbitrary>], iteration_bounds = array<i64: 2>, scalar_prefetch = 0 : i64, scratch_operands = 1 : i64, tpu.core_type = #tpu.core_type<tc>, window_params = [{transform_indices = @transform_0, window_bounds = array<i64: 1, 1>}, {transform_indices = @transform_1, window_bounds = array<i64: 4>}, {transform_indices = @transform_2, window_bounds = array<i64: 512, 1>}, {transform_indices = @transform_3, window_bounds = array<i64: 512, 1>}, {transform_indices = @transform_4, window_bounds = array<i64: 512, 200>}, {transform_indices = @transform_5, window_bounds = array<i64: 512, 200>}, {transform_indices = @transform_6, window_bounds = array<i64: 4>}]} {
    %eq3A = arith.constant 0 : i32
    %eq3A_0 = arith.cmpi eq, %arg0, %eq3A : i32
    %convert_element_type3A = arith.extui %eq3A_0 : i1 to i32
    %cond3A = arith.constant 0 : i32
    %cond3A_1 = arith.cmpi ne, %convert_element_type3A, %cond3A : i32
    scf.if %cond3A_1 {
      %get3A_96 = arith.constant 0 : index
      %get3A_97 = memref.load %arg2[%get3A_96] : memref<4xf32, #tpu.memory_space<smem>>
      %swap3A_98 = arith.constant 0 : index
      %swap3A_99 = memref.load %arg8[%swap3A_98] : memref<4xf32, #tpu.memory_space<smem>>
      memref.store %get3A_97, %arg8[%swap3A_98] : memref<4xf32, #tpu.memory_space<smem>>
      %get3A_100 = arith.constant 1 : index
      %get3A_101 = memref.load %arg2[%get3A_100] : memref<4xf32, #tpu.memory_space<smem>>
      %swap3A_102 = arith.constant 1 : index
      %swap3A_103 = memref.load %arg8[%swap3A_102] : memref<4xf32, #tpu.memory_space<smem>>
      memref.store %get3A_101, %arg8[%swap3A_102] : memref<4xf32, #tpu.memory_space<smem>>
      %get3A_104 = arith.constant 2 : index
      %get3A_105 = memref.load %arg2[%get3A_104] : memref<4xf32, #tpu.memory_space<smem>>
      %swap3A_106 = arith.constant 2 : index
      %swap3A_107 = memref.load %arg8[%swap3A_106] : memref<4xf32, #tpu.memory_space<smem>>
      memref.store %get3A_105, %arg8[%swap3A_106] : memref<4xf32, #tpu.memory_space<smem>>
      %get3A_108 = arith.constant 3 : index
      %get3A_109 = memref.load %arg2[%get3A_108] : memref<4xf32, #tpu.memory_space<smem>>
      %swap3A_110 = arith.constant 3 : index
      %swap3A_111 = memref.load %arg8[%swap3A_110] : memref<4xf32, #tpu.memory_space<smem>>
      memref.store %get3A_109, %arg8[%swap3A_110] : memref<4xf32, #tpu.memory_space<smem>>
    } else {
    }
    %get3A = arith.constant 0 : index
    %get3A_2 = arith.constant 0 : index
    %get3A_3 = vector.load %arg5[%get3A, %get3A_2] : memref<512x200xf32, #tpu.memory_space<vmem>>, vector<512x200xf32>
    %mul3A = arith.constant 5.000000e+00 : f32
    %mul3A_4 = vector.broadcast %mul3A : f32 to vector<512x200xf32>
    %mul3A_5 = arith.mulf %get3A_3, %mul3A_4 : vector<512x200xf32>
    %iota3A = tpu.iota {dimensions = array<i32: 1>} : vector<512x200xi32>
    %get3A_6 = arith.constant 0 : index
    %get3A_7 = arith.constant 0 : index
    %get3A_8 = vector.load %arg3[%get3A_6, %get3A_7] : memref<512x1xi32, #tpu.memory_space<vmem>>, vector<512x1xi32>
    %lt3A = vector.broadcast %get3A_8 : vector<512x1xi32> to vector<512x200xi32>
    %lt3A_9 = arith.cmpi slt, %iota3A, %lt3A : vector<512x200xi32>
    %convert_element_type3A_10 = arith.extui %lt3A_9 : vector<512x200xi1> to vector<512x200xi32>
    %convert_element_type3A_11 = arith.sitofp %convert_element_type3A_10 : vector<512x200xi32> to vector<512x200xf32>
    %exp3A = math.exp %mul3A_5 : vector<512x200xf32>
    %jit3A = arith.constant 0.000000e+00 : f32
    %broadcast_in_dim3A = vector.broadcast %jit3A : f32 to vector<512x200xf32>
    %select_n3A = arith.select %lt3A_9, %exp3A, %broadcast_in_dim3A : vector<512x200xi1>, vector<512x200xf32>
    %iota3A_12 = tpu.iota {dimensions = array<i32: 0>} : vector<200x200xi32>
    %iota3A_13 = tpu.iota {dimensions = array<i32: 1>} : vector<200x200xi32>
    %ge3A = arith.cmpi sge, %iota3A_12, %iota3A_13 : vector<200x200xi32>
    %convert_element_type3A_14 = arith.extui %ge3A : vector<200x200xi1> to vector<200x200xi32>
    %convert_element_type3A_15 = arith.sitofp %convert_element_type3A_14 : vector<200x200xi32> to vector<200x200xf32>
    %dot_general3A = arith.constant dense<0.000000e+00> : vector<512x200xf32>
    %dot_general3A_16 = tpu.matmul %select_n3A, %convert_element_type3A_15, %dot_general3A {dimension_numbers = #tpu.dot_dimension_numbers<[1], [0], [0], [1], [0, 0, 1, 1], [], []>, transpose_lhs_hint = false} : vector<512x200xf32>, vector<200x200xf32>, vector<512x200xf32> -> vector<512x200xf32>
    %add3A = arith.constant 9.99999996E-13 : f32
    %add3A_17 = vector.broadcast %add3A : f32 to vector<512x200xf32>
    %add3A_18 = arith.addf %dot_general3A_16, %add3A_17 : vector<512x200xf32>
    %log3A = math.log %add3A_18 : vector<512x200xf32>
    %mul3A_19 = arith.mulf %mul3A_5, %convert_element_type3A_11 : vector<512x200xf32>
    %reduce_sum3A = vector.shape_cast %mul3A_19 : vector<512x200xf32> to vector<1x512x200xf32>
    %reduce_sum3A_20 = arith.constant dense<0.000000e+00> : vector<1xf32>
    %reduce_sum3A_21 = vector.multi_reduction <add>, %reduce_sum3A, %reduce_sum3A_20 [1, 2] : vector<1x512x200xf32> to vector<1xf32>
    %reduce_sum3A_22 = vector.shape_cast %reduce_sum3A_21 : vector<1xf32> to vector<1x1x1xf32>
    %reduce_sum3A_23 = vector.extract %reduce_sum3A_22[0, 0, 0] : f32 from vector<1x1x1xf32>
    %mul3A_24 = arith.mulf %log3A, %convert_element_type3A_11 : vector<512x200xf32>
    %reduce_sum3A_25 = vector.shape_cast %mul3A_24 : vector<512x200xf32> to vector<1x512x200xf32>
    %reduce_sum3A_26 = arith.constant dense<0.000000e+00> : vector<1xf32>
    %reduce_sum3A_27 = vector.multi_reduction <add>, %reduce_sum3A_25, %reduce_sum3A_26 [1, 2] : vector<1x512x200xf32> to vector<1xf32>
    %reduce_sum3A_28 = vector.shape_cast %reduce_sum3A_27 : vector<1xf32> to vector<1x1x1xf32>
    %reduce_sum3A_29 = vector.extract %reduce_sum3A_28[0, 0, 0] : f32 from vector<1x1x1xf32>
    %get3A_30 = arith.constant 0 : index
    %get3A_31 = arith.constant 0 : index
    %get3A_32 = vector.load %arg6[%get3A_30, %get3A_31] : memref<512x200xf32, #tpu.memory_space<vmem>>, vector<512x200xf32>
    %sub3A = arith.constant 5.000000e-01 : f32
    %sub3A_33 = vector.broadcast %sub3A : f32 to vector<512x200xf32>
    %sub3A_34 = arith.subf %get3A_32, %sub3A_33 : vector<512x200xf32>
    %neg3A = arith.constant 0.000000e+00 : f32
    %neg3A_35 = vector.broadcast %neg3A : f32 to vector<512x200xf32>
    %neg3A_36 = arith.subf %neg3A_35, %sub3A_34 : vector<512x200xf32>
    %exp3A_37 = math.exp %neg3A_36 : vector<512x200xf32>
    %add3A_38 = arith.constant 1.000000e+00 : f32
    %add3A_39 = vector.broadcast %add3A_38 : f32 to vector<512x200xf32>
    %add3A_40 = arith.addf %add3A_39, %exp3A_37 : vector<512x200xf32>
    %div3A = arith.constant 1.000000e+00 : f32
    %div3A_41 = vector.broadcast %div3A : f32 to vector<512x200xf32>
    %div3A_42 = arith.divf %div3A_41, %add3A_40 : vector<512x200xf32>
    %max3A = arith.constant 1.000000e-01 : f32
    %max3A_43 = vector.broadcast %max3A : f32 to vector<512x200xf32>
    %max3A_44 = arith.maximumf %div3A_42, %max3A_43 : vector<512x200xf32>
    %mul3A_45 = arith.mulf %max3A_44, %convert_element_type3A_11 : vector<512x200xf32>
    %get3A_46 = arith.constant 0 : index
    %get3A_47 = arith.constant 0 : index
    %get3A_48 = memref.load %arg1[%get3A_46, %get3A_47] : memref<1x1xf32, #tpu.memory_space<smem>>
    %mul3A_49 = vector.broadcast %get3A_48 : f32 to vector<512x200xf32>
    %mul3A_50 = arith.mulf %mul3A_49, %mul3A_5 : vector<512x200xf32>
    %get3A_51 = arith.constant 0 : index
    %get3A_52 = arith.constant 0 : index
    %get3A_53 = vector.load %arg4[%get3A_51, %get3A_52] : memref<512x1xf32, #tpu.memory_space<vmem>>, vector<512x1xf32>
    %add3A_54 = vector.broadcast %get3A_53 : vector<512x1xf32> to vector<512x200xf32>
    %add3A_55 = arith.addf %mul3A_50, %add3A_54 : vector<512x200xf32>
    %mul3A_56 = arith.constant 5.000000e+00 : f32
    %mul3A_57 = vector.broadcast %mul3A_56 : f32 to vector<512x200xf32>
    %mul3A_58 = arith.mulf %get3A_32, %mul3A_57 : vector<512x200xf32>
    %sub3A_59 = arith.subf %add3A_55, %mul3A_58 : vector<512x200xf32>
    %mul3A_60 = arith.mulf %sub3A_59, %sub3A_59 : vector<512x200xf32>
    %mul3A_61 = arith.mulf %mul3A_60, %mul3A_45 : vector<512x200xf32>
    %reduce_sum3A_62 = vector.shape_cast %mul3A_61 : vector<512x200xf32> to vector<1x512x200xf32>
    %reduce_sum3A_63 = arith.constant dense<0.000000e+00> : vector<1xf32>
    %reduce_sum3A_64 = vector.multi_reduction <add>, %reduce_sum3A_62, %reduce_sum3A_63 [1, 2] : vector<1x512x200xf32> to vector<1xf32>
    %reduce_sum3A_65 = vector.shape_cast %reduce_sum3A_64 : vector<1xf32> to vector<1x1x1xf32>
    %reduce_sum3A_66 = vector.extract %reduce_sum3A_65[0, 0, 0] : f32 from vector<1x1x1xf32>
    %reduce_sum3A_67 = vector.shape_cast %mul3A_45 : vector<512x200xf32> to vector<1x512x200xf32>
    %reduce_sum3A_68 = arith.constant dense<0.000000e+00> : vector<1xf32>
    %reduce_sum3A_69 = vector.multi_reduction <add>, %reduce_sum3A_67, %reduce_sum3A_68 [1, 2] : vector<1x512x200xf32> to vector<1xf32>
    %reduce_sum3A_70 = vector.shape_cast %reduce_sum3A_69 : vector<1xf32> to vector<1x1x1xf32>
    %reduce_sum3A_71 = vector.extract %reduce_sum3A_70[0, 0, 0] : f32 from vector<1x1x1xf32>
    %get3A_72 = arith.constant 0 : index
    %get3A_73 = memref.load %arg8[%get3A_72] : memref<4xf32, #tpu.memory_space<smem>>
    %add3A_74 = arith.addf %get3A_73, %reduce_sum3A_23 : f32
    %swap3A = arith.constant 0 : index
    %swap3A_75 = memref.load %arg8[%swap3A] : memref<4xf32, #tpu.memory_space<smem>>
    memref.store %add3A_74, %arg8[%swap3A] : memref<4xf32, #tpu.memory_space<smem>>
    %get3A_76 = arith.constant 1 : index
    %get3A_77 = memref.load %arg8[%get3A_76] : memref<4xf32, #tpu.memory_space<smem>>
    %add3A_78 = arith.addf %get3A_77, %reduce_sum3A_29 : f32
    %swap3A_79 = arith.constant 1 : index
    %swap3A_80 = memref.load %arg8[%swap3A_79] : memref<4xf32, #tpu.memory_space<smem>>
    memref.store %add3A_78, %arg8[%swap3A_79] : memref<4xf32, #tpu.memory_space<smem>>
    %get3A_81 = arith.constant 2 : index
    %get3A_82 = memref.load %arg8[%get3A_81] : memref<4xf32, #tpu.memory_space<smem>>
    %add3A_83 = arith.addf %get3A_82, %reduce_sum3A_66 : f32
    %swap3A_84 = arith.constant 2 : index
    %swap3A_85 = memref.load %arg8[%swap3A_84] : memref<4xf32, #tpu.memory_space<smem>>
    memref.store %add3A_83, %arg8[%swap3A_84] : memref<4xf32, #tpu.memory_space<smem>>
    %get3A_86 = arith.constant 3 : index
    %get3A_87 = memref.load %arg8[%get3A_86] : memref<4xf32, #tpu.memory_space<smem>>
    %add3A_88 = arith.addf %get3A_87, %reduce_sum3A_71 : f32
    %swap3A_89 = arith.constant 3 : index
    %swap3A_90 = memref.load %arg8[%swap3A_89] : memref<4xf32, #tpu.memory_space<smem>>
    memref.store %add3A_88, %arg8[%swap3A_89] : memref<4xf32, #tpu.memory_space<smem>>
    %eq3A_91 = arith.constant 1 : i32
    %eq3A_92 = arith.cmpi eq, %arg0, %eq3A_91 : i32
    %convert_element_type3A_93 = arith.extui %eq3A_92 : i1 to i32
    %cond3A_94 = arith.constant 0 : i32
    %cond3A_95 = arith.cmpi ne, %convert_element_type3A_93, %cond3A_94 : i32
    scf.if %cond3A_95 {
      %get3A_96 = arith.constant 0 : index
      %get3A_97 = memref.load %arg8[%get3A_96] : memref<4xf32, #tpu.memory_space<smem>>
      %swap3A_98 = arith.constant 0 : index
      %swap3A_99 = memref.load %arg7[%swap3A_98] : memref<4xf32, #tpu.memory_space<smem>>
      memref.store %get3A_97, %arg7[%swap3A_98] : memref<4xf32, #tpu.memory_space<smem>>
      %get3A_100 = arith.constant 1 : index
      %get3A_101 = memref.load %arg8[%get3A_100] : memref<4xf32, #tpu.memory_space<smem>>
      %swap3A_102 = arith.constant 1 : index
      %swap3A_103 = memref.load %arg7[%swap3A_102] : memref<4xf32, #tpu.memory_space<smem>>
      memref.store %get3A_101, %arg7[%swap3A_102] : memref<4xf32, #tpu.memory_space<smem>>
      %get3A_104 = arith.constant 2 : index
      %get3A_105 = memref.load %arg8[%get3A_104] : memref<4xf32, #tpu.memory_space<smem>>
      %swap3A_106 = arith.constant 2 : index
      %swap3A_107 = memref.load %arg7[%swap3A_106] : memref<4xf32, #tpu.memory_space<smem>>
      memref.store %get3A_105, %arg7[%swap3A_106] : memref<4xf32, #tpu.memory_space<smem>>
      %get3A_108 = arith.constant 3 : index
      %get3A_109 = memref.load %arg8[%get3A_108] : memref<4xf32, #tpu.memory_space<smem>>
      %swap3A_110 = arith.constant 3 : index
      %swap3A_111 = memref.load %arg7[%swap3A_110] : memref<4xf32, #tpu.memory_space<smem>>
      memref.store %get3A_109, %arg7[%swap3A_110] : memref<4xf32, #tpu.memory_space<smem>>
    } else {
    }
    return
  }
  func.func @transform_0(%arg0: i32) -> (i32, i32) {
    %c0_i32 = arith.constant 0 : i32
    %c0_i32_0 = arith.constant 0 : i32
    %c0_i32_1 = arith.constant 0 : i32
    return %c0_i32, %c0_i32_0 : i32, i32
  }
  func.func @transform_1(%arg0: i32) -> i32 {
    %c0_i32 = arith.constant 0 : i32
    %c0_i32_0 = arith.constant 0 : i32
    return %c0_i32 : i32
  }
  func.func @transform_2(%arg0: i32) -> (i32, i32) {
    %add3A = arith.constant 0 : i32
    %add3A_0 = arith.addi %arg0, %add3A : i32
    %c0_i32 = arith.constant 0 : i32
    %c0_i32_1 = arith.constant 0 : i32
    return %add3A_0, %c0_i32 : i32, i32
  }
  func.func @transform_3(%arg0: i32) -> (i32, i32) {
    %add3A = arith.constant 0 : i32
    %add3A_0 = arith.addi %arg0, %add3A : i32
    %c0_i32 = arith.constant 0 : i32
    %c0_i32_1 = arith.constant 0 : i32
    return %add3A_0, %c0_i32 : i32, i32
  }
  func.func @transform_4(%arg0: i32) -> (i32, i32) {
    %c0_i32 = arith.constant 0 : i32
    %c0_i32_0 = arith.constant 0 : i32
    return %arg0, %c0_i32 : i32, i32
  }
  func.func @transform_5(%arg0: i32) -> (i32, i32) {
    %add3A = arith.constant 0 : i32
    %add3A_0 = arith.addi %arg0, %add3A : i32
    %c0_i32 = arith.constant 0 : i32
    %c0_i32_1 = arith.constant 0 : i32
    return %add3A_0, %c0_i32 : i32, i32
  }
  func.func @transform_6(%arg0: i32) -> i32 {
    %c0_i32 = arith.constant 0 : i32
    %c0_i32_0 = arith.constant 0 : i32
    return %c0_i32 : i32
  }
}

module attributes {stable_mosaic.version = 14 : i64} {
  func.func @tc_body(%arg0: i32, %arg1: memref<1x1xf32, #tpu.memory_space<smem>>, %arg2: memref<4xf32, #tpu.memory_space<smem>>, %arg3: memref<512x1xi32, #tpu.memory_space<vmem>>, %arg4: memref<512x1xf32, #tpu.memory_space<vmem>>, %arg5: memref<512x200xf32, #tpu.memory_space<vmem>>, %arg6: memref<512x200xf32, #tpu.memory_space<vmem>>, %arg7: memref<4xf32, #tpu.memory_space<smem>>, %arg8: memref<4xf32, #tpu.memory_space<smem>>) attributes {dimension_semantics = [#tpu.dimension_semantics<arbitrary>], iteration_bounds = array<i64: 10>, scalar_prefetch = 0 : i64, scratch_operands = 1 : i64, tpu.core_type = #tpu.core_type<tc>, window_params = [{transform_indices = @transform_0, window_bounds = array<i64: 1, 1>}, {transform_indices = @transform_1, window_bounds = array<i64: 4>}, {transform_indices = @transform_2, window_bounds = array<i64: 512, 1>}, {transform_indices = @transform_3, window_bounds = array<i64: 512, 1>}, {transform_indices = @transform_4, window_bounds = array<i64: 512, 200>}, {transform_indices = @transform_5, window_bounds = array<i64: 512, 200>}, {transform_indices = @transform_6, window_bounds = array<i64: 4>}]} {
    %eq3A = arith.constant 0 : i32
    %eq3A_0 = arith.cmpi eq, %arg0, %eq3A : i32
    %convert_element_type3A = arith.extui %eq3A_0 : i1 to i32
    %cond3A = arith.constant 0 : i32
    %cond3A_1 = arith.cmpi ne, %convert_element_type3A, %cond3A : i32
    scf.if %cond3A_1 {
      %get3A_96 = arith.constant 0 : index
      %get3A_97 = memref.load %arg2[%get3A_96] : memref<4xf32, #tpu.memory_space<smem>>
      %swap3A_98 = arith.constant 0 : index
      %swap3A_99 = memref.load %arg8[%swap3A_98] : memref<4xf32, #tpu.memory_space<smem>>
      memref.store %get3A_97, %arg8[%swap3A_98] : memref<4xf32, #tpu.memory_space<smem>>
      %get3A_100 = arith.constant 1 : index
      %get3A_101 = memref.load %arg2[%get3A_100] : memref<4xf32, #tpu.memory_space<smem>>
      %swap3A_102 = arith.constant 1 : index
      %swap3A_103 = memref.load %arg8[%swap3A_102] : memref<4xf32, #tpu.memory_space<smem>>
      memref.store %get3A_101, %arg8[%swap3A_102] : memref<4xf32, #tpu.memory_space<smem>>
      %get3A_104 = arith.constant 2 : index
      %get3A_105 = memref.load %arg2[%get3A_104] : memref<4xf32, #tpu.memory_space<smem>>
      %swap3A_106 = arith.constant 2 : index
      %swap3A_107 = memref.load %arg8[%swap3A_106] : memref<4xf32, #tpu.memory_space<smem>>
      memref.store %get3A_105, %arg8[%swap3A_106] : memref<4xf32, #tpu.memory_space<smem>>
      %get3A_108 = arith.constant 3 : index
      %get3A_109 = memref.load %arg2[%get3A_108] : memref<4xf32, #tpu.memory_space<smem>>
      %swap3A_110 = arith.constant 3 : index
      %swap3A_111 = memref.load %arg8[%swap3A_110] : memref<4xf32, #tpu.memory_space<smem>>
      memref.store %get3A_109, %arg8[%swap3A_110] : memref<4xf32, #tpu.memory_space<smem>>
    } else {
    }
    %get3A = arith.constant 0 : index
    %get3A_2 = arith.constant 0 : index
    %get3A_3 = vector.load %arg5[%get3A, %get3A_2] : memref<512x200xf32, #tpu.memory_space<vmem>>, vector<512x200xf32>
    %mul3A = arith.constant 5.000000e+00 : f32
    %mul3A_4 = vector.broadcast %mul3A : f32 to vector<512x200xf32>
    %mul3A_5 = arith.mulf %get3A_3, %mul3A_4 : vector<512x200xf32>
    %iota3A = tpu.iota {dimensions = array<i32: 1>} : vector<512x200xi32>
    %get3A_6 = arith.constant 0 : index
    %get3A_7 = arith.constant 0 : index
    %get3A_8 = vector.load %arg3[%get3A_6, %get3A_7] : memref<512x1xi32, #tpu.memory_space<vmem>>, vector<512x1xi32>
    %lt3A = vector.broadcast %get3A_8 : vector<512x1xi32> to vector<512x200xi32>
    %lt3A_9 = arith.cmpi slt, %iota3A, %lt3A : vector<512x200xi32>
    %convert_element_type3A_10 = arith.extui %lt3A_9 : vector<512x200xi1> to vector<512x200xi32>
    %convert_element_type3A_11 = arith.sitofp %convert_element_type3A_10 : vector<512x200xi32> to vector<512x200xf32>
    %exp3A = math.exp %mul3A_5 : vector<512x200xf32>
    %jit3A = arith.constant 0.000000e+00 : f32
    %broadcast_in_dim3A = vector.broadcast %jit3A : f32 to vector<512x200xf32>
    %select_n3A = arith.select %lt3A_9, %exp3A, %broadcast_in_dim3A : vector<512x200xi1>, vector<512x200xf32>
    %iota3A_12 = tpu.iota {dimensions = array<i32: 0>} : vector<200x200xi32>
    %iota3A_13 = tpu.iota {dimensions = array<i32: 1>} : vector<200x200xi32>
    %ge3A = arith.cmpi sge, %iota3A_12, %iota3A_13 : vector<200x200xi32>
    %convert_element_type3A_14 = arith.extui %ge3A : vector<200x200xi1> to vector<200x200xi32>
    %convert_element_type3A_15 = arith.sitofp %convert_element_type3A_14 : vector<200x200xi32> to vector<200x200xf32>
    %dot_general3A = arith.constant dense<0.000000e+00> : vector<512x200xf32>
    %dot_general3A_16 = tpu.matmul %select_n3A, %convert_element_type3A_15, %dot_general3A {dimension_numbers = #tpu.dot_dimension_numbers<[1], [0], [0], [1], [0, 0, 1, 1], [], []>, transpose_lhs_hint = false} : vector<512x200xf32>, vector<200x200xf32>, vector<512x200xf32> -> vector<512x200xf32>
    %add3A = arith.constant 9.99999996E-13 : f32
    %add3A_17 = vector.broadcast %add3A : f32 to vector<512x200xf32>
    %add3A_18 = arith.addf %dot_general3A_16, %add3A_17 : vector<512x200xf32>
    %log3A = math.log %add3A_18 : vector<512x200xf32>
    %mul3A_19 = arith.mulf %mul3A_5, %convert_element_type3A_11 : vector<512x200xf32>
    %reduce_sum3A = vector.shape_cast %mul3A_19 : vector<512x200xf32> to vector<1x512x200xf32>
    %reduce_sum3A_20 = arith.constant dense<0.000000e+00> : vector<1xf32>
    %reduce_sum3A_21 = vector.multi_reduction <add>, %reduce_sum3A, %reduce_sum3A_20 [1, 2] : vector<1x512x200xf32> to vector<1xf32>
    %reduce_sum3A_22 = vector.shape_cast %reduce_sum3A_21 : vector<1xf32> to vector<1x1x1xf32>
    %reduce_sum3A_23 = vector.extract %reduce_sum3A_22[0, 0, 0] : f32 from vector<1x1x1xf32>
    %mul3A_24 = arith.mulf %log3A, %convert_element_type3A_11 : vector<512x200xf32>
    %reduce_sum3A_25 = vector.shape_cast %mul3A_24 : vector<512x200xf32> to vector<1x512x200xf32>
    %reduce_sum3A_26 = arith.constant dense<0.000000e+00> : vector<1xf32>
    %reduce_sum3A_27 = vector.multi_reduction <add>, %reduce_sum3A_25, %reduce_sum3A_26 [1, 2] : vector<1x512x200xf32> to vector<1xf32>
    %reduce_sum3A_28 = vector.shape_cast %reduce_sum3A_27 : vector<1xf32> to vector<1x1x1xf32>
    %reduce_sum3A_29 = vector.extract %reduce_sum3A_28[0, 0, 0] : f32 from vector<1x1x1xf32>
    %get3A_30 = arith.constant 0 : index
    %get3A_31 = arith.constant 0 : index
    %get3A_32 = vector.load %arg6[%get3A_30, %get3A_31] : memref<512x200xf32, #tpu.memory_space<vmem>>, vector<512x200xf32>
    %sub3A = arith.constant 5.000000e-01 : f32
    %sub3A_33 = vector.broadcast %sub3A : f32 to vector<512x200xf32>
    %sub3A_34 = arith.subf %get3A_32, %sub3A_33 : vector<512x200xf32>
    %neg3A = arith.constant 0.000000e+00 : f32
    %neg3A_35 = vector.broadcast %neg3A : f32 to vector<512x200xf32>
    %neg3A_36 = arith.subf %neg3A_35, %sub3A_34 : vector<512x200xf32>
    %exp3A_37 = math.exp %neg3A_36 : vector<512x200xf32>
    %add3A_38 = arith.constant 1.000000e+00 : f32
    %add3A_39 = vector.broadcast %add3A_38 : f32 to vector<512x200xf32>
    %add3A_40 = arith.addf %add3A_39, %exp3A_37 : vector<512x200xf32>
    %div3A = arith.constant 1.000000e+00 : f32
    %div3A_41 = vector.broadcast %div3A : f32 to vector<512x200xf32>
    %div3A_42 = arith.divf %div3A_41, %add3A_40 : vector<512x200xf32>
    %max3A = arith.constant 1.000000e-01 : f32
    %max3A_43 = vector.broadcast %max3A : f32 to vector<512x200xf32>
    %max3A_44 = arith.maximumf %div3A_42, %max3A_43 : vector<512x200xf32>
    %mul3A_45 = arith.mulf %max3A_44, %convert_element_type3A_11 : vector<512x200xf32>
    %get3A_46 = arith.constant 0 : index
    %get3A_47 = arith.constant 0 : index
    %get3A_48 = memref.load %arg1[%get3A_46, %get3A_47] : memref<1x1xf32, #tpu.memory_space<smem>>
    %mul3A_49 = vector.broadcast %get3A_48 : f32 to vector<512x200xf32>
    %mul3A_50 = arith.mulf %mul3A_49, %mul3A_5 : vector<512x200xf32>
    %get3A_51 = arith.constant 0 : index
    %get3A_52 = arith.constant 0 : index
    %get3A_53 = vector.load %arg4[%get3A_51, %get3A_52] : memref<512x1xf32, #tpu.memory_space<vmem>>, vector<512x1xf32>
    %add3A_54 = vector.broadcast %get3A_53 : vector<512x1xf32> to vector<512x200xf32>
    %add3A_55 = arith.addf %mul3A_50, %add3A_54 : vector<512x200xf32>
    %mul3A_56 = arith.constant 5.000000e+00 : f32
    %mul3A_57 = vector.broadcast %mul3A_56 : f32 to vector<512x200xf32>
    %mul3A_58 = arith.mulf %get3A_32, %mul3A_57 : vector<512x200xf32>
    %sub3A_59 = arith.subf %add3A_55, %mul3A_58 : vector<512x200xf32>
    %mul3A_60 = arith.mulf %sub3A_59, %sub3A_59 : vector<512x200xf32>
    %mul3A_61 = arith.mulf %mul3A_60, %mul3A_45 : vector<512x200xf32>
    %reduce_sum3A_62 = vector.shape_cast %mul3A_61 : vector<512x200xf32> to vector<1x512x200xf32>
    %reduce_sum3A_63 = arith.constant dense<0.000000e+00> : vector<1xf32>
    %reduce_sum3A_64 = vector.multi_reduction <add>, %reduce_sum3A_62, %reduce_sum3A_63 [1, 2] : vector<1x512x200xf32> to vector<1xf32>
    %reduce_sum3A_65 = vector.shape_cast %reduce_sum3A_64 : vector<1xf32> to vector<1x1x1xf32>
    %reduce_sum3A_66 = vector.extract %reduce_sum3A_65[0, 0, 0] : f32 from vector<1x1x1xf32>
    %reduce_sum3A_67 = vector.shape_cast %mul3A_45 : vector<512x200xf32> to vector<1x512x200xf32>
    %reduce_sum3A_68 = arith.constant dense<0.000000e+00> : vector<1xf32>
    %reduce_sum3A_69 = vector.multi_reduction <add>, %reduce_sum3A_67, %reduce_sum3A_68 [1, 2] : vector<1x512x200xf32> to vector<1xf32>
    %reduce_sum3A_70 = vector.shape_cast %reduce_sum3A_69 : vector<1xf32> to vector<1x1x1xf32>
    %reduce_sum3A_71 = vector.extract %reduce_sum3A_70[0, 0, 0] : f32 from vector<1x1x1xf32>
    %get3A_72 = arith.constant 0 : index
    %get3A_73 = memref.load %arg8[%get3A_72] : memref<4xf32, #tpu.memory_space<smem>>
    %add3A_74 = arith.addf %get3A_73, %reduce_sum3A_23 : f32
    %swap3A = arith.constant 0 : index
    %swap3A_75 = memref.load %arg8[%swap3A] : memref<4xf32, #tpu.memory_space<smem>>
    memref.store %add3A_74, %arg8[%swap3A] : memref<4xf32, #tpu.memory_space<smem>>
    %get3A_76 = arith.constant 1 : index
    %get3A_77 = memref.load %arg8[%get3A_76] : memref<4xf32, #tpu.memory_space<smem>>
    %add3A_78 = arith.addf %get3A_77, %reduce_sum3A_29 : f32
    %swap3A_79 = arith.constant 1 : index
    %swap3A_80 = memref.load %arg8[%swap3A_79] : memref<4xf32, #tpu.memory_space<smem>>
    memref.store %add3A_78, %arg8[%swap3A_79] : memref<4xf32, #tpu.memory_space<smem>>
    %get3A_81 = arith.constant 2 : index
    %get3A_82 = memref.load %arg8[%get3A_81] : memref<4xf32, #tpu.memory_space<smem>>
    %add3A_83 = arith.addf %get3A_82, %reduce_sum3A_66 : f32
    %swap3A_84 = arith.constant 2 : index
    %swap3A_85 = memref.load %arg8[%swap3A_84] : memref<4xf32, #tpu.memory_space<smem>>
    memref.store %add3A_83, %arg8[%swap3A_84] : memref<4xf32, #tpu.memory_space<smem>>
    %get3A_86 = arith.constant 3 : index
    %get3A_87 = memref.load %arg8[%get3A_86] : memref<4xf32, #tpu.memory_space<smem>>
    %add3A_88 = arith.addf %get3A_87, %reduce_sum3A_71 : f32
    %swap3A_89 = arith.constant 3 : index
    %swap3A_90 = memref.load %arg8[%swap3A_89] : memref<4xf32, #tpu.memory_space<smem>>
    memref.store %add3A_88, %arg8[%swap3A_89] : memref<4xf32, #tpu.memory_space<smem>>
    %eq3A_91 = arith.constant 9 : i32
    %eq3A_92 = arith.cmpi eq, %arg0, %eq3A_91 : i32
    %convert_element_type3A_93 = arith.extui %eq3A_92 : i1 to i32
    %cond3A_94 = arith.constant 0 : i32
    %cond3A_95 = arith.cmpi ne, %convert_element_type3A_93, %cond3A_94 : i32
    scf.if %cond3A_95 {
      %get3A_96 = arith.constant 0 : index
      %get3A_97 = memref.load %arg8[%get3A_96] : memref<4xf32, #tpu.memory_space<smem>>
      %swap3A_98 = arith.constant 0 : index
      %swap3A_99 = memref.load %arg7[%swap3A_98] : memref<4xf32, #tpu.memory_space<smem>>
      memref.store %get3A_97, %arg7[%swap3A_98] : memref<4xf32, #tpu.memory_space<smem>>
      %get3A_100 = arith.constant 1 : index
      %get3A_101 = memref.load %arg8[%get3A_100] : memref<4xf32, #tpu.memory_space<smem>>
      %swap3A_102 = arith.constant 1 : index
      %swap3A_103 = memref.load %arg7[%swap3A_102] : memref<4xf32, #tpu.memory_space<smem>>
      memref.store %get3A_101, %arg7[%swap3A_102] : memref<4xf32, #tpu.memory_space<smem>>
      %get3A_104 = arith.constant 2 : index
      %get3A_105 = memref.load %arg8[%get3A_104] : memref<4xf32, #tpu.memory_space<smem>>
      %swap3A_106 = arith.constant 2 : index
      %swap3A_107 = memref.load %arg7[%swap3A_106] : memref<4xf32, #tpu.memory_space<smem>>
      memref.store %get3A_105, %arg7[%swap3A_106] : memref<4xf32, #tpu.memory_space<smem>>
      %get3A_108 = arith.constant 3 : index
      %get3A_109 = memref.load %arg8[%get3A_108] : memref<4xf32, #tpu.memory_space<smem>>
      %swap3A_110 = arith.constant 3 : index
      %swap3A_111 = memref.load %arg7[%swap3A_110] : memref<4xf32, #tpu.memory_space<smem>>
      memref.store %get3A_109, %arg7[%swap3A_110] : memref<4xf32, #tpu.memory_space<smem>>
    } else {
    }
    return
  }
  func.func @transform_0(%arg0: i32) -> (i32, i32) {
    %c0_i32 = arith.constant 0 : i32
    %c0_i32_0 = arith.constant 0 : i32
    %c0_i32_1 = arith.constant 0 : i32
    return %c0_i32, %c0_i32_0 : i32, i32
  }
  func.func @transform_1(%arg0: i32) -> i32 {
    %c0_i32 = arith.constant 0 : i32
    %c0_i32_0 = arith.constant 0 : i32
    return %c0_i32 : i32
  }
  func.func @transform_2(%arg0: i32) -> (i32, i32) {
    %add3A = arith.constant 2 : i32
    %add3A_0 = arith.addi %arg0, %add3A : i32
    %c0_i32 = arith.constant 0 : i32
    %c0_i32_1 = arith.constant 0 : i32
    return %add3A_0, %c0_i32 : i32, i32
  }
  func.func @transform_3(%arg0: i32) -> (i32, i32) {
    %add3A = arith.constant 2 : i32
    %add3A_0 = arith.addi %arg0, %add3A : i32
    %c0_i32 = arith.constant 0 : i32
    %c0_i32_1 = arith.constant 0 : i32
    return %add3A_0, %c0_i32 : i32, i32
  }
  func.func @transform_4(%arg0: i32) -> (i32, i32) {
    %c0_i32 = arith.constant 0 : i32
    %c0_i32_0 = arith.constant 0 : i32
    return %arg0, %c0_i32 : i32, i32
  }
  func.func @transform_5(%arg0: i32) -> (i32, i32) {
    %add3A = arith.constant 2 : i32
    %add3A_0 = arith.addi %arg0, %add3A : i32
    %c0_i32 = arith.constant 0 : i32
    %c0_i32_1 = arith.constant 0 : i32
    return %add3A_0, %c0_i32 : i32, i32
  }
  func.func @transform_6(%arg0: i32) -> i32 {
    %c0_i32 = arith.constant 0 : i32
    %c0_i32_0 = arith.constant 0 : i32
    return %c0_i32 : i32
  }
}

module attributes {stable_mosaic.version = 14 : i64} {
  func.func @tc_body(%arg0: i32, %arg1: memref<1x1xf32, #tpu.memory_space<smem>>, %arg2: memref<4xf32, #tpu.memory_space<smem>>, %arg3: memref<512x1xi32, #tpu.memory_space<vmem>>, %arg4: memref<512x1xf32, #tpu.memory_space<vmem>>, %arg5: memref<512x200xf32, #tpu.memory_space<vmem>>, %arg6: memref<512x200xf32, #tpu.memory_space<vmem>>, %arg7: memref<4xf32, #tpu.memory_space<smem>>, %arg8: memref<4xf32, #tpu.memory_space<smem>>) attributes {dimension_semantics = [#tpu.dimension_semantics<arbitrary>], iteration_bounds = array<i64: 10>, scalar_prefetch = 0 : i64, scratch_operands = 1 : i64, tpu.core_type = #tpu.core_type<tc>, window_params = [{transform_indices = @transform_0, window_bounds = array<i64: 1, 1>}, {transform_indices = @transform_1, window_bounds = array<i64: 4>}, {transform_indices = @transform_2, window_bounds = array<i64: 512, 1>}, {transform_indices = @transform_3, window_bounds = array<i64: 512, 1>}, {transform_indices = @transform_4, window_bounds = array<i64: 512, 200>}, {transform_indices = @transform_5, window_bounds = array<i64: 512, 200>}, {transform_indices = @transform_6, window_bounds = array<i64: 4>}]} {
    %eq3A = arith.constant 0 : i32
    %eq3A_0 = arith.cmpi eq, %arg0, %eq3A : i32
    %convert_element_type3A = arith.extui %eq3A_0 : i1 to i32
    %cond3A = arith.constant 0 : i32
    %cond3A_1 = arith.cmpi ne, %convert_element_type3A, %cond3A : i32
    scf.if %cond3A_1 {
      %get3A_96 = arith.constant 0 : index
      %get3A_97 = memref.load %arg2[%get3A_96] : memref<4xf32, #tpu.memory_space<smem>>
      %swap3A_98 = arith.constant 0 : index
      %swap3A_99 = memref.load %arg8[%swap3A_98] : memref<4xf32, #tpu.memory_space<smem>>
      memref.store %get3A_97, %arg8[%swap3A_98] : memref<4xf32, #tpu.memory_space<smem>>
      %get3A_100 = arith.constant 1 : index
      %get3A_101 = memref.load %arg2[%get3A_100] : memref<4xf32, #tpu.memory_space<smem>>
      %swap3A_102 = arith.constant 1 : index
      %swap3A_103 = memref.load %arg8[%swap3A_102] : memref<4xf32, #tpu.memory_space<smem>>
      memref.store %get3A_101, %arg8[%swap3A_102] : memref<4xf32, #tpu.memory_space<smem>>
      %get3A_104 = arith.constant 2 : index
      %get3A_105 = memref.load %arg2[%get3A_104] : memref<4xf32, #tpu.memory_space<smem>>
      %swap3A_106 = arith.constant 2 : index
      %swap3A_107 = memref.load %arg8[%swap3A_106] : memref<4xf32, #tpu.memory_space<smem>>
      memref.store %get3A_105, %arg8[%swap3A_106] : memref<4xf32, #tpu.memory_space<smem>>
      %get3A_108 = arith.constant 3 : index
      %get3A_109 = memref.load %arg2[%get3A_108] : memref<4xf32, #tpu.memory_space<smem>>
      %swap3A_110 = arith.constant 3 : index
      %swap3A_111 = memref.load %arg8[%swap3A_110] : memref<4xf32, #tpu.memory_space<smem>>
      memref.store %get3A_109, %arg8[%swap3A_110] : memref<4xf32, #tpu.memory_space<smem>>
    } else {
    }
    %get3A = arith.constant 0 : index
    %get3A_2 = arith.constant 0 : index
    %get3A_3 = vector.load %arg5[%get3A, %get3A_2] : memref<512x200xf32, #tpu.memory_space<vmem>>, vector<512x200xf32>
    %mul3A = arith.constant 5.000000e+00 : f32
    %mul3A_4 = vector.broadcast %mul3A : f32 to vector<512x200xf32>
    %mul3A_5 = arith.mulf %get3A_3, %mul3A_4 : vector<512x200xf32>
    %iota3A = tpu.iota {dimensions = array<i32: 1>} : vector<512x200xi32>
    %get3A_6 = arith.constant 0 : index
    %get3A_7 = arith.constant 0 : index
    %get3A_8 = vector.load %arg3[%get3A_6, %get3A_7] : memref<512x1xi32, #tpu.memory_space<vmem>>, vector<512x1xi32>
    %lt3A = vector.broadcast %get3A_8 : vector<512x1xi32> to vector<512x200xi32>
    %lt3A_9 = arith.cmpi slt, %iota3A, %lt3A : vector<512x200xi32>
    %convert_element_type3A_10 = arith.extui %lt3A_9 : vector<512x200xi1> to vector<512x200xi32>
    %convert_element_type3A_11 = arith.sitofp %convert_element_type3A_10 : vector<512x200xi32> to vector<512x200xf32>
    %exp3A = math.exp %mul3A_5 : vector<512x200xf32>
    %jit3A = arith.constant 0.000000e+00 : f32
    %broadcast_in_dim3A = vector.broadcast %jit3A : f32 to vector<512x200xf32>
    %select_n3A = arith.select %lt3A_9, %exp3A, %broadcast_in_dim3A : vector<512x200xi1>, vector<512x200xf32>
    %iota3A_12 = tpu.iota {dimensions = array<i32: 0>} : vector<200x200xi32>
    %iota3A_13 = tpu.iota {dimensions = array<i32: 1>} : vector<200x200xi32>
    %ge3A = arith.cmpi sge, %iota3A_12, %iota3A_13 : vector<200x200xi32>
    %convert_element_type3A_14 = arith.extui %ge3A : vector<200x200xi1> to vector<200x200xi32>
    %convert_element_type3A_15 = arith.sitofp %convert_element_type3A_14 : vector<200x200xi32> to vector<200x200xf32>
    %dot_general3A = arith.constant dense<0.000000e+00> : vector<512x200xf32>
    %dot_general3A_16 = tpu.matmul %select_n3A, %convert_element_type3A_15, %dot_general3A {dimension_numbers = #tpu.dot_dimension_numbers<[1], [0], [0], [1], [0, 0, 1, 1], [], []>, transpose_lhs_hint = false} : vector<512x200xf32>, vector<200x200xf32>, vector<512x200xf32> -> vector<512x200xf32>
    %add3A = arith.constant 9.99999996E-13 : f32
    %add3A_17 = vector.broadcast %add3A : f32 to vector<512x200xf32>
    %add3A_18 = arith.addf %dot_general3A_16, %add3A_17 : vector<512x200xf32>
    %log3A = math.log %add3A_18 : vector<512x200xf32>
    %mul3A_19 = arith.mulf %mul3A_5, %convert_element_type3A_11 : vector<512x200xf32>
    %reduce_sum3A = vector.shape_cast %mul3A_19 : vector<512x200xf32> to vector<1x512x200xf32>
    %reduce_sum3A_20 = arith.constant dense<0.000000e+00> : vector<1xf32>
    %reduce_sum3A_21 = vector.multi_reduction <add>, %reduce_sum3A, %reduce_sum3A_20 [1, 2] : vector<1x512x200xf32> to vector<1xf32>
    %reduce_sum3A_22 = vector.shape_cast %reduce_sum3A_21 : vector<1xf32> to vector<1x1x1xf32>
    %reduce_sum3A_23 = vector.extract %reduce_sum3A_22[0, 0, 0] : f32 from vector<1x1x1xf32>
    %mul3A_24 = arith.mulf %log3A, %convert_element_type3A_11 : vector<512x200xf32>
    %reduce_sum3A_25 = vector.shape_cast %mul3A_24 : vector<512x200xf32> to vector<1x512x200xf32>
    %reduce_sum3A_26 = arith.constant dense<0.000000e+00> : vector<1xf32>
    %reduce_sum3A_27 = vector.multi_reduction <add>, %reduce_sum3A_25, %reduce_sum3A_26 [1, 2] : vector<1x512x200xf32> to vector<1xf32>
    %reduce_sum3A_28 = vector.shape_cast %reduce_sum3A_27 : vector<1xf32> to vector<1x1x1xf32>
    %reduce_sum3A_29 = vector.extract %reduce_sum3A_28[0, 0, 0] : f32 from vector<1x1x1xf32>
    %get3A_30 = arith.constant 0 : index
    %get3A_31 = arith.constant 0 : index
    %get3A_32 = vector.load %arg6[%get3A_30, %get3A_31] : memref<512x200xf32, #tpu.memory_space<vmem>>, vector<512x200xf32>
    %sub3A = arith.constant 5.000000e-01 : f32
    %sub3A_33 = vector.broadcast %sub3A : f32 to vector<512x200xf32>
    %sub3A_34 = arith.subf %get3A_32, %sub3A_33 : vector<512x200xf32>
    %neg3A = arith.constant 0.000000e+00 : f32
    %neg3A_35 = vector.broadcast %neg3A : f32 to vector<512x200xf32>
    %neg3A_36 = arith.subf %neg3A_35, %sub3A_34 : vector<512x200xf32>
    %exp3A_37 = math.exp %neg3A_36 : vector<512x200xf32>
    %add3A_38 = arith.constant 1.000000e+00 : f32
    %add3A_39 = vector.broadcast %add3A_38 : f32 to vector<512x200xf32>
    %add3A_40 = arith.addf %add3A_39, %exp3A_37 : vector<512x200xf32>
    %div3A = arith.constant 1.000000e+00 : f32
    %div3A_41 = vector.broadcast %div3A : f32 to vector<512x200xf32>
    %div3A_42 = arith.divf %div3A_41, %add3A_40 : vector<512x200xf32>
    %max3A = arith.constant 1.000000e-01 : f32
    %max3A_43 = vector.broadcast %max3A : f32 to vector<512x200xf32>
    %max3A_44 = arith.maximumf %div3A_42, %max3A_43 : vector<512x200xf32>
    %mul3A_45 = arith.mulf %max3A_44, %convert_element_type3A_11 : vector<512x200xf32>
    %get3A_46 = arith.constant 0 : index
    %get3A_47 = arith.constant 0 : index
    %get3A_48 = memref.load %arg1[%get3A_46, %get3A_47] : memref<1x1xf32, #tpu.memory_space<smem>>
    %mul3A_49 = vector.broadcast %get3A_48 : f32 to vector<512x200xf32>
    %mul3A_50 = arith.mulf %mul3A_49, %mul3A_5 : vector<512x200xf32>
    %get3A_51 = arith.constant 0 : index
    %get3A_52 = arith.constant 0 : index
    %get3A_53 = vector.load %arg4[%get3A_51, %get3A_52] : memref<512x1xf32, #tpu.memory_space<vmem>>, vector<512x1xf32>
    %add3A_54 = vector.broadcast %get3A_53 : vector<512x1xf32> to vector<512x200xf32>
    %add3A_55 = arith.addf %mul3A_50, %add3A_54 : vector<512x200xf32>
    %mul3A_56 = arith.constant 5.000000e+00 : f32
    %mul3A_57 = vector.broadcast %mul3A_56 : f32 to vector<512x200xf32>
    %mul3A_58 = arith.mulf %get3A_32, %mul3A_57 : vector<512x200xf32>
    %sub3A_59 = arith.subf %add3A_55, %mul3A_58 : vector<512x200xf32>
    %mul3A_60 = arith.mulf %sub3A_59, %sub3A_59 : vector<512x200xf32>
    %mul3A_61 = arith.mulf %mul3A_60, %mul3A_45 : vector<512x200xf32>
    %reduce_sum3A_62 = vector.shape_cast %mul3A_61 : vector<512x200xf32> to vector<1x512x200xf32>
    %reduce_sum3A_63 = arith.constant dense<0.000000e+00> : vector<1xf32>
    %reduce_sum3A_64 = vector.multi_reduction <add>, %reduce_sum3A_62, %reduce_sum3A_63 [1, 2] : vector<1x512x200xf32> to vector<1xf32>
    %reduce_sum3A_65 = vector.shape_cast %reduce_sum3A_64 : vector<1xf32> to vector<1x1x1xf32>
    %reduce_sum3A_66 = vector.extract %reduce_sum3A_65[0, 0, 0] : f32 from vector<1x1x1xf32>
    %reduce_sum3A_67 = vector.shape_cast %mul3A_45 : vector<512x200xf32> to vector<1x512x200xf32>
    %reduce_sum3A_68 = arith.constant dense<0.000000e+00> : vector<1xf32>
    %reduce_sum3A_69 = vector.multi_reduction <add>, %reduce_sum3A_67, %reduce_sum3A_68 [1, 2] : vector<1x512x200xf32> to vector<1xf32>
    %reduce_sum3A_70 = vector.shape_cast %reduce_sum3A_69 : vector<1xf32> to vector<1x1x1xf32>
    %reduce_sum3A_71 = vector.extract %reduce_sum3A_70[0, 0, 0] : f32 from vector<1x1x1xf32>
    %get3A_72 = arith.constant 0 : index
    %get3A_73 = memref.load %arg8[%get3A_72] : memref<4xf32, #tpu.memory_space<smem>>
    %add3A_74 = arith.addf %get3A_73, %reduce_sum3A_23 : f32
    %swap3A = arith.constant 0 : index
    %swap3A_75 = memref.load %arg8[%swap3A] : memref<4xf32, #tpu.memory_space<smem>>
    memref.store %add3A_74, %arg8[%swap3A] : memref<4xf32, #tpu.memory_space<smem>>
    %get3A_76 = arith.constant 1 : index
    %get3A_77 = memref.load %arg8[%get3A_76] : memref<4xf32, #tpu.memory_space<smem>>
    %add3A_78 = arith.addf %get3A_77, %reduce_sum3A_29 : f32
    %swap3A_79 = arith.constant 1 : index
    %swap3A_80 = memref.load %arg8[%swap3A_79] : memref<4xf32, #tpu.memory_space<smem>>
    memref.store %add3A_78, %arg8[%swap3A_79] : memref<4xf32, #tpu.memory_space<smem>>
    %get3A_81 = arith.constant 2 : index
    %get3A_82 = memref.load %arg8[%get3A_81] : memref<4xf32, #tpu.memory_space<smem>>
    %add3A_83 = arith.addf %get3A_82, %reduce_sum3A_66 : f32
    %swap3A_84 = arith.constant 2 : index
    %swap3A_85 = memref.load %arg8[%swap3A_84] : memref<4xf32, #tpu.memory_space<smem>>
    memref.store %add3A_83, %arg8[%swap3A_84] : memref<4xf32, #tpu.memory_space<smem>>
    %get3A_86 = arith.constant 3 : index
    %get3A_87 = memref.load %arg8[%get3A_86] : memref<4xf32, #tpu.memory_space<smem>>
    %add3A_88 = arith.addf %get3A_87, %reduce_sum3A_71 : f32
    %swap3A_89 = arith.constant 3 : index
    %swap3A_90 = memref.load %arg8[%swap3A_89] : memref<4xf32, #tpu.memory_space<smem>>
    memref.store %add3A_88, %arg8[%swap3A_89] : memref<4xf32, #tpu.memory_space<smem>>
    %eq3A_91 = arith.constant 9 : i32
    %eq3A_92 = arith.cmpi eq, %arg0, %eq3A_91 : i32
    %convert_element_type3A_93 = arith.extui %eq3A_92 : i1 to i32
    %cond3A_94 = arith.constant 0 : i32
    %cond3A_95 = arith.cmpi ne, %convert_element_type3A_93, %cond3A_94 : i32
    scf.if %cond3A_95 {
      %get3A_96 = arith.constant 0 : index
      %get3A_97 = memref.load %arg8[%get3A_96] : memref<4xf32, #tpu.memory_space<smem>>
      %swap3A_98 = arith.constant 0 : index
      %swap3A_99 = memref.load %arg7[%swap3A_98] : memref<4xf32, #tpu.memory_space<smem>>
      memref.store %get3A_97, %arg7[%swap3A_98] : memref<4xf32, #tpu.memory_space<smem>>
      %get3A_100 = arith.constant 1 : index
      %get3A_101 = memref.load %arg8[%get3A_100] : memref<4xf32, #tpu.memory_space<smem>>
      %swap3A_102 = arith.constant 1 : index
      %swap3A_103 = memref.load %arg7[%swap3A_102] : memref<4xf32, #tpu.memory_space<smem>>
      memref.store %get3A_101, %arg7[%swap3A_102] : memref<4xf32, #tpu.memory_space<smem>>
      %get3A_104 = arith.constant 2 : index
      %get3A_105 = memref.load %arg8[%get3A_104] : memref<4xf32, #tpu.memory_space<smem>>
      %swap3A_106 = arith.constant 2 : index
      %swap3A_107 = memref.load %arg7[%swap3A_106] : memref<4xf32, #tpu.memory_space<smem>>
      memref.store %get3A_105, %arg7[%swap3A_106] : memref<4xf32, #tpu.memory_space<smem>>
      %get3A_108 = arith.constant 3 : index
      %get3A_109 = memref.load %arg8[%get3A_108] : memref<4xf32, #tpu.memory_space<smem>>
      %swap3A_110 = arith.constant 3 : index
      %swap3A_111 = memref.load %arg7[%swap3A_110] : memref<4xf32, #tpu.memory_space<smem>>
      memref.store %get3A_109, %arg7[%swap3A_110] : memref<4xf32, #tpu.memory_space<smem>>
    } else {
    }
    return
  }
  func.func @transform_0(%arg0: i32) -> (i32, i32) {
    %c0_i32 = arith.constant 0 : i32
    %c0_i32_0 = arith.constant 0 : i32
    %c0_i32_1 = arith.constant 0 : i32
    return %c0_i32, %c0_i32_0 : i32, i32
  }
  func.func @transform_1(%arg0: i32) -> i32 {
    %c0_i32 = arith.constant 0 : i32
    %c0_i32_0 = arith.constant 0 : i32
    return %c0_i32 : i32
  }
  func.func @transform_2(%arg0: i32) -> (i32, i32) {
    %add3A = arith.constant 12 : i32
    %add3A_0 = arith.addi %arg0, %add3A : i32
    %c0_i32 = arith.constant 0 : i32
    %c0_i32_1 = arith.constant 0 : i32
    return %add3A_0, %c0_i32 : i32, i32
  }
  func.func @transform_3(%arg0: i32) -> (i32, i32) {
    %add3A = arith.constant 12 : i32
    %add3A_0 = arith.addi %arg0, %add3A : i32
    %c0_i32 = arith.constant 0 : i32
    %c0_i32_1 = arith.constant 0 : i32
    return %add3A_0, %c0_i32 : i32, i32
  }
  func.func @transform_4(%arg0: i32) -> (i32, i32) {
    %c0_i32 = arith.constant 0 : i32
    %c0_i32_0 = arith.constant 0 : i32
    return %arg0, %c0_i32 : i32, i32
  }
  func.func @transform_5(%arg0: i32) -> (i32, i32) {
    %add3A = arith.constant 12 : i32
    %add3A_0 = arith.addi %arg0, %add3A : i32
    %c0_i32 = arith.constant 0 : i32
    %c0_i32_1 = arith.constant 0 : i32
    return %add3A_0, %c0_i32 : i32, i32
  }
  func.func @transform_6(%arg0: i32) -> i32 {
    %c0_i32 = arith.constant 0 : i32
    %c0_i32_0 = arith.constant 0 : i32
    return %c0_i32 : i32
  }
}

module attributes {stable_mosaic.version = 14 : i64} {
  func.func @tc_body(%arg0: i32, %arg1: memref<1x1xf32, #tpu.memory_space<smem>>, %arg2: memref<4xf32, #tpu.memory_space<smem>>, %arg3: memref<512x1xi32, #tpu.memory_space<vmem>>, %arg4: memref<512x1xf32, #tpu.memory_space<vmem>>, %arg5: memref<512x200xf32, #tpu.memory_space<vmem>>, %arg6: memref<512x200xf32, #tpu.memory_space<vmem>>, %arg7: memref<4xf32, #tpu.memory_space<smem>>, %arg8: memref<4xf32, #tpu.memory_space<smem>>) attributes {dimension_semantics = [#tpu.dimension_semantics<arbitrary>], iteration_bounds = array<i64: 8>, scalar_prefetch = 0 : i64, scratch_operands = 1 : i64, tpu.core_type = #tpu.core_type<tc>, window_params = [{transform_indices = @transform_0, window_bounds = array<i64: 1, 1>}, {transform_indices = @transform_1, window_bounds = array<i64: 4>}, {transform_indices = @transform_2, window_bounds = array<i64: 512, 1>}, {transform_indices = @transform_3, window_bounds = array<i64: 512, 1>}, {transform_indices = @transform_4, window_bounds = array<i64: 512, 200>}, {transform_indices = @transform_5, window_bounds = array<i64: 512, 200>}, {transform_indices = @transform_6, window_bounds = array<i64: 4>}]} {
    %eq3A = arith.constant 0 : i32
    %eq3A_0 = arith.cmpi eq, %arg0, %eq3A : i32
    %convert_element_type3A = arith.extui %eq3A_0 : i1 to i32
    %cond3A = arith.constant 0 : i32
    %cond3A_1 = arith.cmpi ne, %convert_element_type3A, %cond3A : i32
    scf.if %cond3A_1 {
      %get3A_96 = arith.constant 0 : index
      %get3A_97 = memref.load %arg2[%get3A_96] : memref<4xf32, #tpu.memory_space<smem>>
      %swap3A_98 = arith.constant 0 : index
      %swap3A_99 = memref.load %arg8[%swap3A_98] : memref<4xf32, #tpu.memory_space<smem>>
      memref.store %get3A_97, %arg8[%swap3A_98] : memref<4xf32, #tpu.memory_space<smem>>
      %get3A_100 = arith.constant 1 : index
      %get3A_101 = memref.load %arg2[%get3A_100] : memref<4xf32, #tpu.memory_space<smem>>
      %swap3A_102 = arith.constant 1 : index
      %swap3A_103 = memref.load %arg8[%swap3A_102] : memref<4xf32, #tpu.memory_space<smem>>
      memref.store %get3A_101, %arg8[%swap3A_102] : memref<4xf32, #tpu.memory_space<smem>>
      %get3A_104 = arith.constant 2 : index
      %get3A_105 = memref.load %arg2[%get3A_104] : memref<4xf32, #tpu.memory_space<smem>>
      %swap3A_106 = arith.constant 2 : index
      %swap3A_107 = memref.load %arg8[%swap3A_106] : memref<4xf32, #tpu.memory_space<smem>>
      memref.store %get3A_105, %arg8[%swap3A_106] : memref<4xf32, #tpu.memory_space<smem>>
      %get3A_108 = arith.constant 3 : index
      %get3A_109 = memref.load %arg2[%get3A_108] : memref<4xf32, #tpu.memory_space<smem>>
      %swap3A_110 = arith.constant 3 : index
      %swap3A_111 = memref.load %arg8[%swap3A_110] : memref<4xf32, #tpu.memory_space<smem>>
      memref.store %get3A_109, %arg8[%swap3A_110] : memref<4xf32, #tpu.memory_space<smem>>
    } else {
    }
    %get3A = arith.constant 0 : index
    %get3A_2 = arith.constant 0 : index
    %get3A_3 = vector.load %arg5[%get3A, %get3A_2] : memref<512x200xf32, #tpu.memory_space<vmem>>, vector<512x200xf32>
    %mul3A = arith.constant 5.000000e+00 : f32
    %mul3A_4 = vector.broadcast %mul3A : f32 to vector<512x200xf32>
    %mul3A_5 = arith.mulf %get3A_3, %mul3A_4 : vector<512x200xf32>
    %iota3A = tpu.iota {dimensions = array<i32: 1>} : vector<512x200xi32>
    %get3A_6 = arith.constant 0 : index
    %get3A_7 = arith.constant 0 : index
    %get3A_8 = vector.load %arg3[%get3A_6, %get3A_7] : memref<512x1xi32, #tpu.memory_space<vmem>>, vector<512x1xi32>
    %lt3A = vector.broadcast %get3A_8 : vector<512x1xi32> to vector<512x200xi32>
    %lt3A_9 = arith.cmpi slt, %iota3A, %lt3A : vector<512x200xi32>
    %convert_element_type3A_10 = arith.extui %lt3A_9 : vector<512x200xi1> to vector<512x200xi32>
    %convert_element_type3A_11 = arith.sitofp %convert_element_type3A_10 : vector<512x200xi32> to vector<512x200xf32>
    %exp3A = math.exp %mul3A_5 : vector<512x200xf32>
    %jit3A = arith.constant 0.000000e+00 : f32
    %broadcast_in_dim3A = vector.broadcast %jit3A : f32 to vector<512x200xf32>
    %select_n3A = arith.select %lt3A_9, %exp3A, %broadcast_in_dim3A : vector<512x200xi1>, vector<512x200xf32>
    %iota3A_12 = tpu.iota {dimensions = array<i32: 0>} : vector<200x200xi32>
    %iota3A_13 = tpu.iota {dimensions = array<i32: 1>} : vector<200x200xi32>
    %ge3A = arith.cmpi sge, %iota3A_12, %iota3A_13 : vector<200x200xi32>
    %convert_element_type3A_14 = arith.extui %ge3A : vector<200x200xi1> to vector<200x200xi32>
    %convert_element_type3A_15 = arith.sitofp %convert_element_type3A_14 : vector<200x200xi32> to vector<200x200xf32>
    %dot_general3A = arith.constant dense<0.000000e+00> : vector<512x200xf32>
    %dot_general3A_16 = tpu.matmul %select_n3A, %convert_element_type3A_15, %dot_general3A {dimension_numbers = #tpu.dot_dimension_numbers<[1], [0], [0], [1], [0, 0, 1, 1], [], []>, transpose_lhs_hint = false} : vector<512x200xf32>, vector<200x200xf32>, vector<512x200xf32> -> vector<512x200xf32>
    %add3A = arith.constant 9.99999996E-13 : f32
    %add3A_17 = vector.broadcast %add3A : f32 to vector<512x200xf32>
    %add3A_18 = arith.addf %dot_general3A_16, %add3A_17 : vector<512x200xf32>
    %log3A = math.log %add3A_18 : vector<512x200xf32>
    %mul3A_19 = arith.mulf %mul3A_5, %convert_element_type3A_11 : vector<512x200xf32>
    %reduce_sum3A = vector.shape_cast %mul3A_19 : vector<512x200xf32> to vector<1x512x200xf32>
    %reduce_sum3A_20 = arith.constant dense<0.000000e+00> : vector<1xf32>
    %reduce_sum3A_21 = vector.multi_reduction <add>, %reduce_sum3A, %reduce_sum3A_20 [1, 2] : vector<1x512x200xf32> to vector<1xf32>
    %reduce_sum3A_22 = vector.shape_cast %reduce_sum3A_21 : vector<1xf32> to vector<1x1x1xf32>
    %reduce_sum3A_23 = vector.extract %reduce_sum3A_22[0, 0, 0] : f32 from vector<1x1x1xf32>
    %mul3A_24 = arith.mulf %log3A, %convert_element_type3A_11 : vector<512x200xf32>
    %reduce_sum3A_25 = vector.shape_cast %mul3A_24 : vector<512x200xf32> to vector<1x512x200xf32>
    %reduce_sum3A_26 = arith.constant dense<0.000000e+00> : vector<1xf32>
    %reduce_sum3A_27 = vector.multi_reduction <add>, %reduce_sum3A_25, %reduce_sum3A_26 [1, 2] : vector<1x512x200xf32> to vector<1xf32>
    %reduce_sum3A_28 = vector.shape_cast %reduce_sum3A_27 : vector<1xf32> to vector<1x1x1xf32>
    %reduce_sum3A_29 = vector.extract %reduce_sum3A_28[0, 0, 0] : f32 from vector<1x1x1xf32>
    %get3A_30 = arith.constant 0 : index
    %get3A_31 = arith.constant 0 : index
    %get3A_32 = vector.load %arg6[%get3A_30, %get3A_31] : memref<512x200xf32, #tpu.memory_space<vmem>>, vector<512x200xf32>
    %sub3A = arith.constant 5.000000e-01 : f32
    %sub3A_33 = vector.broadcast %sub3A : f32 to vector<512x200xf32>
    %sub3A_34 = arith.subf %get3A_32, %sub3A_33 : vector<512x200xf32>
    %neg3A = arith.constant 0.000000e+00 : f32
    %neg3A_35 = vector.broadcast %neg3A : f32 to vector<512x200xf32>
    %neg3A_36 = arith.subf %neg3A_35, %sub3A_34 : vector<512x200xf32>
    %exp3A_37 = math.exp %neg3A_36 : vector<512x200xf32>
    %add3A_38 = arith.constant 1.000000e+00 : f32
    %add3A_39 = vector.broadcast %add3A_38 : f32 to vector<512x200xf32>
    %add3A_40 = arith.addf %add3A_39, %exp3A_37 : vector<512x200xf32>
    %div3A = arith.constant 1.000000e+00 : f32
    %div3A_41 = vector.broadcast %div3A : f32 to vector<512x200xf32>
    %div3A_42 = arith.divf %div3A_41, %add3A_40 : vector<512x200xf32>
    %max3A = arith.constant 1.000000e-01 : f32
    %max3A_43 = vector.broadcast %max3A : f32 to vector<512x200xf32>
    %max3A_44 = arith.maximumf %div3A_42, %max3A_43 : vector<512x200xf32>
    %mul3A_45 = arith.mulf %max3A_44, %convert_element_type3A_11 : vector<512x200xf32>
    %get3A_46 = arith.constant 0 : index
    %get3A_47 = arith.constant 0 : index
    %get3A_48 = memref.load %arg1[%get3A_46, %get3A_47] : memref<1x1xf32, #tpu.memory_space<smem>>
    %mul3A_49 = vector.broadcast %get3A_48 : f32 to vector<512x200xf32>
    %mul3A_50 = arith.mulf %mul3A_49, %mul3A_5 : vector<512x200xf32>
    %get3A_51 = arith.constant 0 : index
    %get3A_52 = arith.constant 0 : index
    %get3A_53 = vector.load %arg4[%get3A_51, %get3A_52] : memref<512x1xf32, #tpu.memory_space<vmem>>, vector<512x1xf32>
    %add3A_54 = vector.broadcast %get3A_53 : vector<512x1xf32> to vector<512x200xf32>
    %add3A_55 = arith.addf %mul3A_50, %add3A_54 : vector<512x200xf32>
    %mul3A_56 = arith.constant 5.000000e+00 : f32
    %mul3A_57 = vector.broadcast %mul3A_56 : f32 to vector<512x200xf32>
    %mul3A_58 = arith.mulf %get3A_32, %mul3A_57 : vector<512x200xf32>
    %sub3A_59 = arith.subf %add3A_55, %mul3A_58 : vector<512x200xf32>
    %mul3A_60 = arith.mulf %sub3A_59, %sub3A_59 : vector<512x200xf32>
    %mul3A_61 = arith.mulf %mul3A_60, %mul3A_45 : vector<512x200xf32>
    %reduce_sum3A_62 = vector.shape_cast %mul3A_61 : vector<512x200xf32> to vector<1x512x200xf32>
    %reduce_sum3A_63 = arith.constant dense<0.000000e+00> : vector<1xf32>
    %reduce_sum3A_64 = vector.multi_reduction <add>, %reduce_sum3A_62, %reduce_sum3A_63 [1, 2] : vector<1x512x200xf32> to vector<1xf32>
    %reduce_sum3A_65 = vector.shape_cast %reduce_sum3A_64 : vector<1xf32> to vector<1x1x1xf32>
    %reduce_sum3A_66 = vector.extract %reduce_sum3A_65[0, 0, 0] : f32 from vector<1x1x1xf32>
    %reduce_sum3A_67 = vector.shape_cast %mul3A_45 : vector<512x200xf32> to vector<1x512x200xf32>
    %reduce_sum3A_68 = arith.constant dense<0.000000e+00> : vector<1xf32>
    %reduce_sum3A_69 = vector.multi_reduction <add>, %reduce_sum3A_67, %reduce_sum3A_68 [1, 2] : vector<1x512x200xf32> to vector<1xf32>
    %reduce_sum3A_70 = vector.shape_cast %reduce_sum3A_69 : vector<1xf32> to vector<1x1x1xf32>
    %reduce_sum3A_71 = vector.extract %reduce_sum3A_70[0, 0, 0] : f32 from vector<1x1x1xf32>
    %get3A_72 = arith.constant 0 : index
    %get3A_73 = memref.load %arg8[%get3A_72] : memref<4xf32, #tpu.memory_space<smem>>
    %add3A_74 = arith.addf %get3A_73, %reduce_sum3A_23 : f32
    %swap3A = arith.constant 0 : index
    %swap3A_75 = memref.load %arg8[%swap3A] : memref<4xf32, #tpu.memory_space<smem>>
    memref.store %add3A_74, %arg8[%swap3A] : memref<4xf32, #tpu.memory_space<smem>>
    %get3A_76 = arith.constant 1 : index
    %get3A_77 = memref.load %arg8[%get3A_76] : memref<4xf32, #tpu.memory_space<smem>>
    %add3A_78 = arith.addf %get3A_77, %reduce_sum3A_29 : f32
    %swap3A_79 = arith.constant 1 : index
    %swap3A_80 = memref.load %arg8[%swap3A_79] : memref<4xf32, #tpu.memory_space<smem>>
    memref.store %add3A_78, %arg8[%swap3A_79] : memref<4xf32, #tpu.memory_space<smem>>
    %get3A_81 = arith.constant 2 : index
    %get3A_82 = memref.load %arg8[%get3A_81] : memref<4xf32, #tpu.memory_space<smem>>
    %add3A_83 = arith.addf %get3A_82, %reduce_sum3A_66 : f32
    %swap3A_84 = arith.constant 2 : index
    %swap3A_85 = memref.load %arg8[%swap3A_84] : memref<4xf32, #tpu.memory_space<smem>>
    memref.store %add3A_83, %arg8[%swap3A_84] : memref<4xf32, #tpu.memory_space<smem>>
    %get3A_86 = arith.constant 3 : index
    %get3A_87 = memref.load %arg8[%get3A_86] : memref<4xf32, #tpu.memory_space<smem>>
    %add3A_88 = arith.addf %get3A_87, %reduce_sum3A_71 : f32
    %swap3A_89 = arith.constant 3 : index
    %swap3A_90 = memref.load %arg8[%swap3A_89] : memref<4xf32, #tpu.memory_space<smem>>
    memref.store %add3A_88, %arg8[%swap3A_89] : memref<4xf32, #tpu.memory_space<smem>>
    %eq3A_91 = arith.constant 7 : i32
    %eq3A_92 = arith.cmpi eq, %arg0, %eq3A_91 : i32
    %convert_element_type3A_93 = arith.extui %eq3A_92 : i1 to i32
    %cond3A_94 = arith.constant 0 : i32
    %cond3A_95 = arith.cmpi ne, %convert_element_type3A_93, %cond3A_94 : i32
    scf.if %cond3A_95 {
      %get3A_96 = arith.constant 0 : index
      %get3A_97 = memref.load %arg8[%get3A_96] : memref<4xf32, #tpu.memory_space<smem>>
      %swap3A_98 = arith.constant 0 : index
      %swap3A_99 = memref.load %arg7[%swap3A_98] : memref<4xf32, #tpu.memory_space<smem>>
      memref.store %get3A_97, %arg7[%swap3A_98] : memref<4xf32, #tpu.memory_space<smem>>
      %get3A_100 = arith.constant 1 : index
      %get3A_101 = memref.load %arg8[%get3A_100] : memref<4xf32, #tpu.memory_space<smem>>
      %swap3A_102 = arith.constant 1 : index
      %swap3A_103 = memref.load %arg7[%swap3A_102] : memref<4xf32, #tpu.memory_space<smem>>
      memref.store %get3A_101, %arg7[%swap3A_102] : memref<4xf32, #tpu.memory_space<smem>>
      %get3A_104 = arith.constant 2 : index
      %get3A_105 = memref.load %arg8[%get3A_104] : memref<4xf32, #tpu.memory_space<smem>>
      %swap3A_106 = arith.constant 2 : index
      %swap3A_107 = memref.load %arg7[%swap3A_106] : memref<4xf32, #tpu.memory_space<smem>>
      memref.store %get3A_105, %arg7[%swap3A_106] : memref<4xf32, #tpu.memory_space<smem>>
      %get3A_108 = arith.constant 3 : index
      %get3A_109 = memref.load %arg8[%get3A_108] : memref<4xf32, #tpu.memory_space<smem>>
      %swap3A_110 = arith.constant 3 : index
      %swap3A_111 = memref.load %arg7[%swap3A_110] : memref<4xf32, #tpu.memory_space<smem>>
      memref.store %get3A_109, %arg7[%swap3A_110] : memref<4xf32, #tpu.memory_space<smem>>
    } else {
    }
    return
  }
  func.func @transform_0(%arg0: i32) -> (i32, i32) {
    %c0_i32 = arith.constant 0 : i32
    %c0_i32_0 = arith.constant 0 : i32
    %c0_i32_1 = arith.constant 0 : i32
    return %c0_i32, %c0_i32_0 : i32, i32
  }
  func.func @transform_1(%arg0: i32) -> i32 {
    %c0_i32 = arith.constant 0 : i32
    %c0_i32_0 = arith.constant 0 : i32
    return %c0_i32 : i32
  }
  func.func @transform_2(%arg0: i32) -> (i32, i32) {
    %add3A = arith.constant 22 : i32
    %add3A_0 = arith.addi %arg0, %add3A : i32
    %c0_i32 = arith.constant 0 : i32
    %c0_i32_1 = arith.constant 0 : i32
    return %add3A_0, %c0_i32 : i32, i32
  }
  func.func @transform_3(%arg0: i32) -> (i32, i32) {
    %add3A = arith.constant 22 : i32
    %add3A_0 = arith.addi %arg0, %add3A : i32
    %c0_i32 = arith.constant 0 : i32
    %c0_i32_1 = arith.constant 0 : i32
    return %add3A_0, %c0_i32 : i32, i32
  }
  func.func @transform_4(%arg0: i32) -> (i32, i32) {
    %c0_i32 = arith.constant 0 : i32
    %c0_i32_0 = arith.constant 0 : i32
    return %arg0, %c0_i32 : i32, i32
  }
  func.func @transform_5(%arg0: i32) -> (i32, i32) {
    %add3A = arith.constant 22 : i32
    %add3A_0 = arith.addi %arg0, %add3A : i32
    %c0_i32 = arith.constant 0 : i32
    %c0_i32_1 = arith.constant 0 : i32
    return %add3A_0, %c0_i32 : i32, i32
  }
  func.func @transform_6(%arg0: i32) -> i32 {
    %c0_i32 = arith.constant 0 : i32
    %c0_i32_0 = arith.constant 0 : i32
    return %c0_i32 : i32
  }
}

module attributes {stable_mosaic.version = 14 : i64} {
  func.func @tc_body(%arg0: i32, %arg1: memref<1x1xf32, #tpu.memory_space<smem>>, %arg2: memref<4xf32, #tpu.memory_space<smem>>, %arg3: memref<512x1xi32, #tpu.memory_space<vmem>>, %arg4: memref<512x1xf32, #tpu.memory_space<vmem>>, %arg5: memref<512x200xf32, #tpu.memory_space<vmem>>, %arg6: memref<512x200xf32, #tpu.memory_space<vmem>>, %arg7: memref<3xf32, #tpu.memory_space<smem>>, %arg8: memref<4xf32, #tpu.memory_space<smem>>) attributes {dimension_semantics = [#tpu.dimension_semantics<arbitrary>], iteration_bounds = array<i64: 2>, scalar_prefetch = 0 : i64, scratch_operands = 1 : i64, tpu.core_type = #tpu.core_type<tc>, window_params = [{transform_indices = @transform_0, window_bounds = array<i64: 1, 1>}, {transform_indices = @transform_1, window_bounds = array<i64: 4>}, {transform_indices = @transform_2, window_bounds = array<i64: 512, 1>}, {transform_indices = @transform_3, window_bounds = array<i64: 512, 1>}, {transform_indices = @transform_4, window_bounds = array<i64: 512, 200>}, {transform_indices = @transform_5, window_bounds = array<i64: 512, 200>}, {transform_indices = @transform_6, window_bounds = array<i64: 3>}]} {
    %eq3A = arith.constant 0 : i32
    %eq3A_0 = arith.cmpi eq, %arg0, %eq3A : i32
    %convert_element_type3A = arith.extui %eq3A_0 : i1 to i32
    %cond3A = arith.constant 0 : i32
    %cond3A_1 = arith.cmpi ne, %convert_element_type3A, %cond3A : i32
    scf.if %cond3A_1 {
      %get3A_96 = arith.constant 0 : index
      %get3A_97 = memref.load %arg2[%get3A_96] : memref<4xf32, #tpu.memory_space<smem>>
      %swap3A_98 = arith.constant 0 : index
      %swap3A_99 = memref.load %arg8[%swap3A_98] : memref<4xf32, #tpu.memory_space<smem>>
      memref.store %get3A_97, %arg8[%swap3A_98] : memref<4xf32, #tpu.memory_space<smem>>
      %get3A_100 = arith.constant 1 : index
      %get3A_101 = memref.load %arg2[%get3A_100] : memref<4xf32, #tpu.memory_space<smem>>
      %swap3A_102 = arith.constant 1 : index
      %swap3A_103 = memref.load %arg8[%swap3A_102] : memref<4xf32, #tpu.memory_space<smem>>
      memref.store %get3A_101, %arg8[%swap3A_102] : memref<4xf32, #tpu.memory_space<smem>>
      %get3A_104 = arith.constant 2 : index
      %get3A_105 = memref.load %arg2[%get3A_104] : memref<4xf32, #tpu.memory_space<smem>>
      %swap3A_106 = arith.constant 2 : index
      %swap3A_107 = memref.load %arg8[%swap3A_106] : memref<4xf32, #tpu.memory_space<smem>>
      memref.store %get3A_105, %arg8[%swap3A_106] : memref<4xf32, #tpu.memory_space<smem>>
      %get3A_108 = arith.constant 3 : index
      %get3A_109 = memref.load %arg2[%get3A_108] : memref<4xf32, #tpu.memory_space<smem>>
      %swap3A_110 = arith.constant 3 : index
      %swap3A_111 = memref.load %arg8[%swap3A_110] : memref<4xf32, #tpu.memory_space<smem>>
      memref.store %get3A_109, %arg8[%swap3A_110] : memref<4xf32, #tpu.memory_space<smem>>
    } else {
    }
    %get3A = arith.constant 0 : index
    %get3A_2 = arith.constant 0 : index
    %get3A_3 = vector.load %arg5[%get3A, %get3A_2] : memref<512x200xf32, #tpu.memory_space<vmem>>, vector<512x200xf32>
    %mul3A = arith.constant 5.000000e+00 : f32
    %mul3A_4 = vector.broadcast %mul3A : f32 to vector<512x200xf32>
    %mul3A_5 = arith.mulf %get3A_3, %mul3A_4 : vector<512x200xf32>
    %iota3A = tpu.iota {dimensions = array<i32: 1>} : vector<512x200xi32>
    %get3A_6 = arith.constant 0 : index
    %get3A_7 = arith.constant 0 : index
    %get3A_8 = vector.load %arg3[%get3A_6, %get3A_7] : memref<512x1xi32, #tpu.memory_space<vmem>>, vector<512x1xi32>
    %lt3A = vector.broadcast %get3A_8 : vector<512x1xi32> to vector<512x200xi32>
    %lt3A_9 = arith.cmpi slt, %iota3A, %lt3A : vector<512x200xi32>
    %convert_element_type3A_10 = arith.extui %lt3A_9 : vector<512x200xi1> to vector<512x200xi32>
    %convert_element_type3A_11 = arith.sitofp %convert_element_type3A_10 : vector<512x200xi32> to vector<512x200xf32>
    %exp3A = math.exp %mul3A_5 : vector<512x200xf32>
    %jit3A = arith.constant 0.000000e+00 : f32
    %broadcast_in_dim3A = vector.broadcast %jit3A : f32 to vector<512x200xf32>
    %select_n3A = arith.select %lt3A_9, %exp3A, %broadcast_in_dim3A : vector<512x200xi1>, vector<512x200xf32>
    %iota3A_12 = tpu.iota {dimensions = array<i32: 0>} : vector<200x200xi32>
    %iota3A_13 = tpu.iota {dimensions = array<i32: 1>} : vector<200x200xi32>
    %ge3A = arith.cmpi sge, %iota3A_12, %iota3A_13 : vector<200x200xi32>
    %convert_element_type3A_14 = arith.extui %ge3A : vector<200x200xi1> to vector<200x200xi32>
    %convert_element_type3A_15 = arith.sitofp %convert_element_type3A_14 : vector<200x200xi32> to vector<200x200xf32>
    %dot_general3A = arith.constant dense<0.000000e+00> : vector<512x200xf32>
    %dot_general3A_16 = tpu.matmul %select_n3A, %convert_element_type3A_15, %dot_general3A {dimension_numbers = #tpu.dot_dimension_numbers<[1], [0], [0], [1], [0, 0, 1, 1], [], []>, transpose_lhs_hint = false} : vector<512x200xf32>, vector<200x200xf32>, vector<512x200xf32> -> vector<512x200xf32>
    %add3A = arith.constant 9.99999996E-13 : f32
    %add3A_17 = vector.broadcast %add3A : f32 to vector<512x200xf32>
    %add3A_18 = arith.addf %dot_general3A_16, %add3A_17 : vector<512x200xf32>
    %log3A = math.log %add3A_18 : vector<512x200xf32>
    %mul3A_19 = arith.mulf %mul3A_5, %convert_element_type3A_11 : vector<512x200xf32>
    %reduce_sum3A = vector.shape_cast %mul3A_19 : vector<512x200xf32> to vector<1x512x200xf32>
    %reduce_sum3A_20 = arith.constant dense<0.000000e+00> : vector<1xf32>
    %reduce_sum3A_21 = vector.multi_reduction <add>, %reduce_sum3A, %reduce_sum3A_20 [1, 2] : vector<1x512x200xf32> to vector<1xf32>
    %reduce_sum3A_22 = vector.shape_cast %reduce_sum3A_21 : vector<1xf32> to vector<1x1x1xf32>
    %reduce_sum3A_23 = vector.extract %reduce_sum3A_22[0, 0, 0] : f32 from vector<1x1x1xf32>
    %mul3A_24 = arith.mulf %log3A, %convert_element_type3A_11 : vector<512x200xf32>
    %reduce_sum3A_25 = vector.shape_cast %mul3A_24 : vector<512x200xf32> to vector<1x512x200xf32>
    %reduce_sum3A_26 = arith.constant dense<0.000000e+00> : vector<1xf32>
    %reduce_sum3A_27 = vector.multi_reduction <add>, %reduce_sum3A_25, %reduce_sum3A_26 [1, 2] : vector<1x512x200xf32> to vector<1xf32>
    %reduce_sum3A_28 = vector.shape_cast %reduce_sum3A_27 : vector<1xf32> to vector<1x1x1xf32>
    %reduce_sum3A_29 = vector.extract %reduce_sum3A_28[0, 0, 0] : f32 from vector<1x1x1xf32>
    %get3A_30 = arith.constant 0 : index
    %get3A_31 = arith.constant 0 : index
    %get3A_32 = vector.load %arg6[%get3A_30, %get3A_31] : memref<512x200xf32, #tpu.memory_space<vmem>>, vector<512x200xf32>
    %sub3A = arith.constant 5.000000e-01 : f32
    %sub3A_33 = vector.broadcast %sub3A : f32 to vector<512x200xf32>
    %sub3A_34 = arith.subf %get3A_32, %sub3A_33 : vector<512x200xf32>
    %neg3A = arith.constant 0.000000e+00 : f32
    %neg3A_35 = vector.broadcast %neg3A : f32 to vector<512x200xf32>
    %neg3A_36 = arith.subf %neg3A_35, %sub3A_34 : vector<512x200xf32>
    %exp3A_37 = math.exp %neg3A_36 : vector<512x200xf32>
    %add3A_38 = arith.constant 1.000000e+00 : f32
    %add3A_39 = vector.broadcast %add3A_38 : f32 to vector<512x200xf32>
    %add3A_40 = arith.addf %add3A_39, %exp3A_37 : vector<512x200xf32>
    %div3A = arith.constant 1.000000e+00 : f32
    %div3A_41 = vector.broadcast %div3A : f32 to vector<512x200xf32>
    %div3A_42 = arith.divf %div3A_41, %add3A_40 : vector<512x200xf32>
    %max3A = arith.constant 1.000000e-01 : f32
    %max3A_43 = vector.broadcast %max3A : f32 to vector<512x200xf32>
    %max3A_44 = arith.maximumf %div3A_42, %max3A_43 : vector<512x200xf32>
    %mul3A_45 = arith.mulf %max3A_44, %convert_element_type3A_11 : vector<512x200xf32>
    %get3A_46 = arith.constant 0 : index
    %get3A_47 = arith.constant 0 : index
    %get3A_48 = memref.load %arg1[%get3A_46, %get3A_47] : memref<1x1xf32, #tpu.memory_space<smem>>
    %mul3A_49 = vector.broadcast %get3A_48 : f32 to vector<512x200xf32>
    %mul3A_50 = arith.mulf %mul3A_49, %mul3A_5 : vector<512x200xf32>
    %get3A_51 = arith.constant 0 : index
    %get3A_52 = arith.constant 0 : index
    %get3A_53 = vector.load %arg4[%get3A_51, %get3A_52] : memref<512x1xf32, #tpu.memory_space<vmem>>, vector<512x1xf32>
    %add3A_54 = vector.broadcast %get3A_53 : vector<512x1xf32> to vector<512x200xf32>
    %add3A_55 = arith.addf %mul3A_50, %add3A_54 : vector<512x200xf32>
    %mul3A_56 = arith.constant 5.000000e+00 : f32
    %mul3A_57 = vector.broadcast %mul3A_56 : f32 to vector<512x200xf32>
    %mul3A_58 = arith.mulf %get3A_32, %mul3A_57 : vector<512x200xf32>
    %sub3A_59 = arith.subf %add3A_55, %mul3A_58 : vector<512x200xf32>
    %mul3A_60 = arith.mulf %sub3A_59, %sub3A_59 : vector<512x200xf32>
    %mul3A_61 = arith.mulf %mul3A_60, %mul3A_45 : vector<512x200xf32>
    %reduce_sum3A_62 = vector.shape_cast %mul3A_61 : vector<512x200xf32> to vector<1x512x200xf32>
    %reduce_sum3A_63 = arith.constant dense<0.000000e+00> : vector<1xf32>
    %reduce_sum3A_64 = vector.multi_reduction <add>, %reduce_sum3A_62, %reduce_sum3A_63 [1, 2] : vector<1x512x200xf32> to vector<1xf32>
    %reduce_sum3A_65 = vector.shape_cast %reduce_sum3A_64 : vector<1xf32> to vector<1x1x1xf32>
    %reduce_sum3A_66 = vector.extract %reduce_sum3A_65[0, 0, 0] : f32 from vector<1x1x1xf32>
    %reduce_sum3A_67 = vector.shape_cast %mul3A_45 : vector<512x200xf32> to vector<1x512x200xf32>
    %reduce_sum3A_68 = arith.constant dense<0.000000e+00> : vector<1xf32>
    %reduce_sum3A_69 = vector.multi_reduction <add>, %reduce_sum3A_67, %reduce_sum3A_68 [1, 2] : vector<1x512x200xf32> to vector<1xf32>
    %reduce_sum3A_70 = vector.shape_cast %reduce_sum3A_69 : vector<1xf32> to vector<1x1x1xf32>
    %reduce_sum3A_71 = vector.extract %reduce_sum3A_70[0, 0, 0] : f32 from vector<1x1x1xf32>
    %get3A_72 = arith.constant 0 : index
    %get3A_73 = memref.load %arg8[%get3A_72] : memref<4xf32, #tpu.memory_space<smem>>
    %add3A_74 = arith.addf %get3A_73, %reduce_sum3A_23 : f32
    %swap3A = arith.constant 0 : index
    %swap3A_75 = memref.load %arg8[%swap3A] : memref<4xf32, #tpu.memory_space<smem>>
    memref.store %add3A_74, %arg8[%swap3A] : memref<4xf32, #tpu.memory_space<smem>>
    %get3A_76 = arith.constant 1 : index
    %get3A_77 = memref.load %arg8[%get3A_76] : memref<4xf32, #tpu.memory_space<smem>>
    %add3A_78 = arith.addf %get3A_77, %reduce_sum3A_29 : f32
    %swap3A_79 = arith.constant 1 : index
    %swap3A_80 = memref.load %arg8[%swap3A_79] : memref<4xf32, #tpu.memory_space<smem>>
    memref.store %add3A_78, %arg8[%swap3A_79] : memref<4xf32, #tpu.memory_space<smem>>
    %get3A_81 = arith.constant 2 : index
    %get3A_82 = memref.load %arg8[%get3A_81] : memref<4xf32, #tpu.memory_space<smem>>
    %add3A_83 = arith.addf %get3A_82, %reduce_sum3A_66 : f32
    %swap3A_84 = arith.constant 2 : index
    %swap3A_85 = memref.load %arg8[%swap3A_84] : memref<4xf32, #tpu.memory_space<smem>>
    memref.store %add3A_83, %arg8[%swap3A_84] : memref<4xf32, #tpu.memory_space<smem>>
    %get3A_86 = arith.constant 3 : index
    %get3A_87 = memref.load %arg8[%get3A_86] : memref<4xf32, #tpu.memory_space<smem>>
    %add3A_88 = arith.addf %get3A_87, %reduce_sum3A_71 : f32
    %swap3A_89 = arith.constant 3 : index
    %swap3A_90 = memref.load %arg8[%swap3A_89] : memref<4xf32, #tpu.memory_space<smem>>
    memref.store %add3A_88, %arg8[%swap3A_89] : memref<4xf32, #tpu.memory_space<smem>>
    %eq3A_91 = arith.constant 1 : i32
    %eq3A_92 = arith.cmpi eq, %arg0, %eq3A_91 : i32
    %convert_element_type3A_93 = arith.extui %eq3A_92 : i1 to i32
    %cond3A_94 = arith.constant 0 : i32
    %cond3A_95 = arith.cmpi ne, %convert_element_type3A_93, %cond3A_94 : i32
    scf.if %cond3A_95 {
      %get3A_96 = arith.constant 0 : index
      %get3A_97 = memref.load %arg8[%get3A_96] : memref<4xf32, #tpu.memory_space<smem>>
      %get3A_98 = arith.constant 1 : index
      %get3A_99 = memref.load %arg8[%get3A_98] : memref<4xf32, #tpu.memory_space<smem>>
      %sub3A_100 = arith.subf %get3A_97, %get3A_99 : f32
      %neg3A_101 = arith.constant 0.000000e+00 : f32
      %neg3A_102 = arith.subf %neg3A_101, %sub3A_100 : f32
      %div3A_103 = arith.constant 1.638400e+04 : f32
      %div3A_104 = arith.divf %neg3A_102, %div3A_103 : f32
      %get3A_105 = arith.constant 2 : index
      %get3A_106 = memref.load %arg8[%get3A_105] : memref<4xf32, #tpu.memory_space<smem>>
      %get3A_107 = arith.constant 3 : index
      %get3A_108 = memref.load %arg8[%get3A_107] : memref<4xf32, #tpu.memory_space<smem>>
      %div3A_109 = arith.divf %get3A_106, %get3A_108 : f32
      %mul3A_110 = arith.constant 5.000000e-01 : f32
      %mul3A_111 = arith.mulf %mul3A_110, %div3A_104 : f32
      %mul3A_112 = arith.constant 5.000000e-01 : f32
      %mul3A_113 = arith.mulf %mul3A_112, %div3A_109 : f32
      %add3A_114 = arith.addf %mul3A_111, %mul3A_113 : f32
      %swap3A_115 = arith.constant 0 : index
      %swap3A_116 = memref.load %arg7[%swap3A_115] : memref<3xf32, #tpu.memory_space<smem>>
      memref.store %add3A_114, %arg7[%swap3A_115] : memref<3xf32, #tpu.memory_space<smem>>
      %swap3A_117 = arith.constant 1 : index
      %swap3A_118 = memref.load %arg7[%swap3A_117] : memref<3xf32, #tpu.memory_space<smem>>
      memref.store %div3A_104, %arg7[%swap3A_117] : memref<3xf32, #tpu.memory_space<smem>>
      %swap3A_119 = arith.constant 2 : index
      %swap3A_120 = memref.load %arg7[%swap3A_119] : memref<3xf32, #tpu.memory_space<smem>>
      memref.store %div3A_109, %arg7[%swap3A_119] : memref<3xf32, #tpu.memory_space<smem>>
    } else {
    }
    return
  }
  func.func @transform_0(%arg0: i32) -> (i32, i32) {
    %c0_i32 = arith.constant 0 : i32
    %c0_i32_0 = arith.constant 0 : i32
    %c0_i32_1 = arith.constant 0 : i32
    return %c0_i32, %c0_i32_0 : i32, i32
  }
  func.func @transform_1(%arg0: i32) -> i32 {
    %c0_i32 = arith.constant 0 : i32
    %c0_i32_0 = arith.constant 0 : i32
    return %c0_i32 : i32
  }
  func.func @transform_2(%arg0: i32) -> (i32, i32) {
    %add3A = arith.constant 30 : i32
    %add3A_0 = arith.addi %arg0, %add3A : i32
    %c0_i32 = arith.constant 0 : i32
    %c0_i32_1 = arith.constant 0 : i32
    return %add3A_0, %c0_i32 : i32, i32
  }
  func.func @transform_3(%arg0: i32) -> (i32, i32) {
    %add3A = arith.constant 30 : i32
    %add3A_0 = arith.addi %arg0, %add3A : i32
    %c0_i32 = arith.constant 0 : i32
    %c0_i32_1 = arith.constant 0 : i32
    return %add3A_0, %c0_i32 : i32, i32
  }
  func.func @transform_4(%arg0: i32) -> (i32, i32) {
    %c0_i32 = arith.constant 0 : i32
    %c0_i32_0 = arith.constant 0 : i32
    return %arg0, %c0_i32 : i32, i32
  }
  func.func @transform_5(%arg0: i32) -> (i32, i32) {
    %add3A = arith.constant 30 : i32
    %add3A_0 = arith.addi %arg0, %add3A : i32
    %c0_i32 = arith.constant 0 : i32
    %c0_i32_1 = arith.constant 0 : i32
    return %add3A_0, %c0_i32 : i32, i32
  }
  func.func @transform_6(%arg0: i32) -> i32 {
    %c0_i32 = arith.constant 0 : i32
    %c0_i32_0 = arith.constant 0 : i32
    return %c0_i32 : i32
  }
}

</mosaic_0001>

<sc_bundles>
// kernel: kernel.12.cloned.1.call-start
scs
__scs_entry_jumppad:
0x0: {  	(pc) =	sbr.rel $0x88, $3  }
0x1: {  	(tag) =	ssettag $0x0;
	lr =	simm.s32 $0x1  }
0x2: {  	[smem:$0x3F9B] =	sst lr;
	_ =	strace $0xD0000000  }
0x3: {  	_ = 	snop  }
0x4: {  	_ = 	snop  }
0x5: {  	_ = 	snop  }
0x6: {  	_ = 	snop  }
0x7: {  	_ = 	snop  }
__scs_overlays_trampoline_lowered:
0x8: {  	[smem:$0x3FAA] =	sst s0  }
0x9: {  	[smem:$0x3FAB] =	sst s1  }
0xa: {  	[smem:$0x3FAC] =	sst s2  }
0xb: {  	[smem:$0x3FAD] =	sst s3  }
0xc: {  	[smem:$0x3FAE] =	sst s4  }
0xd: {  	[smem:$0x3FAF] =	sst s5  }
0xe: {  	[smem:$0x3FB0] =	sst s6  }
0xf: {  	[smem:$0x3FB1] =	sst s7  }
0x10: {  	[smem:$0x3FB2] =	sst s8  }
0x11: {  	[smem:$0x3FB3] =	sst s9;
	s0 =	simm.s32 @!p0 $0x0  }
0x12: {  	s1 =	sld [smem:$0x3F99];
	s0 =	simm.s32 @p0 $0x1  }
0x13: {  	[smem:$0x3FB4] =	sst s0;
	s0 =	simm.s32 @!p1 $0x0  }
0x14: {  	s2 =	sld [smem:$0x3F98];
	s0 =	simm.s32 @p1 $0x1  }
0x15: {  	[smem:$0x3FB5] =	sst s0;
	s0 =	simm.s32 @!p2 $0x0  }
0x16: {  	s3 =	sld [smem:$0x3FDB];
	s0 =	simm.s32 @p2 $0x1  }
0x17: {  	s4 =	simm.s32 $0x1BF5;
	[smem:$0x3FB7] =	sst s0  }
0x18: {  	s0 =	sld [smem:$0x3F9A];
	_ =	swait.ge [sflag:s4], $0x0  }
0x19: {  	s7 =	sld [smem:$0x3F9B]  }
0x1a: {  	s8 =	sadd.s32 $0xFFFFE003, lr  }
0x1b: {  	s9 =	sadd.s32 $0xFFFFFEF7, lr;
	s5 =	simm.s32 $0xFFFFFFFF;
	p2 =	slt.u32 s8, $0xFFFFF086  }
0x1c: {  	p1 =	slt.u32 s9, $0xF7A;
	s5 =	simm.s32 @!p2 $0x0  }
0x1d: {  	s5 =	simm.s32 @p1 $0x1;
	p0 =	seq.s32 s7, s2  }
0x1e: {  	s7 =	smul.u32 @!p0 $0xF7A, s2;
	p2 =	seq.s32 @!p0 s5, $0x0  }
0x1f: {  	s9 =	smul.u32 $0xF7A, s1;
	s8 =	simm.s32 @!p0 $0x1BF5;
	p2 =	por !p2, p0  }
0x20: {  	[sflag:s8] =	ssyncset.s32 @!p0 $0xFFFFF086;
	s6 =	sadd.s32 @!p0 s3, s7;
	s7 =	simm.s32 @!p0 $0x108  }
0x21: {  	s3 =	sadd.s32 s3, s9;
	s6 =	sadd.s32 @!p0 $0x88, s6;
	s7 =	simm.s32 @p2 $0x1082  }
0x22: {  	[simem:s7], [sflag:s8] =	dma.local @!p0 [hbm:s6], $0xF7A  }
0x23: {  	s9 =	sor.u32 $0xD0000000, s2;
	s6 =	simm.s32 $0x108;
	_ =	swait.ge @!p0 [sflag:s8], $0x0  }
0x24: {  	s3 =	sadd.s32 $0x88, s3;
	s6 =	simm.s32 @!p1 $0x1082;
	[sflag:s4] =	ssyncset.s32 $0xFFFFF086  }
0x25: {  	[simem:s6], [sflag:s4] =	dma.local [hbm:s3], $0xF7A  }
0x26: {  	[smem:$0x3F9B] =	sst s1;
	(tag) =	ssettag s2;
	_ =	strace s9  }
0x27: {  	s1 =	sld [smem:$0x3FAB]  }
0x28: {  	s2 =	sld [smem:$0x3FAC]  }
0x29: {  	s4 =	sld [smem:$0x3FAE]  }
0x2a: {  	p0 =	seq.s32 s5, $0x0;
	s5 =	sld [smem:$0x3FAF]  }
0x2b: {  	s6 =	sld [smem:$0x3FB0]  }
0x2c: {  	s7 =	sld [smem:$0x3FB1]  }
0x2d: {  	s3 =	simm.s32 $0x108;
	s8 =	sld [smem:$0x3FB2]  }
0x2e: {  	s3 =	simm.s32 @!p0 $0x1082;
	s9 =	sld [smem:$0x3FB3]  }
0x2f: {  	lr =	sadd.s32 s0, s3;
	s0 =	sld [smem:$0x3FAA]  }
0x30: {  	s3 =	sld [smem:$0x3FAD]  }
0x31: {  	[smem:$0x3FB6] =	sst s10  }
0x32: {  	s10 =	sld [smem:$0x3FB4];
	_ =	sdelay $0x3  }
0x33: {  	p0 =	seq.s32 s10, $0x1;
	s10 =	sld [smem:$0x3FB6];
	_ =	sdelay $0x3  }
0x34: {  	[smem:$0x3FB6] =	sst s10  }
0x35: {  	s10 =	sld [smem:$0x3FB5];
	_ =	sdelay $0x3  }
0x36: {  	p1 =	seq.s32 s10, $0x1;
	s10 =	sld [smem:$0x3FB6];
	_ =	sdelay $0x3  }
0x37: {  	[smem:$0x3FB6] =	sst s10  }
0x38: {  	s10 =	sld [smem:$0x3FB7]  }
0x39: {  	_ = 	snop;
	(pc) =	sbr.ind lr, $3  }
0x3a: {  	_ = 	snop  }
0x3b: {  	_ = 	snop  }
0x3c: {  	p2 =	seq.s32 s10, $0x1;
	s10 =	sld [smem:$0x3FB6]  }
0x3d: {  	_ =	shalt  }
0x3e: {  	_ =	shalt  }
0x3f: {  	_ =	shalt  }
0x40: {  	_ =	shalt  }
0x41: {  	_ =	shalt  }
0x42: {  	_ =	shalt  }
0x43: {  	_ =	shalt  }
0x44: {  	_ =	shalt  }
0x45: {  	_ =	shalt  }
0x46: {  	_ =	shalt  }
0x47: {  	_ =	shalt  }
0x48: {  	_ =	shalt  }
0x49: {  	_ =	shalt  }
0x4a: {  	_ =	shalt  }
0x4b: {  	_ =	shalt  }
0x4c: {  	_ =	shalt  }
0x4d: {  	_ =	shalt  }
0x4e: {  	_ =	shalt  }
0x4f: {  	_ =	shalt  }
0x50: {  	_ =	shalt  }
0x51: {  	_ =	shalt  }
0x52: {  	_ =	shalt  }
0x53: {  	_ =	shalt  }
0x54: {  	_ =	shalt  }
0x55: {  	_ =	shalt  }
0x56: {  	_ =	shalt  }
0x57: {  	_ =	shalt  }
0x58: {  	_ =	shalt  }
0x59: {  	_ =	shalt  }
0x5a: {  	_ =	shalt  }
0x5b: {  	_ =	shalt  }
0x5c: {  	_ =	shalt  }
0x5d: {  	_ =	shalt  }
0x5e: {  	_ =	shalt  }
0x5f: {  	_ =	shalt  }
0x60: {  	_ =	shalt  }
0x61: {  	_ =	shalt  }
0x62: {  	_ =	shalt  }
0x63: {  	_ =	shalt  }
0x64: {  	_ =	shalt  }
0x65: {  	_ =	shalt  }
0x66: {  	_ =	shalt  }
0x67: {  	_ =	shalt  }
0x68: {  	_ =	shalt  }
0x69: {  	_ =	shalt  }
0x6a: {  	_ =	shalt  }
0x6b: {  	_ =	shalt  }
0x6c: {  	_ =	shalt  }
0x6d: {  	_ =	shalt  }
0x6e: {  	_ =	shalt  }
0x6f: {  	_ =	shalt  }
0x70: {  	_ =	shalt  }
0x71: {  	_ =	shalt  }
0x72: {  	_ =	shalt  }
0x73: {  	_ =	shalt  }
0x74: {  	_ =	shalt  }
0x75: {  	_ =	shalt  }
0x76: {  	_ =	shalt  }
0x77: {  	_ =	shalt  }
0x78: {  	_ =	shalt  }
0x79: {  	_ =	shalt  }
0x7a: {  	_ =	shalt  }
0x7b: {  	_ =	shalt  }
0x7c: {  	_ =	shalt  }
0x7d: {  	_ =	shalt  }
0x7e: {  	_ =	shalt  }
0x7f: {  	_ =	shalt  }
0x80: {  	_ =	shalt  }
0x81: {  	_ =	shalt  }
0x82: {  	_ =	shalt  }
0x83: {  	_ =	shalt  }
0x84: {  	_ =	shalt  }
0x85: {  	_ =	shalt  }
0x86: {  	_ =	shalt  }
0x87: {  	_ =	shalt  }
.Lfunc_end0:
.L_simem_size_0:
called_computation_lowered:
.L_overlay_start_0:
0x88: {  	s2 =	sld [smem:$0x3FD9]  }
0x89: {  	s3 =	sld [smem:$0x3FFE];
	_ =	sdelay $0x1  }
0x8a: {  	s1 =	srdreg.scid  }
0x8b: {  	s0 =	sand.u32 $0x1, s1  }
0x8c: {  	s17 =	sshll.u32 s0, $0xA;
	s2 =	sadd.s32 s3, s2  }
0x8d: {  	s2 =	sadd.s32 s2, s17  }
0x8e: {  	[smem:$0x3FC2] =	sst s2  }
0x8f: {  	_ = 	snop  }
0x90: {  	s2 =	sld [smem:$0x3FC6];
	(tm) =	ssettm $0x1  }
0x91: {  	s18 =	sld [smem:$0x3FFB];
	_ =	sdelay $0x3  }
0x92: {  	_ =	strace s18  }
0x93: {  	s3 =	sld [smem:$0x3FFC];
	_ =	sdelay $0x3  }
0x94: {  	_ =	strace s3  }
0x95: {  	s3 =	sld [smem:$0x3FFD];
	_ =	sdelay $0x3  }
0x96: {  	_ =	strace s3  }
0x97: {  	_ =	strace $0x8FFFFFFF  }
0x98: {  	s19 =	sld [smem:$0x3FDB];
	_ =	sdelay $0x1  }
0x99: {  	s4 =	simm.s32 $_scs_section_size  }
0x9a: {  	s5 =	simm.s32 $_size__tile_overlayer_lowered;
	s6 =	simm.s32 $_tile_overlayer_lowered  }
0x9b: {  	s22 =	simm.s32 $0x1BFF;
	s21 =	sshll.u32 s6, $0x1;
	s3 =	sadd.s32 s4, s19  }
0x9c: {  	s7 =	simm.s32 $0x0;
	s20 =	sshll.u32 s5, $0x1;
	s5 =	sadd.s32 s21, s3  }
0x9d: {  	[timem:s7], [sflag:s22] =	dma.local [hbm:s5], s20  }
0x9e: {  	_ =	swait.ge [sflag:s22], s20  }
0x9f: {  	s4 =	ssub.s32 $0x0, s20;
	[sflag:s22] =	ssyncset.done $0x0  }
0xa0: {  	[sflag:s22] =	ssyncadd.s32 s4;
	_ =	sdelay $0x1  }
0xa1: {  	s23 =	simm.s32 $0x1B8B  }
0xa2: {  	_ =	swait.ge [sflag:s23], $0x1  }
0xa3: {  	[sflag:s23] =	ssyncset.done $0x0  }
0xa4: {  	s25 =	simm.s32 $0x1B8E;
	s24 =	sld [smem:$0x3FFE];
	[sflag:s23] =	ssyncadd.s32 $0xFFFFFFFF  }
0xa5: {  	s26 =	simm.s32 $execute0_lowered;
	[smem:$0x3FD2] =	sst s25  }
0xa6: {  	s5 =	sshll.u32 s26, $0x1;
	_ =	strace $0x80000046;
	[dreg:$0x1] =	wrdreg $0xFFFFFFFF  }
0xa7: {  	s28 =	simm.s32 $_size_execute0_lowered;
	s3 =	sadd.s32 s3, s5;
	[dreg:$0x0] =	wrdreg $0x0  }
0xa8: {  	s5 =	sshll.u32 s28, $0x1;
	[dreg:$0x2] =	wrdreg s3  }
0xa9: {  	[dreg:$0x3] =	wrdreg s5  }
0xaa: {  	[dreg:$0x4] =	wrdreg $0xC0  }
0xab: {  	_ =	task [dreg:s7], $0x5FFFF  }
0xac: {  	[dreg:$0x1] =	wrdreg $0xFFFFFFFF  }
0xad: {  	[dreg:$0x0] =	wrdreg $0x60  }
0xae: {  	[dreg:$0x2] =	wrdreg s24  }
0xaf: {  	[dreg:$0x3] =	wrdreg s2  }
0xb0: {  	[dreg:$0x4] =	wrdreg $0x9  }
0xb1: {  	_ =	task.clear_ibuf [dreg:s7], $0x5FFFF;
	_ =	strace $0x90000046  }
0xb2: {  	s29 =	simm.s32 $0x9;
	_ =	strace $0x80000048  }
0xb3: {  	_ =	swait.ge [sflag:s29], $0x1  }
0xb4: {  	[sflag:s29] =	ssyncadd.s32 $0xFFFFFFFF  }
0xb5: {  	_ =	strace $0x90000048  }
0xb6: {  	_ =	sfence  }
0xb7: {  	s30 =	sld [smem:$0x0];
	_ =	sdelay $0x2  }
0xb8: {  	s31 =	sshll.u32 s1, $0xD;
	s1 =	sshrl.u32 s1, $0x2  }
0xb9: {  	s3 =	sand.u32 $0x4000, s31;
	s1 =	sadd.s32 s1, s30  }
0xba: {  	s0 =	sor.u32 s3, s0;
	s1 =	sshll.u32 s1, $0x11  }
0xbb: {  	s0 =	sor.u32 s1, s0  }
0xbc: {  	s0 =	sadd.s32 $0x8F2B, s0  }
0xbd: {  	[sflag:s0] =	ssyncadd.remote.s32 $0x1  }
0xbe: {  	_ =	sfence.sel $0xFFFF  }
0xbf: {  	[dreg:$0x0] =	wrdreg $0xFFFFFFFF;
	(pc) =	sbr.abs _section_cstart, $3  }
0xc0: {  	[dreg:$0x1] =	wrdreg $0xFFFFFFFF  }
0xc1: {  	_ =	task.clear_ibuf [dreg:s7], $0x2FFFF;
	_ =	strace $0x9FFFFFFF  }
0xc2: {  	(tm) =	ssettm $0x7FFFFFFF  }
0xc3: {  	_ =	shalt  }
tec
execute0_lowered:
.L_overlay_start_1:
0x0: {  	(tag) =	ssettag $0x1  }
0x1: {  	s1 =	srdreg.scid;
	s0 =	stileid.u32  }
0x2: {  	s14 =	sand.u32 $0x1, s1;
	s30 =	sshll.u32 s0, $0x1  }
0x3: {  	s1 =	sor.u32 s14, s30  }
0x4: {  	s12 =	rddreg [dreg:$0x0];
	s4 =	smul.u32 $0x1900, s1  }
0x5: {  	s2 =	rddreg [dreg:$0x1];
	s3 =	simm.s32 $0x0;
	s5 =	simm.s32 $0x1  }
0x6: {  	[smem:$0x7FF] =	sst s3;
	s8 =	sadd.s32 $0x3400, s12;
	s13 =	sshrl.u32 s4, $0x3  }
0x7: {  	s1 =	rddreg [dreg:$0x2];
	_ =	strace $0x80000047;
	s4 =	sadd.s32 s8, s13  }
0x8: {  	[tilespmem:s3], [sflag:$0x1] =	stream.linear.gather [hbm4b:s4+s3], $0xC80, $0x38;
	[tilespmem:$0x3200] =	vst v63  }
0x9: {  	_ =	swait.ge [sflag:s5], $0xC80  }
0xa: {  	s6 =	simm.s32 $0xC80;
	[sflag:s5] =	ssyncset.done $0x0  }
0xb: {  	s7 =	simm.s32 $0x1900;
	s15 =	sadd.s32 $0x190, s13;
	[sflag:s5] =	ssyncadd.s32 $0xFFFFF380  }
0xc: {  	[tilespmem:s7], [sflag:$0x3] =	stream.indirect.gather [hbm4b:s2+s6], $0x1, s3, s6, $0xb8;
	[tilespmem:$0x3200] =	vst v63  }
0xd: {  	s9 =	simm.s32 $0x2;
	s8 =	sadd.s32 s8, s15  }
0xe: {  	[tilespmem:s6], [sflag:$0x2] =	stream.linear.gather [hbm4b:s8+s3], $0xC80, $0x38;
	[tilespmem:$0x3200] =	vst v63  }
0xf: {  	_ =	swait.ge [sflag:s9], $0xC80  }
0x10: {  	[sflag:s9] =	ssyncset.done $0x0  }
0x11: {  	s10 =	simm.s32 $0x2580;
	s11 =	simm.s32 $0x3;
	[sflag:s9] =	ssyncadd.s32 $0xFFFFF380  }
0x12: {  	[tilespmem:s10], [sflag:$0x4] =	stream.indirect.gather [hbm4b:s2+s6], $0x1, s6, s6, $0xb8;
	[tilespmem:$0x3200] =	vst v63  }
0x13: {  	s17 =	ssub.s32 $0x2, s14;
	_ =	swait.ge [sflag:s11], $0xC80  }
0x14: {  	s16 =	sadd.s32 $0x9800, s12;
	s31 =	sshrl.u32 s17, $0x1;
	[sflag:s11] =	ssyncset.done $0x0  }
0x15: {  	s12 =	sadd.s32 s16, s13;
	s13 =	simm.s32 $0x4;
	[sflag:s11] =	ssyncadd.s32 $0xFFFFF380  }
0x16: {  	[hbm4b:s12+s3] =	stream.linear.scatter [tilespmem:s7], [sflag:$0x5], $0xC80, $0x38;
	[tilespmem:$0x3200] =	vst v63  }
0x17: {  	s14 =	sadd.s32 s16, s15;
	s16 =	ssub.s32 s17, s31;
	_ =	swait.ge [sflag:s13], $0xC80  }
0x18: {  	s17 =	smax.u32 s16, $0x1;
	[sflag:s13] =	ssyncset.done $0x0  }
0x19: {  	s15 =	simm.s32 $0x5;
	p0 =	sne.s32 s17, $0x1;
	[sflag:s13] =	ssyncadd.s32 $0xFFFFF380  }
0x1a: {  	[hbm4b:s14+s3] =	stream.linear.scatter [tilespmem:s10], [sflag:$0x6], $0xC80, $0x38;
	[tilespmem:$0x3200] =	vst v63  }
.Ltmp0:
0x1b: {  	_ =	swait.ge [sflag:s15], $0xC80;
	(pc) =	sbr.rel @!p0 .LBB2_2-.Ltmp0, $4  }
0x1c: {  	[sflag:s15] =	ssyncset.done $0x0  }
0x1d: {  	s16 =	simm.s32 $0x6;
	[sflag:s15] =	ssyncadd.s32 $0xFFFFF380  }
0x1e: {  	_ =	swait.ge [sflag:s16], $0xC80  }
0x1f: {  	s17 =	sadd.s32 $0xFFFFFFFF, s17;
	[sflag:s16] =	ssyncset.done $0x0  }
.LBB2_1:
0x20: {  	p0 =	sne.s32 s17, $0x1;
	s17 =	sadd.s32 $0xFFFFFFFF, s17;
	[sflag:s16] =	ssyncadd.s32 $0xFFFFF380  }
0x21: {  	[tilespmem:s3], [sflag:$0x1] =	stream.linear.gather [hbm4b:s4+s3], $0xC80, $0x38;
	[tilespmem:$0x3200] =	vst v63  }
0x22: {  	_ =	swait.ge [sflag:s5], $0xC80  }
0x23: {  	[sflag:s5] =	ssyncset.done $0x0  }
0x24: {  	[sflag:s5] =	ssyncadd.s32 $0xFFFFF380  }
0x25: {  	[tilespmem:s7], [sflag:$0x3] =	stream.indirect.gather [hbm4b:s2+s6], $0x1, s3, s6, $0xb8;
	[tilespmem:$0x3200] =	vst v63  }
0x26: {  	_ = 	snop  }
0x27: {  	[tilespmem:s6], [sflag:$0x2] =	stream.linear.gather [hbm4b:s8+s3], $0xC80, $0x38;
	[tilespmem:$0x3200] =	vst v63  }
0x28: {  	_ =	swait.ge [sflag:s9], $0xC80  }
0x29: {  	[sflag:s9] =	ssyncset.done $0x0  }
0x2a: {  	[sflag:s9] =	ssyncadd.s32 $0xFFFFF380  }
0x2b: {  	[tilespmem:s10], [sflag:$0x4] =	stream.indirect.gather [hbm4b:s2+s6], $0x1, s6, s6, $0xb8;
	[tilespmem:$0x3200] =	vst v63  }
0x2c: {  	_ =	swait.ge [sflag:s11], $0xC80  }
0x2d: {  	[sflag:s11] =	ssyncset.done $0x0  }
0x2e: {  	[sflag:s11] =	ssyncadd.s32 $0xFFFFF380  }
0x2f: {  	[hbm4b:s12+s3] =	stream.linear.scatter [tilespmem:s7], [sflag:$0x5], $0xC80, $0x38;
	[tilespmem:$0x3200] =	vst v63  }
0x30: {  	_ =	swait.ge [sflag:s13], $0xC80  }
0x31: {  	[sflag:s13] =	ssyncset.done $0x0  }
0x32: {  	[sflag:s13] =	ssyncadd.s32 $0xFFFFF380  }
0x33: {  	[hbm4b:s14+s3] =	stream.linear.scatter [tilespmem:s10], [sflag:$0x6], $0xC80, $0x38;
	[tilespmem:$0x3200] =	vst v63  }
.Ltmp1:
0x34: {  	_ =	swait.ge [sflag:s15], $0xC80;
	(pc) =	sbr.rel @p0 .LBB2_1-.Ltmp1, $4  }
0x35: {  	[sflag:s15] =	ssyncset.done $0x0  }
0x36: {  	[sflag:s15] =	ssyncadd.s32 $0xFFFFF380  }
0x37: {  	_ =	swait.ge [sflag:s16], $0xC80  }
0x38: {  	[sflag:s16] =	ssyncset.done $0x0  }
.LBB2_2:
0x39: {  	[sflag:s16] =	ssyncadd.s32 $0xFFFFF380  }
0x3a: {  	_ =	sfence.sel $0x180000  }
0x3b: {  	[bflag:$0x0] =	sbarrier.arrive $0xFFFF  }
0x3c: {  	p0 =	sne.s32 s0, $0x0;
	_ =	strace $0x90000047  }
0x3d: {  	s0 =	sadd.s32 @!p0 $0x100000, s1;
	[bflag:$0x2] =	sbarrier.arrive $0xFFFF  }
0x3e: {  	[sflag:s0] =	ssyncadd.tile.s32 @!p0 $0x1;
	_ =	shalt  }
.Lfunc_end2:
_tile_overlayer_lowered:
.L_overlay_start_2:
0x3f: {  	(tag) =	ssettag $0x2  }
0x40: {  	s0 =	rddreg [dreg:$0x0];
	s2 =	stileid.u32  }
0x41: {  	s1 =	rddreg [dreg:$0x1];
	p0 =	sne.s32 s2, $0x0  }
0x42: {  	s3 =	rddreg [dreg:$0x2];
	[bflag:$0x3] =	sbarrier.arrive $0xFFFF;
	s2 =	simm.s32 @!p0 $0x1C07  }
0x43: {  	[timem:s3], [sflag:s2] =	dma.local @!p0 [hbm:s0], s1  }
0x44: {  	s0 =	simm.s32 @!p0 $0x7  }
0x45: {  	_ =	swait.ge @!p0 [sflag:s0], s1  }
0x46: {  	s1 =	ssub.s32 @!p0 $0x0, s1;
	[sflag:s0] =	ssyncset.done @!p0 $0x0  }
0x47: {  	[sflag:s0] =	ssyncadd.s32 @!p0 s1  }
0x48: {  	[bflag:$0x3] =	sbarrier.arrive $0xFFFF  }
0x49: {  	_ =	shalt  }

// kernel: kernel.15.cloned.1.call-start
scs
__scs_entry_jumppad:
0x0: {  	(pc) =	sbr.rel $0x88, $3  }
0x1: {  	(tag) =	ssettag $0x0;
	lr =	simm.s32 $0x1  }
0x2: {  	[smem:$0x3F9B] =	sst lr;
	_ =	strace $0xD0000000  }
0x3: {  	_ = 	snop  }
0x4: {  	_ = 	snop  }
0x5: {  	_ = 	snop  }
0x6: {  	_ = 	snop  }
0x7: {  	_ = 	snop  }
__scs_overlays_trampoline_lowered:
0x8: {  	[smem:$0x3FAA] =	sst s0  }
0x9: {  	[smem:$0x3FAB] =	sst s1  }
0xa: {  	[smem:$0x3FAC] =	sst s2  }
0xb: {  	[smem:$0x3FAD] =	sst s3  }
0xc: {  	[smem:$0x3FAE] =	sst s4  }
0xd: {  	[smem:$0x3FAF] =	sst s5  }
0xe: {  	[smem:$0x3FB0] =	sst s6  }
0xf: {  	[smem:$0x3FB1] =	sst s7  }
0x10: {  	[smem:$0x3FB2] =	sst s8  }
0x11: {  	[smem:$0x3FB3] =	sst s9;
	s0 =	simm.s32 @!p0 $0x0  }
0x12: {  	s1 =	sld [smem:$0x3F99];
	s0 =	simm.s32 @p0 $0x1  }
0x13: {  	[smem:$0x3FB4] =	sst s0;
	s0 =	simm.s32 @!p1 $0x0  }
0x14: {  	s2 =	sld [smem:$0x3F98];
	s0 =	simm.s32 @p1 $0x1  }
0x15: {  	[smem:$0x3FB5] =	sst s0;
	s0 =	simm.s32 @!p2 $0x0  }
0x16: {  	s3 =	sld [smem:$0x3FDB];
	s0 =	simm.s32 @p2 $0x1  }
0x17: {  	s4 =	simm.s32 $0x1BF5;
	[smem:$0x3FB7] =	sst s0  }
0x18: {  	s0 =	sld [smem:$0x3F9A];
	_ =	swait.ge [sflag:s4], $0x0  }
0x19: {  	s7 =	sld [smem:$0x3F9B]  }
0x1a: {  	s8 =	sadd.s32 $0xFFFFE003, lr  }
0x1b: {  	s9 =	sadd.s32 $0xFFFFFEF7, lr;
	s5 =	simm.s32 $0xFFFFFFFF;
	p2 =	slt.u32 s8, $0xFFFFF086  }
0x1c: {  	p1 =	slt.u32 s9, $0xF7A;
	s5 =	simm.s32 @!p2 $0x0  }
0x1d: {  	s5 =	simm.s32 @p1 $0x1;
	p0 =	seq.s32 s7, s2  }
0x1e: {  	s7 =	smul.u32 @!p0 $0xF7A, s2;
	p2 =	seq.s32 @!p0 s5, $0x0  }
0x1f: {  	s9 =	smul.u32 $0xF7A, s1;
	s8 =	simm.s32 @!p0 $0x1BF5;
	p2 =	por !p2, p0  }
0x20: {  	[sflag:s8] =	ssyncset.s32 @!p0 $0xFFFFF086;
	s6 =	sadd.s32 @!p0 s3, s7;
	s7 =	simm.s32 @!p0 $0x108  }
0x21: {  	s3 =	sadd.s32 s3, s9;
	s6 =	sadd.s32 @!p0 $0x88, s6;
	s7 =	simm.s32 @p2 $0x1082  }
0x22: {  	[simem:s7], [sflag:s8] =	dma.local @!p0 [hbm:s6], $0xF7A  }
0x23: {  	s9 =	sor.u32 $0xD0000000, s2;
	s6 =	simm.s32 $0x108;
	_ =	swait.ge @!p0 [sflag:s8], $0x0  }
0x24: {  	s3 =	sadd.s32 $0x88, s3;
	s6 =	simm.s32 @!p1 $0x1082;
	[sflag:s4] =	ssyncset.s32 $0xFFFFF086  }
0x25: {  	[simem:s6], [sflag:s4] =	dma.local [hbm:s3], $0xF7A  }
0x26: {  	[smem:$0x3F9B] =	sst s1;
	(tag) =	ssettag s2;
	_ =	strace s9  }
0x27: {  	s1 =	sld [smem:$0x3FAB]  }
0x28: {  	s2 =	sld [smem:$0x3FAC]  }
0x29: {  	s4 =	sld [smem:$0x3FAE]  }
0x2a: {  	p0 =	seq.s32 s5, $0x0;
	s5 =	sld [smem:$0x3FAF]  }
0x2b: {  	s6 =	sld [smem:$0x3FB0]  }
0x2c: {  	s7 =	sld [smem:$0x3FB1]  }
0x2d: {  	s3 =	simm.s32 $0x108;
	s8 =	sld [smem:$0x3FB2]  }
0x2e: {  	s3 =	simm.s32 @!p0 $0x1082;
	s9 =	sld [smem:$0x3FB3]  }
0x2f: {  	lr =	sadd.s32 s0, s3;
	s0 =	sld [smem:$0x3FAA]  }
0x30: {  	s3 =	sld [smem:$0x3FAD]  }
0x31: {  	[smem:$0x3FB6] =	sst s10  }
0x32: {  	s10 =	sld [smem:$0x3FB4];
	_ =	sdelay $0x3  }
0x33: {  	p0 =	seq.s32 s10, $0x1;
	s10 =	sld [smem:$0x3FB6];
	_ =	sdelay $0x3  }
0x34: {  	[smem:$0x3FB6] =	sst s10  }
0x35: {  	s10 =	sld [smem:$0x3FB5];
	_ =	sdelay $0x3  }
0x36: {  	p1 =	seq.s32 s10, $0x1;
	s10 =	sld [smem:$0x3FB6];
	_ =	sdelay $0x3  }
0x37: {  	[smem:$0x3FB6] =	sst s10  }
0x38: {  	s10 =	sld [smem:$0x3FB7]  }
0x39: {  	_ = 	snop;
	(pc) =	sbr.ind lr, $3  }
0x3a: {  	_ = 	snop  }
0x3b: {  	_ = 	snop  }
0x3c: {  	p2 =	seq.s32 s10, $0x1;
	s10 =	sld [smem:$0x3FB6]  }
0x3d: {  	_ =	shalt  }
0x3e: {  	_ =	shalt  }
0x3f: {  	_ =	shalt  }
0x40: {  	_ =	shalt  }
0x41: {  	_ =	shalt  }
0x42: {  	_ =	shalt  }
0x43: {  	_ =	shalt  }
0x44: {  	_ =	shalt  }
0x45: {  	_ =	shalt  }
0x46: {  	_ =	shalt  }
0x47: {  	_ =	shalt  }
0x48: {  	_ =	shalt  }
0x49: {  	_ =	shalt  }
0x4a: {  	_ =	shalt  }
0x4b: {  	_ =	shalt  }
0x4c: {  	_ =	shalt  }
0x4d: {  	_ =	shalt  }
0x4e: {  	_ =	shalt  }
0x4f: {  	_ =	shalt  }
0x50: {  	_ =	shalt  }
0x51: {  	_ =	shalt  }
0x52: {  	_ =	shalt  }
0x53: {  	_ =	shalt  }
0x54: {  	_ =	shalt  }
0x55: {  	_ =	shalt  }
0x56: {  	_ =	shalt  }
0x57: {  	_ =	shalt  }
0x58: {  	_ =	shalt  }
0x59: {  	_ =	shalt  }
0x5a: {  	_ =	shalt  }
0x5b: {  	_ =	shalt  }
0x5c: {  	_ =	shalt  }
0x5d: {  	_ =	shalt  }
0x5e: {  	_ =	shalt  }
0x5f: {  	_ =	shalt  }
0x60: {  	_ =	shalt  }
0x61: {  	_ =	shalt  }
0x62: {  	_ =	shalt  }
0x63: {  	_ =	shalt  }
0x64: {  	_ =	shalt  }
0x65: {  	_ =	shalt  }
0x66: {  	_ =	shalt  }
0x67: {  	_ =	shalt  }
0x68: {  	_ =	shalt  }
0x69: {  	_ =	shalt  }
0x6a: {  	_ =	shalt  }
0x6b: {  	_ =	shalt  }
0x6c: {  	_ =	shalt  }
0x6d: {  	_ =	shalt  }
0x6e: {  	_ =	shalt  }
0x6f: {  	_ =	shalt  }
0x70: {  	_ =	shalt  }
0x71: {  	_ =	shalt  }
0x72: {  	_ =	shalt  }
0x73: {  	_ =	shalt  }
0x74: {  	_ =	shalt  }
0x75: {  	_ =	shalt  }
0x76: {  	_ =	shalt  }
0x77: {  	_ =	shalt  }
0x78: {  	_ =	shalt  }
0x79: {  	_ =	shalt  }
0x7a: {  	_ =	shalt  }
0x7b: {  	_ =	shalt  }
0x7c: {  	_ =	shalt  }
0x7d: {  	_ =	shalt  }
0x7e: {  	_ =	shalt  }
0x7f: {  	_ =	shalt  }
0x80: {  	_ =	shalt  }
0x81: {  	_ =	shalt  }
0x82: {  	_ =	shalt  }
0x83: {  	_ =	shalt  }
0x84: {  	_ =	shalt  }
0x85: {  	_ =	shalt  }
0x86: {  	_ =	shalt  }
0x87: {  	_ =	shalt  }
.Lfunc_end0:
.L_simem_size_0:
called_computation.1_lowered:
.L_overlay_start_0:
0x88: {  	s2 =	sld [smem:$0x3FD9]  }
0x89: {  	s3 =	sld [smem:$0x3FFE];
	_ =	sdelay $0x1  }
0x8a: {  	s1 =	srdreg.scid  }
0x8b: {  	s0 =	sand.u32 $0x1, s1  }
0x8c: {  	s17 =	sshll.u32 s0, $0xA;
	s2 =	sadd.s32 s3, s2  }
0x8d: {  	s2 =	sadd.s32 s2, s17  }
0x8e: {  	[smem:$0x3FC2] =	sst s2  }
0x8f: {  	_ = 	snop  }
0x90: {  	s18 =	sld [smem:$0x3FC6];
	(tm) =	ssettm $0x1  }
0x91: {  	s19 =	sld [smem:$0x3FFB];
	_ =	sdelay $0x3  }
0x92: {  	_ =	strace s19  }
0x93: {  	s2 =	sld [smem:$0x3FFC];
	_ =	sdelay $0x3  }
0x94: {  	_ =	strace s2  }
0x95: {  	s2 =	sld [smem:$0x3FFD];
	_ =	sdelay $0x3  }
0x96: {  	_ =	strace s2  }
0x97: {  	_ =	strace $0x8FFFFFFF  }
0x98: {  	s20 =	sld [smem:$0x3FDB];
	_ =	sdelay $0x1  }
0x99: {  	s4 =	simm.s32 $_scs_section_size  }
0x9a: {  	s5 =	simm.s32 $_size__tile_overlayer_lowered;
	s6 =	simm.s32 $_tile_overlayer_lowered  }
0x9b: {  	s7 =	simm.s32 $0x1BFF;
	s21 =	sshll.u32 s6, $0x1;
	s4 =	sadd.s32 s4, s20  }
0x9c: {  	s22 =	simm.s32 $0x0;
	s5 =	sshll.u32 s5, $0x1;
	s6 =	sadd.s32 s21, s4  }
0x9d: {  	[timem:s22], [sflag:s7] =	dma.local [hbm:s6], s5  }
0x9e: {  	_ =	swait.ge [sflag:s7], s5  }
0x9f: {  	s5 =	ssub.s32 $0x0, s5;
	[sflag:s7] =	ssyncset.done $0x0  }
0xa0: {  	[sflag:s7] =	ssyncadd.s32 s5;
	_ =	sdelay $0x1  }
0xa1: {  	s23 =	simm.s32 $0x1B8B  }
0xa2: {  	_ =	swait.ge [sflag:s23], $0x1  }
0xa3: {  	[sflag:s23] =	ssyncset.done $0x0  }
0xa4: {  	[sflag:s23] =	ssyncadd.s32 $0xFFFFFFFF  }
0xa5: {  	s5 =	sld [smem:$0x0]  }
0xa6: {  	s6 =	sand.u32 $0xFFFFFFFE, s1  }
0xa7: {  	p0 =	sne.s32 s1, s6  }
0xa8: {  	s6 =	sshll.u32 @p0 s6, $0xE  }
0xa9: {  	s6 =	sadd.s32 @p0 $0x11B8D, s6;
	s7 =	sshll.u32 @p0 s5, $0x11  }
0xaa: {  	s6 =	sor.u32 @p0 s7, s6  }
0xab: {  	[sflag:s6] =	ssyncadd.remote.s32 @p0 $0x1;
	_ =	sdelay $0x1  }
0xac: {  	s6 =	simm.s32 @p0 $0x1B8D  }
0xad: {  	_ =	swait.eq @p0 [sflag:s6], $0x1  }
0xae: {  	[sflag:s6] =	ssyncadd.s32 @p0 $0xFFFFFFFF  }
0xaf: {  	s7 =	sshll.u32 @!p0 s1, $0xE  }
0xb0: {  	s7 =	sor.u32 @!p0 $0x4000, s7;
	s6 =	simm.s32 @!p0 $0x1B8D  }
0xb1: {  	s5 =	sshll.u32 @!p0 s5, $0x11;
	s7 =	sadd.s32 @!p0 $0x11B8D, s7;
	_ =	swait.eq @!p0 [sflag:s6], $0x1  }
0xb2: {  	s5 =	sor.u32 @!p0 s5, s7;
	[sflag:s6] =	ssyncadd.s32 @!p0 $0xFFFFFFFF  }
0xb3: {  	s25 =	simm.s32 $0x1B8E;
	s24 =	sld [smem:$0x3FFE];
	[sflag:s5] =	ssyncadd.remote.s32 @!p0 $0x1  }
0xb4: {  	s26 =	simm.s32 $execute0_lowered;
	[smem:$0x3FD2] =	sst s25  }
0xb5: {  	s6 =	sshll.u32 s26, $0x1;
	_ =	strace $0x80000049;
	[dreg:$0x1] =	wrdreg $0xFFFFFFFF  }
0xb6: {  	s28 =	simm.s32 $_size_execute0_lowered;
	s4 =	sadd.s32 s4, s6;
	[dreg:$0x0] =	wrdreg $0x0  }
0xb7: {  	s6 =	sshll.u32 s28, $0x1;
	[dreg:$0x2] =	wrdreg s4  }
0xb8: {  	[dreg:$0x3] =	wrdreg s6  }
0xb9: {  	[dreg:$0x4] =	wrdreg $0xC0  }
0xba: {  	_ =	task [dreg:s22], $0x5FFFF  }
0xbb: {  	[dreg:$0x1] =	wrdreg $0xFFFFFFFF  }
0xbc: {  	[dreg:$0x0] =	wrdreg $0x60  }
0xbd: {  	[dreg:$0x2] =	wrdreg s24  }
0xbe: {  	[dreg:$0x3] =	wrdreg s18  }
0xbf: {  	[dreg:$0x4] =	wrdreg $0xA  }
0xc0: {  	_ =	task.clear_ibuf [dreg:s22], $0x5FFFF;
	_ =	strace $0x90000049  }
0xc1: {  	s29 =	simm.s32 $0xA;
	_ =	strace $0x8000004B  }
0xc2: {  	_ =	swait.ge [sflag:s29], $0x1  }
0xc3: {  	[sflag:s29] =	ssyncadd.s32 $0xFFFFFFFF  }
0xc4: {  	_ =	strace $0x9000004B  }
0xc5: {  	_ =	sfence  }
0xc6: {  	s30 =	sld [smem:$0x0];
	_ =	sdelay $0x2  }
0xc7: {  	s31 =	sshll.u32 s1, $0xD;
	s1 =	sshrl.u32 s1, $0x2  }
0xc8: {  	s4 =	sand.u32 $0x4000, s31;
	s1 =	sadd.s32 s1, s30  }
0xc9: {  	s0 =	sor.u32 s4, s0;
	s1 =	sshll.u32 s1, $0x11  }
0xca: {  	s0 =	sor.u32 s1, s0  }
0xcb: {  	s0 =	sadd.s32 $0x8F2B, s0  }
0xcc: {  	[sflag:s0] =	ssyncadd.remote.s32 $0x1  }
0xcd: {  	_ =	sfence.sel $0xFFFF  }
0xce: {  	[dreg:$0x0] =	wrdreg $0xFFFFFFFF;
	(pc) =	sbr.abs _section_cstart, $3  }
0xcf: {  	[dreg:$0x1] =	wrdreg $0xFFFFFFFF  }
0xd0: {  	_ =	task.clear_ibuf [dreg:s22], $0x2FFFF;
	_ =	strace $0x9FFFFFFF  }
0xd1: {  	(tm) =	ssettm $0x7FFFFFFF  }
tec
execute0_lowered:
.L_overlay_start_1:
0x0: {  	(tag) =	ssettag $0x1  }
0x1: {  	s4 =	rddreg [dreg:$0x0]  }
0x2: {  	s1 =	srdreg.scid;
	s0 =	stileid.u32  }
0x3: {  	s2 =	rddreg [dreg:$0x1];
	s3 =	simm.s32 $0x0;
	s16 =	simm.s32 $0xC80  }
0x4: {  	s17 =	simm.s32 $0x1900;
	s18 =	simm.s32 $0x2;
	s19 =	simm.s32 $0x2580  }
0x5: {  	s20 =	simm.s32 $0x3;
	s21 =	simm.s32 $0x5;
	s22 =	simm.s32 $0x4  }
0x6: {  	s23 =	simm.s32 $0x6;
	s24 =	simm.s32 $0x0;
	s6 =	sand.u32 $0x1, s1  }
0x7: {  	s5 =	sshll.u32 s0, $0x1;
	s1 =	rddreg [dreg:$0x2];
	s10 =	smul.u32 $0xFA00, s0  }
0x8: {  	[smem:$0x7FF] =	sst s3;
	s5 =	sor.u32 s6, s5;
	s11 =	smul.u32 $0x7D00, s6  }
0x9: {  	s12 =	sadd.s32 $0xFC00, s4;
	s7 =	ssub.s32 $0x2, s6;
	s5 =	smul.u32 $0x7D00, s5  }
0xa: {  	s4 =	sadd.s32 $0x2F000, s4;
	_ =	strace $0x8000004A;
	s9 =	sshrl.u32 s7, $0x1  }
0xb: {  	s9 =	ssub.s32 s7, s9;
	s13 =	sadd.s32 s11, s10;
	s8 =	sshrl.u32 s5, $0x3  }
0xc: {  	s11 =	sadd.s32 $0x3200, s13;
	s14 =	sadd.s32 $0x2580, s13;
	s15 =	sadd.s32 $0xC80, s13  }
.Ltmp0:
0xd: {  	s13 =	sadd.s32 $0x1900, s13;
	s5 =	sadd.s32 s4, s8;
	(pc) =	sbr.rel .LBB2_1-.Ltmp0, $4  }
0xe: {  	s6 =	sadd.s32 s12, s8;
	s8 =	smax.u32 s9, $0x1;
	s11 =	sshrl.u32 s11, $0x3  }
0xf: {  	s14 =	sshrl.u32 s14, $0x3;
	s31 =	sshrl.u32 s15, $0x3;
	s15 =	simm.s32 $0x1  }
0x10: {  	s7 =	sadd.s32 $0xE10, s5;
	s9 =	sadd.s32 $0x190, s6;
	s10 =	sadd.s32 $0x320, s6  }
0x11: {  	s11 =	sadd.s32 s11, s12;
	s12 =	sadd.s32 s14, s12;
	s14 =	sadd.s32 s31, s4  }
.LBB2_4:
0x12: {  	_ =	swait.ge [sflag:s22], $0xC80  }
0x13: {  	[sflag:s22] =	ssyncset.done $0x0  }
0x14: {  	s24 =	sadd.s32 $0x1, s24;
	[sflag:s22] =	ssyncadd.s32 $0xFFFFF380  }
0x15: {  	[hbm4b:s7+s3] =	stream.linear.scatter [tilespmem:s19], [sflag:$0x6], $0xC80, $0x38;
	[tilespmem:$0x3200] =	vst v63  }
0x16: {  	p0 =	sne.s32 s24, s8;
	_ =	swait.ge [sflag:s21], $0xC80  }
.Ltmp1:
0x17: {  	[sflag:s21] =	ssyncset.done $0x0;
	(pc) =	sbr.rel @!p0 .LBB2_5-.Ltmp1, $4  }
0x18: {  	[sflag:s21] =	ssyncadd.s32 $0xFFFFF380  }
0x19: {  	_ =	swait.ge [sflag:s23], $0xC80  }
0x1a: {  	[sflag:s23] =	ssyncset.done $0x0  }
0x1b: {  	[sflag:s23] =	ssyncadd.s32 $0xFFFFF380  }
.LBB2_1:
0x1c: {  	[tilespmem:s3], [sflag:$0x1] =	stream.linear.gather [hbm4b:s6+s3], $0xC80, $0x38;
	[tilespmem:$0x3200] =	vst v63  }
0x1d: {  	_ =	swait.ge [sflag:s15], $0xC80  }
0x1e: {  	[sflag:s15] =	ssyncset.done $0x0  }
0x1f: {  	[sflag:s15] =	ssyncadd.s32 $0xFFFFF380  }
0x20: {  	[tilespmem:s17], [sflag:$0x3] =	stream.indirect.gather [hbm4b:s2+s16], $0x1, s3, s16, $0xb8;
	[tilespmem:$0x3200] =	vst v63  }
0x21: {  	_ = 	snop  }
0x22: {  	[tilespmem:s16], [sflag:$0x2] =	stream.linear.gather [hbm4b:s9+s3], $0xC80, $0x38;
	[tilespmem:$0x3200] =	vst v63  }
0x23: {  	_ =	swait.ge [sflag:s18], $0xC80  }
0x24: {  	[sflag:s18] =	ssyncset.done $0x0  }
0x25: {  	[sflag:s18] =	ssyncadd.s32 $0xFFFFF380  }
0x26: {  	[tilespmem:s19], [sflag:$0x4] =	stream.indirect.gather [hbm4b:s2+s16], $0x1, s16, s16, $0xb8;
	[tilespmem:$0x3200] =	vst v63  }
0x27: {  	_ =	swait.ge [sflag:s20], $0xC80  }
0x28: {  	[sflag:s20] =	ssyncset.done $0x0  }
0x29: {  	[sflag:s20] =	ssyncadd.s32 $0xFFFFF380  }
0x2a: {  	[hbm4b:s5+s3] =	stream.linear.scatter [tilespmem:s17], [sflag:$0x5], $0xC80, $0x38;
	[tilespmem:$0x3200] =	vst v63  }
0x2b: {  	s25 =	smov.u32 s13;
	s26 =	simm.s32 $0x0  }
0x2c: {  	[tilespmem:s3], [sflag:$0x1] =	stream.linear.gather [hbm4b:s10+s3], $0xC80, $0x38;
	[tilespmem:$0x3200] =	vst v63  }
.LBB2_2:
0x2d: {  	_ =	swait.ge [sflag:s15], $0xC80  }
0x2e: {  	[sflag:s15] =	ssyncset.done $0x0  }
0x2f: {  	[sflag:s15] =	ssyncadd.s32 $0xFFFFF380  }
0x30: {  	_ =	swait.ge [sflag:s21], $0xC80  }
0x31: {  	[sflag:s21] =	ssyncset.done $0x0  }
0x32: {  	[sflag:s21] =	ssyncadd.s32 $0xFFFFF380  }
0x33: {  	[tilespmem:s17], [sflag:$0x3] =	stream.indirect.gather [hbm4b:s2+s16], $0x1, s3, s16, $0xb8;
	[tilespmem:$0x3200] =	vst v63  }
0x34: {  	_ =	swait.ge [sflag:s22], $0xC80  }
0x35: {  	[sflag:s22] =	ssyncset.done $0x0  }
0x36: {  	s28 =	sadd.s32 s26, s14;
	[sflag:s22] =	ssyncadd.s32 $0xFFFFF380  }
0x37: {  	[hbm4b:s28+s3] =	stream.linear.scatter [tilespmem:s19], [sflag:$0x6], $0xC80, $0x38;
	[tilespmem:$0x3200] =	vst v63  }
0x38: {  	s30 =	sadd.s32 s26, s12  }
0x39: {  	[tilespmem:s16], [sflag:$0x2] =	stream.linear.gather [hbm4b:s30+s3], $0xC80, $0x38;
	[tilespmem:$0x3200] =	vst v63  }
0x3a: {  	_ =	swait.ge [sflag:s18], $0xC80  }
0x3b: {  	[sflag:s18] =	ssyncset.done $0x0  }
0x3c: {  	[sflag:s18] =	ssyncadd.s32 $0xFFFFF380  }
0x3d: {  	_ =	swait.ge [sflag:s23], $0xC80  }
0x3e: {  	[sflag:s23] =	ssyncset.done $0x0  }
0x3f: {  	p0 =	seq.s32 s26, $0x960;
	[sflag:s23] =	ssyncadd.s32 $0xFFFFF380  }
0x40: {  	[tilespmem:s19], [sflag:$0x4] =	stream.indirect.gather [hbm4b:s2+s16], $0x1, s16, s16, $0xb8;
	[tilespmem:$0x3200] =	vst v63  }
.Ltmp2:
0x41: {  	_ = 	snop;
	(pc) =	sbr.rel @p0 .LBB2_4-.Ltmp2, $4  }
0x42: {  	_ =	swait.ge [sflag:s20], $0xC80  }
0x43: {  	s31 =	sshrl.u32 s25, $0x3;
	[sflag:s20] =	ssyncset.done $0x0  }
0x44: {  	s28 =	sadd.s32 s4, s31;
	[sflag:s20] =	ssyncadd.s32 $0xFFFFF380  }
0x45: {  	[hbm4b:s28+s3] =	stream.linear.scatter [tilespmem:s17], [sflag:$0x5], $0xC80, $0x38;
	[tilespmem:$0x3200] =	vst v63  }
.Ltmp3:
0x46: {  	(pc) =	sbr.rel .LBB2_2-.Ltmp3, $3  }
0x47: {  	_ =	sdelay $0x1  }
0x48: {  	s28 =	sadd.s32 s26, s11;
	s26 =	sadd.s32 $0x320, s26;
	s25 =	sadd.s32 $0x1900, s25  }
0x49: {  	[tilespmem:s3], [sflag:$0x1] =	stream.linear.gather [hbm4b:s28+s3], $0xC80, $0x38;
	[tilespmem:$0x3200] =	vst v63  }
.LBB2_5:
0x4a: {  	_ =	sfence.sel $0x180000  }
0x4b: {  	[bflag:$0x0] =	sbarrier.arrive $0xFFFF  }
0x4c: {  	p0 =	sne.s32 s0, $0x0;
	_ =	strace $0x9000004A  }
0x4d: {  	s0 =	sadd.s32 @!p0 $0x100000, s1;
	[bflag:$0x2] =	sbarrier.arrive $0xFFFF  }
0x4e: {  	[sflag:s0] =	ssyncadd.tile.s32 @!p0 $0x1;
	_ =	shalt  }
.Lfunc_end2:
_tile_overlayer_lowered:
.L_overlay_start_2:
0x4f: {  	(tag) =	ssettag $0x2  }
0x50: {  	s0 =	rddreg [dreg:$0x0];
	s2 =	stileid.u32  }
0x51: {  	s1 =	rddreg [dreg:$0x1];
	p0 =	sne.s32 s2, $0x0  }
0x52: {  	s3 =	rddreg [dreg:$0x2];
	[bflag:$0x3] =	sbarrier.arrive $0xFFFF;
	s2 =	simm.s32 @!p0 $0x1C07  }
0x53: {  	[timem:s3], [sflag:s2] =	dma.local @!p0 [hbm:s0], s1  }
0x54: {  	s0 =	simm.s32 @!p0 $0x7  }
0x55: {  	_ =	swait.ge @!p0 [sflag:s0], s1  }
0x56: {  	s1 =	ssub.s32 @!p0 $0x0, s1;
	[sflag:s0] =	ssyncset.done @!p0 $0x0  }
0x57: {  	[sflag:s0] =	ssyncadd.s32 @!p0 s1  }
0x58: {  	[bflag:$0x3] =	sbarrier.arrive $0xFFFF  }
0x59: {  	_ =	shalt  }

// kernel: kernel.18.cloned.1.call-start
scs
__scs_entry_jumppad:
0x0: {  	(pc) =	sbr.rel $0x88, $3  }
0x1: {  	(tag) =	ssettag $0x0;
	lr =	simm.s32 $0x1  }
0x2: {  	[smem:$0x3F9B] =	sst lr;
	_ =	strace $0xD0000000  }
0x3: {  	_ = 	snop  }
0x4: {  	_ = 	snop  }
0x5: {  	_ = 	snop  }
0x6: {  	_ = 	snop  }
0x7: {  	_ = 	snop  }
__scs_overlays_trampoline_lowered:
0x8: {  	[smem:$0x3FAA] =	sst s0  }
0x9: {  	[smem:$0x3FAB] =	sst s1  }
0xa: {  	[smem:$0x3FAC] =	sst s2  }
0xb: {  	[smem:$0x3FAD] =	sst s3  }
0xc: {  	[smem:$0x3FAE] =	sst s4  }
0xd: {  	[smem:$0x3FAF] =	sst s5  }
0xe: {  	[smem:$0x3FB0] =	sst s6  }
0xf: {  	[smem:$0x3FB1] =	sst s7  }
0x10: {  	[smem:$0x3FB2] =	sst s8  }
0x11: {  	[smem:$0x3FB3] =	sst s9;
	s0 =	simm.s32 @!p0 $0x0  }
0x12: {  	s1 =	sld [smem:$0x3F99];
	s0 =	simm.s32 @p0 $0x1  }
0x13: {  	[smem:$0x3FB4] =	sst s0;
	s0 =	simm.s32 @!p1 $0x0  }
0x14: {  	s2 =	sld [smem:$0x3F98];
	s0 =	simm.s32 @p1 $0x1  }
0x15: {  	[smem:$0x3FB5] =	sst s0;
	s0 =	simm.s32 @!p2 $0x0  }
0x16: {  	s3 =	sld [smem:$0x3FDB];
	s0 =	simm.s32 @p2 $0x1  }
0x17: {  	s4 =	simm.s32 $0x1BF5;
	[smem:$0x3FB7] =	sst s0  }
0x18: {  	s0 =	sld [smem:$0x3F9A];
	_ =	swait.ge [sflag:s4], $0x0  }
0x19: {  	s7 =	sld [smem:$0x3F9B]  }
0x1a: {  	s8 =	sadd.s32 $0xFFFFE003, lr  }
0x1b: {  	s9 =	sadd.s32 $0xFFFFFEF7, lr;
	s5 =	simm.s32 $0xFFFFFFFF;
	p2 =	slt.u32 s8, $0xFFFFF086  }
0x1c: {  	p1 =	slt.u32 s9, $0xF7A;
	s5 =	simm.s32 @!p2 $0x0  }
0x1d: {  	s5 =	simm.s32 @p1 $0x1;
	p0 =	seq.s32 s7, s2  }
0x1e: {  	s7 =	smul.u32 @!p0 $0xF7A, s2;
	p2 =	seq.s32 @!p0 s5, $0x0  }
0x1f: {  	s9 =	smul.u32 $0xF7A, s1;
	s8 =	simm.s32 @!p0 $0x1BF5;
	p2 =	por !p2, p0  }
0x20: {  	[sflag:s8] =	ssyncset.s32 @!p0 $0xFFFFF086;
	s6 =	sadd.s32 @!p0 s3, s7;
	s7 =	simm.s32 @!p0 $0x108  }
0x21: {  	s3 =	sadd.s32 s3, s9;
	s6 =	sadd.s32 @!p0 $0x88, s6;
	s7 =	simm.s32 @p2 $0x1082  }
0x22: {  	[simem:s7], [sflag:s8] =	dma.local @!p0 [hbm:s6], $0xF7A  }
0x23: {  	s9 =	sor.u32 $0xD0000000, s2;
	s6 =	simm.s32 $0x108;
	_ =	swait.ge @!p0 [sflag:s8], $0x0  }
0x24: {  	s3 =	sadd.s32 $0x88, s3;
	s6 =	simm.s32 @!p1 $0x1082;
	[sflag:s4] =	ssyncset.s32 $0xFFFFF086  }
0x25: {  	[simem:s6], [sflag:s4] =	dma.local [hbm:s3], $0xF7A  }
0x26: {  	[smem:$0x3F9B] =	sst s1;
	(tag) =	ssettag s2;
	_ =	strace s9  }
0x27: {  	s1 =	sld [smem:$0x3FAB]  }
0x28: {  	s2 =	sld [smem:$0x3FAC]  }
0x29: {  	s4 =	sld [smem:$0x3FAE]  }
0x2a: {  	p0 =	seq.s32 s5, $0x0;
	s5 =	sld [smem:$0x3FAF]  }
0x2b: {  	s6 =	sld [smem:$0x3FB0]  }
0x2c: {  	s7 =	sld [smem:$0x3FB1]  }
0x2d: {  	s3 =	simm.s32 $0x108;
	s8 =	sld [smem:$0x3FB2]  }
0x2e: {  	s3 =	simm.s32 @!p0 $0x1082;
	s9 =	sld [smem:$0x3FB3]  }
0x2f: {  	lr =	sadd.s32 s0, s3;
	s0 =	sld [smem:$0x3FAA]  }
0x30: {  	s3 =	sld [smem:$0x3FAD]  }
0x31: {  	[smem:$0x3FB6] =	sst s10  }
0x32: {  	s10 =	sld [smem:$0x3FB4];
	_ =	sdelay $0x3  }
0x33: {  	p0 =	seq.s32 s10, $0x1;
	s10 =	sld [smem:$0x3FB6];
	_ =	sdelay $0x3  }
0x34: {  	[smem:$0x3FB6] =	sst s10  }
0x35: {  	s10 =	sld [smem:$0x3FB5];
	_ =	sdelay $0x3  }
0x36: {  	p1 =	seq.s32 s10, $0x1;
	s10 =	sld [smem:$0x3FB6];
	_ =	sdelay $0x3  }
0x37: {  	[smem:$0x3FB6] =	sst s10  }
0x38: {  	s10 =	sld [smem:$0x3FB7]  }
0x39: {  	_ = 	snop;
	(pc) =	sbr.ind lr, $3  }
0x3a: {  	_ = 	snop  }
0x3b: {  	_ = 	snop  }
0x3c: {  	p2 =	seq.s32 s10, $0x1;
	s10 =	sld [smem:$0x3FB6]  }
0x3d: {  	_ =	shalt  }
0x3e: {  	_ =	shalt  }
0x3f: {  	_ =	shalt  }
0x40: {  	_ =	shalt  }
0x41: {  	_ =	shalt  }
0x42: {  	_ =	shalt  }
0x43: {  	_ =	shalt  }
0x44: {  	_ =	shalt  }
0x45: {  	_ =	shalt  }
0x46: {  	_ =	shalt  }
0x47: {  	_ =	shalt  }
0x48: {  	_ =	shalt  }
0x49: {  	_ =	shalt  }
0x4a: {  	_ =	shalt  }
0x4b: {  	_ =	shalt  }
0x4c: {  	_ =	shalt  }
0x4d: {  	_ =	shalt  }
0x4e: {  	_ =	shalt  }
0x4f: {  	_ =	shalt  }
0x50: {  	_ =	shalt  }
0x51: {  	_ =	shalt  }
0x52: {  	_ =	shalt  }
0x53: {  	_ =	shalt  }
0x54: {  	_ =	shalt  }
0x55: {  	_ =	shalt  }
0x56: {  	_ =	shalt  }
0x57: {  	_ =	shalt  }
0x58: {  	_ =	shalt  }
0x59: {  	_ =	shalt  }
0x5a: {  	_ =	shalt  }
0x5b: {  	_ =	shalt  }
0x5c: {  	_ =	shalt  }
0x5d: {  	_ =	shalt  }
0x5e: {  	_ =	shalt  }
0x5f: {  	_ =	shalt  }
0x60: {  	_ =	shalt  }
0x61: {  	_ =	shalt  }
0x62: {  	_ =	shalt  }
0x63: {  	_ =	shalt  }
0x64: {  	_ =	shalt  }
0x65: {  	_ =	shalt  }
0x66: {  	_ =	shalt  }
0x67: {  	_ =	shalt  }
0x68: {  	_ =	shalt  }
0x69: {  	_ =	shalt  }
0x6a: {  	_ =	shalt  }
0x6b: {  	_ =	shalt  }
0x6c: {  	_ =	shalt  }
0x6d: {  	_ =	shalt  }
0x6e: {  	_ =	shalt  }
0x6f: {  	_ =	shalt  }
0x70: {  	_ =	shalt  }
0x71: {  	_ =	shalt  }
0x72: {  	_ =	shalt  }
0x73: {  	_ =	shalt  }
0x74: {  	_ =	shalt  }
0x75: {  	_ =	shalt  }
0x76: {  	_ =	shalt  }
0x77: {  	_ =	shalt  }
0x78: {  	_ =	shalt  }
0x79: {  	_ =	shalt  }
0x7a: {  	_ =	shalt  }
0x7b: {  	_ =	shalt  }
0x7c: {  	_ =	shalt  }
0x7d: {  	_ =	shalt  }
0x7e: {  	_ =	shalt  }
0x7f: {  	_ =	shalt  }
0x80: {  	_ =	shalt  }
0x81: {  	_ =	shalt  }
0x82: {  	_ =	shalt  }
0x83: {  	_ =	shalt  }
0x84: {  	_ =	shalt  }
0x85: {  	_ =	shalt  }
0x86: {  	_ =	shalt  }
0x87: {  	_ =	shalt  }
.Lfunc_end0:
.L_simem_size_0:
called_computation.2_lowered:
.L_overlay_start_0:
0x88: {  	s2 =	sld [smem:$0x3FD9]  }
0x89: {  	s3 =	sld [smem:$0x3FFE];
	_ =	sdelay $0x1  }
0x8a: {  	s1 =	srdreg.scid  }
0x8b: {  	s0 =	sand.u32 $0x1, s1  }
0x8c: {  	s17 =	sshll.u32 s0, $0xA;
	s2 =	sadd.s32 s3, s2  }
0x8d: {  	s2 =	sadd.s32 s2, s17  }
0x8e: {  	[smem:$0x3FC2] =	sst s2  }
0x8f: {  	_ = 	snop  }
0x90: {  	s18 =	sld [smem:$0x3FC6];
	(tm) =	ssettm $0x1  }
0x91: {  	s19 =	sld [smem:$0x3FFB];
	_ =	sdelay $0x3  }
0x92: {  	_ =	strace s19  }
0x93: {  	s2 =	sld [smem:$0x3FFC];
	_ =	sdelay $0x3  }
0x94: {  	_ =	strace s2  }
0x95: {  	s2 =	sld [smem:$0x3FFD];
	_ =	sdelay $0x3  }
0x96: {  	_ =	strace s2  }
0x97: {  	_ =	strace $0x8FFFFFFF  }
0x98: {  	s20 =	sld [smem:$0x3FDB];
	_ =	sdelay $0x1  }
0x99: {  	s4 =	simm.s32 $_scs_section_size  }
0x9a: {  	s5 =	simm.s32 $_size__tile_overlayer_lowered;
	s6 =	simm.s32 $_tile_overlayer_lowered  }
0x9b: {  	s7 =	simm.s32 $0x1BFF;
	s21 =	sshll.u32 s6, $0x1;
	s4 =	sadd.s32 s4, s20  }
0x9c: {  	s22 =	simm.s32 $0x0;
	s5 =	sshll.u32 s5, $0x1;
	s6 =	sadd.s32 s21, s4  }
0x9d: {  	[timem:s22], [sflag:s7] =	dma.local [hbm:s6], s5  }
0x9e: {  	_ =	swait.ge [sflag:s7], s5  }
0x9f: {  	s5 =	ssub.s32 $0x0, s5;
	[sflag:s7] =	ssyncset.done $0x0  }
0xa0: {  	[sflag:s7] =	ssyncadd.s32 s5;
	_ =	sdelay $0x1  }
0xa1: {  	s23 =	simm.s32 $0x1B8B  }
0xa2: {  	_ =	swait.ge [sflag:s23], $0x1  }
0xa3: {  	[sflag:s23] =	ssyncset.done $0x0  }
0xa4: {  	[sflag:s23] =	ssyncadd.s32 $0xFFFFFFFF  }
0xa5: {  	s5 =	sld [smem:$0x0]  }
0xa6: {  	s6 =	sand.u32 $0xFFFFFFFE, s1  }
0xa7: {  	p0 =	sne.s32 s1, s6  }
0xa8: {  	s6 =	sshll.u32 @p0 s6, $0xE  }
0xa9: {  	s6 =	sadd.s32 @p0 $0x11B8D, s6;
	s7 =	sshll.u32 @p0 s5, $0x11  }
0xaa: {  	s6 =	sor.u32 @p0 s7, s6  }
0xab: {  	[sflag:s6] =	ssyncadd.remote.s32 @p0 $0x1;
	_ =	sdelay $0x1  }
0xac: {  	s6 =	simm.s32 @p0 $0x1B8D  }
0xad: {  	_ =	swait.eq @p0 [sflag:s6], $0x1  }
0xae: {  	[sflag:s6] =	ssyncadd.s32 @p0 $0xFFFFFFFF  }
0xaf: {  	s7 =	sshll.u32 @!p0 s1, $0xE  }
0xb0: {  	s7 =	sor.u32 @!p0 $0x4000, s7;
	s6 =	simm.s32 @!p0 $0x1B8D  }
0xb1: {  	s5 =	sshll.u32 @!p0 s5, $0x11;
	s7 =	sadd.s32 @!p0 $0x11B8D, s7;
	_ =	swait.eq @!p0 [sflag:s6], $0x1  }
0xb2: {  	s5 =	sor.u32 @!p0 s5, s7;
	[sflag:s6] =	ssyncadd.s32 @!p0 $0xFFFFFFFF  }
0xb3: {  	s25 =	simm.s32 $0x1B8E;
	s24 =	sld [smem:$0x3FFE];
	[sflag:s5] =	ssyncadd.remote.s32 @!p0 $0x1  }
0xb4: {  	s26 =	simm.s32 $execute0_lowered;
	[smem:$0x3FD2] =	sst s25  }
0xb5: {  	s6 =	sshll.u32 s26, $0x1;
	_ =	strace $0x8000004C;
	[dreg:$0x1] =	wrdreg $0xFFFFFFFF  }
0xb6: {  	s28 =	simm.s32 $_size_execute0_lowered;
	s4 =	sadd.s32 s4, s6;
	[dreg:$0x0] =	wrdreg $0x0  }
0xb7: {  	s6 =	sshll.u32 s28, $0x1;
	[dreg:$0x2] =	wrdreg s4  }
0xb8: {  	[dreg:$0x3] =	wrdreg s6  }
0xb9: {  	[dreg:$0x4] =	wrdreg $0xC0  }
0xba: {  	_ =	task [dreg:s22], $0x5FFFF  }
0xbb: {  	[dreg:$0x1] =	wrdreg $0xFFFFFFFF  }
0xbc: {  	[dreg:$0x0] =	wrdreg $0x60  }
0xbd: {  	[dreg:$0x2] =	wrdreg s24  }
0xbe: {  	[dreg:$0x3] =	wrdreg s18  }
0xbf: {  	[dreg:$0x4] =	wrdreg $0xB  }
0xc0: {  	_ =	task.clear_ibuf [dreg:s22], $0x5FFFF;
	_ =	strace $0x9000004C  }
0xc1: {  	s29 =	simm.s32 $0xB;
	_ =	strace $0x8000004E  }
0xc2: {  	_ =	swait.ge [sflag:s29], $0x1  }
0xc3: {  	[sflag:s29] =	ssyncadd.s32 $0xFFFFFFFF  }
0xc4: {  	_ =	strace $0x9000004E  }
0xc5: {  	_ =	sfence  }
0xc6: {  	s30 =	sld [smem:$0x0];
	_ =	sdelay $0x2  }
0xc7: {  	s31 =	sshll.u32 s1, $0xD;
	s1 =	sshrl.u32 s1, $0x2  }
0xc8: {  	s4 =	sand.u32 $0x4000, s31;
	s1 =	sadd.s32 s1, s30  }
0xc9: {  	s0 =	sor.u32 s4, s0;
	s1 =	sshll.u32 s1, $0x11  }
0xca: {  	s0 =	sor.u32 s1, s0  }
0xcb: {  	s0 =	sadd.s32 $0x8F2B, s0  }
0xcc: {  	[sflag:s0] =	ssyncadd.remote.s32 $0x1  }
0xcd: {  	_ =	sfence.sel $0xFFFF  }
0xce: {  	[dreg:$0x0] =	wrdreg $0xFFFFFFFF;
	(pc) =	sbr.abs _section_cstart, $3  }
0xcf: {  	[dreg:$0x1] =	wrdreg $0xFFFFFFFF  }
0xd0: {  	_ =	task.clear_ibuf [dreg:s22], $0x2FFFF;
	_ =	strace $0x9FFFFFFF  }
0xd1: {  	(tm) =	ssettm $0x7FFFFFFF  }
tec
execute0_lowered:
.L_overlay_start_1:
0x0: {  	(tag) =	ssettag $0x1  }
0x1: {  	s4 =	rddreg [dreg:$0x0]  }
0x2: {  	s1 =	srdreg.scid;
	s0 =	stileid.u32  }
0x3: {  	s2 =	rddreg [dreg:$0x1];
	s3 =	simm.s32 $0x0;
	s16 =	simm.s32 $0xC80  }
0x4: {  	s17 =	simm.s32 $0x1900;
	s18 =	simm.s32 $0x2;
	s19 =	simm.s32 $0x2580  }
0x5: {  	s20 =	simm.s32 $0x3;
	s21 =	simm.s32 $0x5;
	s22 =	simm.s32 $0x4  }
0x6: {  	s23 =	simm.s32 $0x6;
	s24 =	simm.s32 $0x0;
	s6 =	sand.u32 $0x1, s1  }
0x7: {  	s5 =	sshll.u32 s0, $0x1;
	s1 =	rddreg [dreg:$0x2];
	s10 =	smul.u32 $0xFA00, s0  }
0x8: {  	[smem:$0x7FF] =	sst s3;
	s5 =	sor.u32 s6, s5;
	s11 =	smul.u32 $0x7D00, s6  }
0x9: {  	s12 =	sadd.s32 $0x4E400, s4;
	s7 =	ssub.s32 $0x2, s6;
	s5 =	smul.u32 $0x7D00, s5  }
0xa: {  	s4 =	sadd.s32 $0x6D800, s4;
	_ =	strace $0x8000004D;
	s9 =	sshrl.u32 s7, $0x1  }
0xb: {  	s9 =	ssub.s32 s7, s9;
	s13 =	sadd.s32 s11, s10;
	s8 =	sshrl.u32 s5, $0x3  }
0xc: {  	s11 =	sadd.s32 $0x3200, s13;
	s14 =	sadd.s32 $0x2580, s13;
	s15 =	sadd.s32 $0xC80, s13  }
.Ltmp0:
0xd: {  	s13 =	sadd.s32 $0x1900, s13;
	s5 =	sadd.s32 s4, s8;
	(pc) =	sbr.rel .LBB2_1-.Ltmp0, $4  }
0xe: {  	s6 =	sadd.s32 s12, s8;
	s8 =	smax.u32 s9, $0x1;
	s11 =	sshrl.u32 s11, $0x3  }
0xf: {  	s14 =	sshrl.u32 s14, $0x3;
	s31 =	sshrl.u32 s15, $0x3;
	s15 =	simm.s32 $0x1  }
0x10: {  	s7 =	sadd.s32 $0xE10, s5;
	s9 =	sadd.s32 $0x190, s6;
	s10 =	sadd.s32 $0x320, s6  }
0x11: {  	s11 =	sadd.s32 s11, s12;
	s12 =	sadd.s32 s14, s12;
	s14 =	sadd.s32 s31, s4  }
.LBB2_4:
0x12: {  	_ =	swait.ge [sflag:s22], $0xC80  }
0x13: {  	[sflag:s22] =	ssyncset.done $0x0  }
0x14: {  	s24 =	sadd.s32 $0x1, s24;
	[sflag:s22] =	ssyncadd.s32 $0xFFFFF380  }
0x15: {  	[hbm4b:s7+s3] =	stream.linear.scatter [tilespmem:s19], [sflag:$0x6], $0xC80, $0x38;
	[tilespmem:$0x3200] =	vst v63  }
0x16: {  	p0 =	sne.s32 s24, s8;
	_ =	swait.ge [sflag:s21], $0xC80  }
.Ltmp1:
0x17: {  	[sflag:s21] =	ssyncset.done $0x0;
	(pc) =	sbr.rel @!p0 .LBB2_5-.Ltmp1, $4  }
0x18: {  	[sflag:s21] =	ssyncadd.s32 $0xFFFFF380  }
0x19: {  	_ =	swait.ge [sflag:s23], $0xC80  }
0x1a: {  	[sflag:s23] =	ssyncset.done $0x0  }
0x1b: {  	[sflag:s23] =	ssyncadd.s32 $0xFFFFF380  }
.LBB2_1:
0x1c: {  	[tilespmem:s3], [sflag:$0x1] =	stream.linear.gather [hbm4b:s6+s3], $0xC80, $0x38;
	[tilespmem:$0x3200] =	vst v63  }
0x1d: {  	_ =	swait.ge [sflag:s15], $0xC80  }
0x1e: {  	[sflag:s15] =	ssyncset.done $0x0  }
0x1f: {  	[sflag:s15] =	ssyncadd.s32 $0xFFFFF380  }
0x20: {  	[tilespmem:s17], [sflag:$0x3] =	stream.indirect.gather [hbm4b:s2+s16], $0x1, s3, s16, $0xb8;
	[tilespmem:$0x3200] =	vst v63  }
0x21: {  	_ = 	snop  }
0x22: {  	[tilespmem:s16], [sflag:$0x2] =	stream.linear.gather [hbm4b:s9+s3], $0xC80, $0x38;
	[tilespmem:$0x3200] =	vst v63  }
0x23: {  	_ =	swait.ge [sflag:s18], $0xC80  }
0x24: {  	[sflag:s18] =	ssyncset.done $0x0  }
0x25: {  	[sflag:s18] =	ssyncadd.s32 $0xFFFFF380  }
0x26: {  	[tilespmem:s19], [sflag:$0x4] =	stream.indirect.gather [hbm4b:s2+s16], $0x1, s16, s16, $0xb8;
	[tilespmem:$0x3200] =	vst v63  }
0x27: {  	_ =	swait.ge [sflag:s20], $0xC80  }
0x28: {  	[sflag:s20] =	ssyncset.done $0x0  }
0x29: {  	[sflag:s20] =	ssyncadd.s32 $0xFFFFF380  }
0x2a: {  	[hbm4b:s5+s3] =	stream.linear.scatter [tilespmem:s17], [sflag:$0x5], $0xC80, $0x38;
	[tilespmem:$0x3200] =	vst v63  }
0x2b: {  	s25 =	smov.u32 s13;
	s26 =	simm.s32 $0x0  }
0x2c: {  	[tilespmem:s3], [sflag:$0x1] =	stream.linear.gather [hbm4b:s10+s3], $0xC80, $0x38;
	[tilespmem:$0x3200] =	vst v63  }
.LBB2_2:
0x2d: {  	_ =	swait.ge [sflag:s15], $0xC80  }
0x2e: {  	[sflag:s15] =	ssyncset.done $0x0  }
0x2f: {  	[sflag:s15] =	ssyncadd.s32 $0xFFFFF380  }
0x30: {  	_ =	swait.ge [sflag:s21], $0xC80  }
0x31: {  	[sflag:s21] =	ssyncset.done $0x0  }
0x32: {  	[sflag:s21] =	ssyncadd.s32 $0xFFFFF380  }
0x33: {  	[tilespmem:s17], [sflag:$0x3] =	stream.indirect.gather [hbm4b:s2+s16], $0x1, s3, s16, $0xb8;
	[tilespmem:$0x3200] =	vst v63  }
0x34: {  	_ =	swait.ge [sflag:s22], $0xC80  }
0x35: {  	[sflag:s22] =	ssyncset.done $0x0  }
0x36: {  	s28 =	sadd.s32 s26, s14;
	[sflag:s22] =	ssyncadd.s32 $0xFFFFF380  }
0x37: {  	[hbm4b:s28+s3] =	stream.linear.scatter [tilespmem:s19], [sflag:$0x6], $0xC80, $0x38;
	[tilespmem:$0x3200] =	vst v63  }
0x38: {  	s30 =	sadd.s32 s26, s12  }
0x39: {  	[tilespmem:s16], [sflag:$0x2] =	stream.linear.gather [hbm4b:s30+s3], $0xC80, $0x38;
	[tilespmem:$0x3200] =	vst v63  }
0x3a: {  	_ =	swait.ge [sflag:s18], $0xC80  }
0x3b: {  	[sflag:s18] =	ssyncset.done $0x0  }
0x3c: {  	[sflag:s18] =	ssyncadd.s32 $0xFFFFF380  }
0x3d: {  	_ =	swait.ge [sflag:s23], $0xC80  }
0x3e: {  	[sflag:s23] =	ssyncset.done $0x0  }
0x3f: {  	p0 =	seq.s32 s26, $0x960;
	[sflag:s23] =	ssyncadd.s32 $0xFFFFF380  }
0x40: {  	[tilespmem:s19], [sflag:$0x4] =	stream.indirect.gather [hbm4b:s2+s16], $0x1, s16, s16, $0xb8;
	[tilespmem:$0x3200] =	vst v63  }
.Ltmp2:
0x41: {  	_ = 	snop;
	(pc) =	sbr.rel @p0 .LBB2_4-.Ltmp2, $4  }
0x42: {  	_ =	swait.ge [sflag:s20], $0xC80  }
0x43: {  	s31 =	sshrl.u32 s25, $0x3;
	[sflag:s20] =	ssyncset.done $0x0  }
0x44: {  	s28 =	sadd.s32 s4, s31;
	[sflag:s20] =	ssyncadd.s32 $0xFFFFF380  }
0x45: {  	[hbm4b:s28+s3] =	stream.linear.scatter [tilespmem:s17], [sflag:$0x5], $0xC80, $0x38;
	[tilespmem:$0x3200] =	vst v63  }
.Ltmp3:
0x46: {  	(pc) =	sbr.rel .LBB2_2-.Ltmp3, $3  }
0x47: {  	_ =	sdelay $0x1  }
0x48: {  	s28 =	sadd.s32 s26, s11;
	s26 =	sadd.s32 $0x320, s26;
	s25 =	sadd.s32 $0x1900, s25  }
0x49: {  	[tilespmem:s3], [sflag:$0x1] =	stream.linear.gather [hbm4b:s28+s3], $0xC80, $0x38;
	[tilespmem:$0x3200] =	vst v63  }
.LBB2_5:
0x4a: {  	_ =	sfence.sel $0x180000  }
0x4b: {  	[bflag:$0x0] =	sbarrier.arrive $0xFFFF  }
0x4c: {  	p0 =	sne.s32 s0, $0x0;
	_ =	strace $0x9000004D  }
0x4d: {  	s0 =	sadd.s32 @!p0 $0x100000, s1;
	[bflag:$0x2] =	sbarrier.arrive $0xFFFF  }
0x4e: {  	[sflag:s0] =	ssyncadd.tile.s32 @!p0 $0x1;
	_ =	shalt  }
.Lfunc_end2:
_tile_overlayer_lowered:
.L_overlay_start_2:
0x4f: {  	(tag) =	ssettag $0x2  }
0x50: {  	s0 =	rddreg [dreg:$0x0];
	s2 =	stileid.u32  }
0x51: {  	s1 =	rddreg [dreg:$0x1];
	p0 =	sne.s32 s2, $0x0  }
0x52: {  	s3 =	rddreg [dreg:$0x2];
	[bflag:$0x3] =	sbarrier.arrive $0xFFFF;
	s2 =	simm.s32 @!p0 $0x1C07  }
0x53: {  	[timem:s3], [sflag:s2] =	dma.local @!p0 [hbm:s0], s1  }
0x54: {  	s0 =	simm.s32 @!p0 $0x7  }
0x55: {  	_ =	swait.ge @!p0 [sflag:s0], s1  }
0x56: {  	s1 =	ssub.s32 @!p0 $0x0, s1;
	[sflag:s0] =	ssyncset.done @!p0 $0x0  }
0x57: {  	[sflag:s0] =	ssyncadd.s32 @!p0 s1  }
0x58: {  	[bflag:$0x3] =	sbarrier.arrive $0xFFFF  }
0x59: {  	_ =	shalt  }

// kernel: kernel.21.cloned.1.call-start
scs
__scs_entry_jumppad:
0x0: {  	(pc) =	sbr.rel $0x88, $3  }
0x1: {  	(tag) =	ssettag $0x0;
	lr =	simm.s32 $0x1  }
0x2: {  	[smem:$0x3F9B] =	sst lr;
	_ =	strace $0xD0000000  }
0x3: {  	_ = 	snop  }
0x4: {  	_ = 	snop  }
0x5: {  	_ = 	snop  }
0x6: {  	_ = 	snop  }
0x7: {  	_ = 	snop  }
__scs_overlays_trampoline_lowered:
0x8: {  	[smem:$0x3FAA] =	sst s0  }
0x9: {  	[smem:$0x3FAB] =	sst s1  }
0xa: {  	[smem:$0x3FAC] =	sst s2  }
0xb: {  	[smem:$0x3FAD] =	sst s3  }
0xc: {  	[smem:$0x3FAE] =	sst s4  }
0xd: {  	[smem:$0x3FAF] =	sst s5  }
0xe: {  	[smem:$0x3FB0] =	sst s6  }
0xf: {  	[smem:$0x3FB1] =	sst s7  }
0x10: {  	[smem:$0x3FB2] =	sst s8  }
0x11: {  	[smem:$0x3FB3] =	sst s9;
	s0 =	simm.s32 @!p0 $0x0  }
0x12: {  	s1 =	sld [smem:$0x3F99];
	s0 =	simm.s32 @p0 $0x1  }
0x13: {  	[smem:$0x3FB4] =	sst s0;
	s0 =	simm.s32 @!p1 $0x0  }
0x14: {  	s2 =	sld [smem:$0x3F98];
	s0 =	simm.s32 @p1 $0x1  }
0x15: {  	[smem:$0x3FB5] =	sst s0;
	s0 =	simm.s32 @!p2 $0x0  }
0x16: {  	s3 =	sld [smem:$0x3FDB];
	s0 =	simm.s32 @p2 $0x1  }
0x17: {  	s4 =	simm.s32 $0x1BF5;
	[smem:$0x3FB7] =	sst s0  }
0x18: {  	s0 =	sld [smem:$0x3F9A];
	_ =	swait.ge [sflag:s4], $0x0  }
0x19: {  	s7 =	sld [smem:$0x3F9B]  }
0x1a: {  	s8 =	sadd.s32 $0xFFFFE003, lr  }
0x1b: {  	s9 =	sadd.s32 $0xFFFFFEF7, lr;
	s5 =	simm.s32 $0xFFFFFFFF;
	p2 =	slt.u32 s8, $0xFFFFF086  }
0x1c: {  	p1 =	slt.u32 s9, $0xF7A;
	s5 =	simm.s32 @!p2 $0x0  }
0x1d: {  	s5 =	simm.s32 @p1 $0x1;
	p0 =	seq.s32 s7, s2  }
0x1e: {  	s7 =	smul.u32 @!p0 $0xF7A, s2;
	p2 =	seq.s32 @!p0 s5, $0x0  }
0x1f: {  	s9 =	smul.u32 $0xF7A, s1;
	s8 =	simm.s32 @!p0 $0x1BF5;
	p2 =	por !p2, p0  }
0x20: {  	[sflag:s8] =	ssyncset.s32 @!p0 $0xFFFFF086;
	s6 =	sadd.s32 @!p0 s3, s7;
	s7 =	simm.s32 @!p0 $0x108  }
0x21: {  	s3 =	sadd.s32 s3, s9;
	s6 =	sadd.s32 @!p0 $0x88, s6;
	s7 =	simm.s32 @p2 $0x1082  }
0x22: {  	[simem:s7], [sflag:s8] =	dma.local @!p0 [hbm:s6], $0xF7A  }
0x23: {  	s9 =	sor.u32 $0xD0000000, s2;
	s6 =	simm.s32 $0x108;
	_ =	swait.ge @!p0 [sflag:s8], $0x0  }
0x24: {  	s3 =	sadd.s32 $0x88, s3;
	s6 =	simm.s32 @!p1 $0x1082;
	[sflag:s4] =	ssyncset.s32 $0xFFFFF086  }
0x25: {  	[simem:s6], [sflag:s4] =	dma.local [hbm:s3], $0xF7A  }
0x26: {  	[smem:$0x3F9B] =	sst s1;
	(tag) =	ssettag s2;
	_ =	strace s9  }
0x27: {  	s1 =	sld [smem:$0x3FAB]  }
0x28: {  	s2 =	sld [smem:$0x3FAC]  }
0x29: {  	s4 =	sld [smem:$0x3FAE]  }
0x2a: {  	p0 =	seq.s32 s5, $0x0;
	s5 =	sld [smem:$0x3FAF]  }
0x2b: {  	s6 =	sld [smem:$0x3FB0]  }
0x2c: {  	s7 =	sld [smem:$0x3FB1]  }
0x2d: {  	s3 =	simm.s32 $0x108;
	s8 =	sld [smem:$0x3FB2]  }
0x2e: {  	s3 =	simm.s32 @!p0 $0x1082;
	s9 =	sld [smem:$0x3FB3]  }
0x2f: {  	lr =	sadd.s32 s0, s3;
	s0 =	sld [smem:$0x3FAA]  }
0x30: {  	s3 =	sld [smem:$0x3FAD]  }
0x31: {  	[smem:$0x3FB6] =	sst s10  }
0x32: {  	s10 =	sld [smem:$0x3FB4];
	_ =	sdelay $0x3  }
0x33: {  	p0 =	seq.s32 s10, $0x1;
	s10 =	sld [smem:$0x3FB6];
	_ =	sdelay $0x3  }
0x34: {  	[smem:$0x3FB6] =	sst s10  }
0x35: {  	s10 =	sld [smem:$0x3FB5];
	_ =	sdelay $0x3  }
0x36: {  	p1 =	seq.s32 s10, $0x1;
	s10 =	sld [smem:$0x3FB6];
	_ =	sdelay $0x3  }
0x37: {  	[smem:$0x3FB6] =	sst s10  }
0x38: {  	s10 =	sld [smem:$0x3FB7]  }
0x39: {  	_ = 	snop;
	(pc) =	sbr.ind lr, $3  }
0x3a: {  	_ = 	snop  }
0x3b: {  	_ = 	snop  }
0x3c: {  	p2 =	seq.s32 s10, $0x1;
	s10 =	sld [smem:$0x3FB6]  }
0x3d: {  	_ =	shalt  }
0x3e: {  	_ =	shalt  }
0x3f: {  	_ =	shalt  }
0x40: {  	_ =	shalt  }
0x41: {  	_ =	shalt  }
0x42: {  	_ =	shalt  }
0x43: {  	_ =	shalt  }
0x44: {  	_ =	shalt  }
0x45: {  	_ =	shalt  }
0x46: {  	_ =	shalt  }
0x47: {  	_ =	shalt  }
0x48: {  	_ =	shalt  }
0x49: {  	_ =	shalt  }
0x4a: {  	_ =	shalt  }
0x4b: {  	_ =	shalt  }
0x4c: {  	_ =	shalt  }
0x4d: {  	_ =	shalt  }
0x4e: {  	_ =	shalt  }
0x4f: {  	_ =	shalt  }
0x50: {  	_ =	shalt  }
0x51: {  	_ =	shalt  }
0x52: {  	_ =	shalt  }
0x53: {  	_ =	shalt  }
0x54: {  	_ =	shalt  }
0x55: {  	_ =	shalt  }
0x56: {  	_ =	shalt  }
0x57: {  	_ =	shalt  }
0x58: {  	_ =	shalt  }
0x59: {  	_ =	shalt  }
0x5a: {  	_ =	shalt  }
0x5b: {  	_ =	shalt  }
0x5c: {  	_ =	shalt  }
0x5d: {  	_ =	shalt  }
0x5e: {  	_ =	shalt  }
0x5f: {  	_ =	shalt  }
0x60: {  	_ =	shalt  }
0x61: {  	_ =	shalt  }
0x62: {  	_ =	shalt  }
0x63: {  	_ =	shalt  }
0x64: {  	_ =	shalt  }
0x65: {  	_ =	shalt  }
0x66: {  	_ =	shalt  }
0x67: {  	_ =	shalt  }
0x68: {  	_ =	shalt  }
0x69: {  	_ =	shalt  }
0x6a: {  	_ =	shalt  }
0x6b: {  	_ =	shalt  }
0x6c: {  	_ =	shalt  }
0x6d: {  	_ =	shalt  }
0x6e: {  	_ =	shalt  }
0x6f: {  	_ =	shalt  }
0x70: {  	_ =	shalt  }
0x71: {  	_ =	shalt  }
0x72: {  	_ =	shalt  }
0x73: {  	_ =	shalt  }
0x74: {  	_ =	shalt  }
0x75: {  	_ =	shalt  }
0x76: {  	_ =	shalt  }
0x77: {  	_ =	shalt  }
0x78: {  	_ =	shalt  }
0x79: {  	_ =	shalt  }
0x7a: {  	_ =	shalt  }
0x7b: {  	_ =	shalt  }
0x7c: {  	_ =	shalt  }
0x7d: {  	_ =	shalt  }
0x7e: {  	_ =	shalt  }
0x7f: {  	_ =	shalt  }
0x80: {  	_ =	shalt  }
0x81: {  	_ =	shalt  }
0x82: {  	_ =	shalt  }
0x83: {  	_ =	shalt  }
0x84: {  	_ =	shalt  }
0x85: {  	_ =	shalt  }
0x86: {  	_ =	shalt  }
0x87: {  	_ =	shalt  }
.Lfunc_end0:
.L_simem_size_0:
called_computation.3_lowered:
.L_overlay_start_0:
0x88: {  	s2 =	sld [smem:$0x3FD9]  }
0x89: {  	s3 =	sld [smem:$0x3FFE];
	_ =	sdelay $0x1  }
0x8a: {  	s1 =	srdreg.scid  }
0x8b: {  	s0 =	sand.u32 $0x1, s1  }
0x8c: {  	s17 =	sshll.u32 s0, $0xA;
	s2 =	sadd.s32 s3, s2  }
0x8d: {  	s2 =	sadd.s32 s2, s17  }
0x8e: {  	[smem:$0x3FC2] =	sst s2  }
0x8f: {  	_ = 	snop  }
0x90: {  	s18 =	sld [smem:$0x3FC6];
	(tm) =	ssettm $0x1  }
0x91: {  	s19 =	sld [smem:$0x3FFB];
	_ =	sdelay $0x3  }
0x92: {  	_ =	strace s19  }
0x93: {  	s2 =	sld [smem:$0x3FFC];
	_ =	sdelay $0x3  }
0x94: {  	_ =	strace s2  }
0x95: {  	s2 =	sld [smem:$0x3FFD];
	_ =	sdelay $0x3  }
0x96: {  	_ =	strace s2  }
0x97: {  	_ =	strace $0x8FFFFFFF  }
0x98: {  	s20 =	sld [smem:$0x3FDB];
	_ =	sdelay $0x1  }
0x99: {  	s4 =	simm.s32 $_scs_section_size  }
0x9a: {  	s5 =	simm.s32 $_size__tile_overlayer_lowered;
	s6 =	simm.s32 $_tile_overlayer_lowered  }
0x9b: {  	s7 =	simm.s32 $0x1BFF;
	s21 =	sshll.u32 s6, $0x1;
	s4 =	sadd.s32 s4, s20  }
0x9c: {  	s22 =	simm.s32 $0x0;
	s5 =	sshll.u32 s5, $0x1;
	s6 =	sadd.s32 s21, s4  }
0x9d: {  	[timem:s22], [sflag:s7] =	dma.local [hbm:s6], s5  }
0x9e: {  	_ =	swait.ge [sflag:s7], s5  }
0x9f: {  	s5 =	ssub.s32 $0x0, s5;
	[sflag:s7] =	ssyncset.done $0x0  }
0xa0: {  	[sflag:s7] =	ssyncadd.s32 s5;
	_ =	sdelay $0x1  }
0xa1: {  	s23 =	simm.s32 $0x1B8B  }
0xa2: {  	_ =	swait.ge [sflag:s23], $0x1  }
0xa3: {  	[sflag:s23] =	ssyncset.done $0x0  }
0xa4: {  	[sflag:s23] =	ssyncadd.s32 $0xFFFFFFFF  }
0xa5: {  	s5 =	sld [smem:$0x0]  }
0xa6: {  	s6 =	sand.u32 $0xFFFFFFFE, s1  }
0xa7: {  	p0 =	sne.s32 s1, s6  }
0xa8: {  	s6 =	sshll.u32 @p0 s6, $0xE  }
0xa9: {  	s6 =	sadd.s32 @p0 $0x11B8D, s6;
	s7 =	sshll.u32 @p0 s5, $0x11  }
0xaa: {  	s6 =	sor.u32 @p0 s7, s6  }
0xab: {  	[sflag:s6] =	ssyncadd.remote.s32 @p0 $0x1;
	_ =	sdelay $0x1  }
0xac: {  	s6 =	simm.s32 @p0 $0x1B8D  }
0xad: {  	_ =	swait.eq @p0 [sflag:s6], $0x1  }
0xae: {  	[sflag:s6] =	ssyncadd.s32 @p0 $0xFFFFFFFF  }
0xaf: {  	s7 =	sshll.u32 @!p0 s1, $0xE  }
0xb0: {  	s7 =	sor.u32 @!p0 $0x4000, s7;
	s6 =	simm.s32 @!p0 $0x1B8D  }
0xb1: {  	s5 =	sshll.u32 @!p0 s5, $0x11;
	s7 =	sadd.s32 @!p0 $0x11B8D, s7;
	_ =	swait.eq @!p0 [sflag:s6], $0x1  }
0xb2: {  	s5 =	sor.u32 @!p0 s5, s7;
	[sflag:s6] =	ssyncadd.s32 @!p0 $0xFFFFFFFF  }
0xb3: {  	s25 =	simm.s32 $0x1B8E;
	s24 =	sld [smem:$0x3FFE];
	[sflag:s5] =	ssyncadd.remote.s32 @!p0 $0x1  }
0xb4: {  	s26 =	simm.s32 $execute0_lowered;
	[smem:$0x3FD2] =	sst s25  }
0xb5: {  	s6 =	sshll.u32 s26, $0x1;
	_ =	strace $0x8000004F;
	[dreg:$0x1] =	wrdreg $0xFFFFFFFF  }
0xb6: {  	s28 =	simm.s32 $_size_execute0_lowered;
	s4 =	sadd.s32 s4, s6;
	[dreg:$0x0] =	wrdreg $0x0  }
0xb7: {  	s6 =	sshll.u32 s28, $0x1;
	[dreg:$0x2] =	wrdreg s4  }
0xb8: {  	[dreg:$0x3] =	wrdreg s6  }
0xb9: {  	[dreg:$0x4] =	wrdreg $0xC0  }
0xba: {  	_ =	task [dreg:s22], $0x5FFFF  }
0xbb: {  	[dreg:$0x1] =	wrdreg $0xFFFFFFFF  }
0xbc: {  	[dreg:$0x0] =	wrdreg $0x60  }
0xbd: {  	[dreg:$0x2] =	wrdreg s24  }
0xbe: {  	[dreg:$0x3] =	wrdreg s18  }
0xbf: {  	[dreg:$0x4] =	wrdreg $0xC  }
0xc0: {  	_ =	task.clear_ibuf [dreg:s22], $0x5FFFF;
	_ =	strace $0x9000004F  }
0xc1: {  	s29 =	simm.s32 $0xC;
	_ =	strace $0x80000051  }
0xc2: {  	_ =	swait.ge [sflag:s29], $0x1  }
0xc3: {  	[sflag:s29] =	ssyncadd.s32 $0xFFFFFFFF  }
0xc4: {  	_ =	strace $0x90000051  }
0xc5: {  	_ =	sfence  }
0xc6: {  	s30 =	sld [smem:$0x0];
	_ =	sdelay $0x2  }
0xc7: {  	s31 =	sshll.u32 s1, $0xD;
	s1 =	sshrl.u32 s1, $0x2  }
0xc8: {  	s4 =	sand.u32 $0x4000, s31;
	s1 =	sadd.s32 s1, s30  }
0xc9: {  	s0 =	sor.u32 s4, s0;
	s1 =	sshll.u32 s1, $0x11  }
0xca: {  	s0 =	sor.u32 s1, s0  }
0xcb: {  	s0 =	sadd.s32 $0x8F2B, s0  }
0xcc: {  	[sflag:s0] =	ssyncadd.remote.s32 $0x1  }
0xcd: {  	_ =	sfence.sel $0xFFFF  }
0xce: {  	[dreg:$0x0] =	wrdreg $0xFFFFFFFF;
	(pc) =	sbr.abs _section_cstart, $3  }
0xcf: {  	[dreg:$0x1] =	wrdreg $0xFFFFFFFF  }
0xd0: {  	_ =	task.clear_ibuf [dreg:s22], $0x2FFFF;
	_ =	strace $0x9FFFFFFF  }
0xd1: {  	(tm) =	ssettm $0x7FFFFFFF  }
tec
execute0_lowered:
.L_overlay_start_1:
0x0: {  	(tag) =	ssettag $0x1  }
0x1: {  	s1 =	srdreg.scid;
	s0 =	stileid.u32  }
0x2: {  	s20 =	sand.u32 $0x1, s1;
	s30 =	sshll.u32 s0, $0x1  }
0x3: {  	s1 =	sor.u32 s20, s30  }
0x4: {  	s12 =	rddreg [dreg:$0x0];
	s4 =	smul.u32 $0x6400, s1  }
0x5: {  	s2 =	rddreg [dreg:$0x1];
	s3 =	simm.s32 $0x0;
	s5 =	simm.s32 $0x1  }
0x6: {  	[smem:$0x7FF] =	sst s3;
	s17 =	sadd.s32 $0x8CC00, s12;
	s16 =	sshrl.u32 s4, $0x3  }
0x7: {  	s1 =	rddreg [dreg:$0x2];
	_ =	strace $0x80000050;
	s4 =	sadd.s32 s17, s16  }
0x8: {  	[tilespmem:s3], [sflag:$0x1] =	stream.linear.gather [hbm4b:s4+s3], $0x1900, $0x38;
	[tilespmem:$0x6400] =	vst v63  }
0x9: {  	_ =	swait.ge [sflag:s5], $0x1900  }
0xa: {  	s6 =	simm.s32 $0x1900;
	[sflag:s5] =	ssyncset.done $0x0  }
0xb: {  	s7 =	simm.s32 $0x3200;
	s18 =	sadd.s32 $0x320, s16;
	[sflag:s5] =	ssyncadd.s32 $0xFFFFE700  }
0xc: {  	[tilespmem:s7], [sflag:$0x3] =	stream.indirect.gather [hbm4b:s2+s6], $0x1, s3, s6, $0xb8;
	[tilespmem:$0x6400] =	vst v63  }
0xd: {  	s9 =	simm.s32 $0x2;
	s8 =	sadd.s32 s17, s18  }
0xe: {  	[tilespmem:s6], [sflag:$0x2] =	stream.linear.gather [hbm4b:s8+s3], $0x1900, $0x38;
	[tilespmem:$0x6400] =	vst v63  }
0xf: {  	_ =	swait.ge [sflag:s9], $0x1900  }
0x10: {  	[sflag:s9] =	ssyncset.done $0x0  }
0x11: {  	s10 =	simm.s32 $0x4B00;
	s11 =	simm.s32 $0x3;
	[sflag:s9] =	ssyncadd.s32 $0xFFFFE700  }
0x12: {  	[tilespmem:s10], [sflag:$0x4] =	stream.indirect.gather [hbm4b:s2+s6], $0x1, s6, s6, $0xb8;
	[tilespmem:$0x6400] =	vst v63  }
0x13: {  	_ =	swait.ge [sflag:s11], $0x1900  }
0x14: {  	s21 =	sadd.s32 $0xA5C00, s12;
	[sflag:s11] =	ssyncset.done $0x0  }
0x15: {  	s19 =	sadd.s32 $0x640, s16;
	s12 =	sadd.s32 s21, s16;
	[sflag:s11] =	ssyncadd.s32 $0xFFFFE700  }
0x16: {  	[hbm4b:s12+s3] =	stream.linear.scatter [tilespmem:s7], [sflag:$0x5], $0x1900, $0x38;
	[tilespmem:$0x6400] =	vst v63  }
0x17: {  	s13 =	sadd.s32 s17, s19  }
0x18: {  	[tilespmem:s3], [sflag:$0x1] =	stream.linear.gather [hbm4b:s13+s3], $0x1900, $0x38;
	[tilespmem:$0x6400] =	vst v63  }
0x19: {  	_ =	swait.ge [sflag:s5], $0x1900  }
0x1a: {  	[sflag:s5] =	ssyncset.done $0x0  }
0x1b: {  	s14 =	simm.s32 $0x5;
	[sflag:s5] =	ssyncadd.s32 $0xFFFFE700  }
0x1c: {  	_ =	swait.ge [sflag:s14], $0x1900  }
0x1d: {  	[sflag:s14] =	ssyncset.done $0x0  }
0x1e: {  	s15 =	simm.s32 $0x4;
	[sflag:s14] =	ssyncadd.s32 $0xFFFFE700  }
0x1f: {  	[tilespmem:s7], [sflag:$0x3] =	stream.indirect.gather [hbm4b:s2+s6], $0x1, s3, s6, $0xb8;
	[tilespmem:$0x6400] =	vst v63  }
0x20: {  	_ =	swait.ge [sflag:s15], $0x1900  }
0x21: {  	[sflag:s15] =	ssyncset.done $0x0  }
0x22: {  	s22 =	sadd.s32 $0x960, s16;
	s16 =	sadd.s32 s21, s18;
	[sflag:s15] =	ssyncadd.s32 $0xFFFFE700  }
0x23: {  	[hbm4b:s16+s3] =	stream.linear.scatter [tilespmem:s10], [sflag:$0x6], $0x1900, $0x38;
	[tilespmem:$0x6400] =	vst v63  }
0x24: {  	s17 =	sadd.s32 s17, s22  }
0x25: {  	[tilespmem:s6], [sflag:$0x2] =	stream.linear.gather [hbm4b:s17+s3], $0x1900, $0x38;
	[tilespmem:$0x6400] =	vst v63  }
0x26: {  	_ =	swait.ge [sflag:s9], $0x1900  }
0x27: {  	[sflag:s9] =	ssyncset.done $0x0  }
0x28: {  	s18 =	simm.s32 $0x6;
	[sflag:s9] =	ssyncadd.s32 $0xFFFFE700  }
0x29: {  	_ =	swait.ge [sflag:s18], $0x1900  }
0x2a: {  	[sflag:s18] =	ssyncset.done $0x0  }
0x2b: {  	[sflag:s18] =	ssyncadd.s32 $0xFFFFE700  }
0x2c: {  	[tilespmem:s10], [sflag:$0x4] =	stream.indirect.gather [hbm4b:s2+s6], $0x1, s6, s6, $0xb8;
	[tilespmem:$0x6400] =	vst v63  }
0x2d: {  	_ =	swait.ge [sflag:s11], $0x1900  }
0x2e: {  	s23 =	ssub.s32 $0x2, s20;
	[sflag:s11] =	ssyncset.done $0x0  }
0x2f: {  	s31 =	sshrl.u32 s23, $0x1;
	s19 =	sadd.s32 s21, s19;
	[sflag:s11] =	ssyncadd.s32 $0xFFFFE700  }
0x30: {  	[hbm4b:s19+s3] =	stream.linear.scatter [tilespmem:s7], [sflag:$0x5], $0x1900, $0x38;
	[tilespmem:$0x6400] =	vst v63  }
0x31: {  	s20 =	sadd.s32 s21, s22;
	s21 =	ssub.s32 s23, s31;
	_ =	swait.ge [sflag:s15], $0x1900  }
0x32: {  	s21 =	smax.u32 s21, $0x1;
	[sflag:s15] =	ssyncset.done $0x0  }
0x33: {  	p0 =	sne.s32 s21, $0x1;
	[sflag:s15] =	ssyncadd.s32 $0xFFFFE700  }
0x34: {  	[hbm4b:s20+s3] =	stream.linear.scatter [tilespmem:s10], [sflag:$0x6], $0x1900, $0x38;
	[tilespmem:$0x6400] =	vst v63  }
.Ltmp0:
0x35: {  	_ =	swait.ge [sflag:s14], $0x1900;
	(pc) =	sbr.rel @!p0 .LBB2_2-.Ltmp0, $4  }
0x36: {  	[sflag:s14] =	ssyncset.done $0x0  }
0x37: {  	[sflag:s14] =	ssyncadd.s32 $0xFFFFE700  }
0x38: {  	_ =	swait.ge [sflag:s18], $0x1900  }
0x39: {  	s21 =	sadd.s32 $0xFFFFFFFF, s21;
	[sflag:s18] =	ssyncset.done $0x0  }
.LBB2_1:
0x3a: {  	p0 =	sne.s32 s21, $0x1;
	s21 =	sadd.s32 $0xFFFFFFFF, s21;
	[sflag:s18] =	ssyncadd.s32 $0xFFFFE700  }
0x3b: {  	[tilespmem:s3], [sflag:$0x1] =	stream.linear.gather [hbm4b:s4+s3], $0x1900, $0x38;
	[tilespmem:$0x6400] =	vst v63  }
0x3c: {  	_ =	swait.ge [sflag:s5], $0x1900  }
0x3d: {  	[sflag:s5] =	ssyncset.done $0x0  }
0x3e: {  	[sflag:s5] =	ssyncadd.s32 $0xFFFFE700  }
0x3f: {  	[tilespmem:s7], [sflag:$0x3] =	stream.indirect.gather [hbm4b:s2+s6], $0x1, s3, s6, $0xb8;
	[tilespmem:$0x6400] =	vst v63  }
0x40: {  	_ = 	snop  }
0x41: {  	[tilespmem:s6], [sflag:$0x2] =	stream.linear.gather [hbm4b:s8+s3], $0x1900, $0x38;
	[tilespmem:$0x6400] =	vst v63  }
0x42: {  	_ =	swait.ge [sflag:s9], $0x1900  }
0x43: {  	[sflag:s9] =	ssyncset.done $0x0  }
0x44: {  	[sflag:s9] =	ssyncadd.s32 $0xFFFFE700  }
0x45: {  	[tilespmem:s10], [sflag:$0x4] =	stream.indirect.gather [hbm4b:s2+s6], $0x1, s6, s6, $0xb8;
	[tilespmem:$0x6400] =	vst v63  }
0x46: {  	_ =	swait.ge [sflag:s11], $0x1900  }
0x47: {  	[sflag:s11] =	ssyncset.done $0x0  }
0x48: {  	[sflag:s11] =	ssyncadd.s32 $0xFFFFE700  }
0x49: {  	[hbm4b:s12+s3] =	stream.linear.scatter [tilespmem:s7], [sflag:$0x5], $0x1900, $0x38;
	[tilespmem:$0x6400] =	vst v63  }
0x4a: {  	_ = 	snop  }
0x4b: {  	[tilespmem:s3], [sflag:$0x1] =	stream.linear.gather [hbm4b:s13+s3], $0x1900, $0x38;
	[tilespmem:$0x6400] =	vst v63  }
0x4c: {  	_ =	swait.ge [sflag:s5], $0x1900  }
0x4d: {  	[sflag:s5] =	ssyncset.done $0x0  }
0x4e: {  	[sflag:s5] =	ssyncadd.s32 $0xFFFFE700  }
0x4f: {  	_ =	swait.ge [sflag:s14], $0x1900  }
0x50: {  	[sflag:s14] =	ssyncset.done $0x0  }
0x51: {  	[sflag:s14] =	ssyncadd.s32 $0xFFFFE700  }
0x52: {  	[tilespmem:s7], [sflag:$0x3] =	stream.indirect.gather [hbm4b:s2+s6], $0x1, s3, s6, $0xb8;
	[tilespmem:$0x6400] =	vst v63  }
0x53: {  	_ =	swait.ge [sflag:s15], $0x1900  }
0x54: {  	[sflag:s15] =	ssyncset.done $0x0  }
0x55: {  	[sflag:s15] =	ssyncadd.s32 $0xFFFFE700  }
0x56: {  	[hbm4b:s16+s3] =	stream.linear.scatter [tilespmem:s10], [sflag:$0x6], $0x1900, $0x38;
	[tilespmem:$0x6400] =	vst v63  }
0x57: {  	_ = 	snop  }
0x58: {  	[tilespmem:s6], [sflag:$0x2] =	stream.linear.gather [hbm4b:s17+s3], $0x1900, $0x38;
	[tilespmem:$0x6400] =	vst v63  }
0x59: {  	_ =	swait.ge [sflag:s9], $0x1900  }
0x5a: {  	[sflag:s9] =	ssyncset.done $0x0  }
0x5b: {  	[sflag:s9] =	ssyncadd.s32 $0xFFFFE700  }
0x5c: {  	_ =	swait.ge [sflag:s18], $0x1900  }
0x5d: {  	[sflag:s18] =	ssyncset.done $0x0  }
0x5e: {  	[sflag:s18] =	ssyncadd.s32 $0xFFFFE700  }
0x5f: {  	[tilespmem:s10], [sflag:$0x4] =	stream.indirect.gather [hbm4b:s2+s6], $0x1, s6, s6, $0xb8;
	[tilespmem:$0x6400] =	vst v63  }
0x60: {  	_ =	swait.ge [sflag:s11], $0x1900  }
0x61: {  	[sflag:s11] =	ssyncset.done $0x0  }
0x62: {  	[sflag:s11] =	ssyncadd.s32 $0xFFFFE700  }
0x63: {  	[hbm4b:s19+s3] =	stream.linear.scatter [tilespmem:s7], [sflag:$0x5], $0x1900, $0x38;
	[tilespmem:$0x6400] =	vst v63  }
0x64: {  	_ =	swait.ge [sflag:s15], $0x1900  }
0x65: {  	[sflag:s15] =	ssyncset.done $0x0  }
0x66: {  	[sflag:s15] =	ssyncadd.s32 $0xFFFFE700  }
0x67: {  	[hbm4b:s20+s3] =	stream.linear.scatter [tilespmem:s10], [sflag:$0x6], $0x1900, $0x38;
	[tilespmem:$0x6400] =	vst v63  }
.Ltmp1:
0x68: {  	_ =	swait.ge [sflag:s14], $0x1900;
	(pc) =	sbr.rel @p0 .LBB2_1-.Ltmp1, $4  }
0x69: {  	[sflag:s14] =	ssyncset.done $0x0  }
0x6a: {  	[sflag:s14] =	ssyncadd.s32 $0xFFFFE700  }
0x6b: {  	_ =	swait.ge [sflag:s18], $0x1900  }
0x6c: {  	[sflag:s18] =	ssyncset.done $0x0  }
.LBB2_2:
0x6d: {  	[sflag:s18] =	ssyncadd.s32 $0xFFFFE700  }
0x6e: {  	_ =	sfence.sel $0x180000  }
0x6f: {  	[bflag:$0x0] =	sbarrier.arrive $0xFFFF  }
0x70: {  	p0 =	sne.s32 s0, $0x0;
	_ =	strace $0x90000050  }
0x71: {  	s0 =	sadd.s32 @!p0 $0x100000, s1;
	[bflag:$0x2] =	sbarrier.arrive $0xFFFF  }
0x72: {  	[sflag:s0] =	ssyncadd.tile.s32 @!p0 $0x1;
	_ =	shalt  }
.Lfunc_end2:
_tile_overlayer_lowered:
.L_overlay_start_2:
0x73: {  	(tag) =	ssettag $0x2  }
0x74: {  	s0 =	rddreg [dreg:$0x0];
	s2 =	stileid.u32  }
0x75: {  	s1 =	rddreg [dreg:$0x1];
	p0 =	sne.s32 s2, $0x0  }
0x76: {  	s3 =	rddreg [dreg:$0x2];
	[bflag:$0x3] =	sbarrier.arrive $0xFFFF;
	s2 =	simm.s32 @!p0 $0x1C07  }
0x77: {  	[timem:s3], [sflag:s2] =	dma.local @!p0 [hbm:s0], s1  }
0x78: {  	s0 =	simm.s32 @!p0 $0x7  }
0x79: {  	_ =	swait.ge @!p0 [sflag:s0], s1  }
0x7a: {  	s1 =	ssub.s32 @!p0 $0x0, s1;
	[sflag:s0] =	ssyncset.done @!p0 $0x0  }
0x7b: {  	[sflag:s0] =	ssyncadd.s32 @!p0 s1  }
0x7c: {  	[bflag:$0x3] =	sbarrier.arrive $0xFFFF  }
0x7d: {  	_ =	shalt  }

// kernel: kernel.24.cloned.1.call-start
scs
__scs_entry_jumppad:
0x0: {  	(pc) =	sbr.rel $0x88, $3  }
0x1: {  	(tag) =	ssettag $0x0;
	lr =	simm.s32 $0x1  }
0x2: {  	[smem:$0x3F9B] =	sst lr;
	_ =	strace $0xD0000000  }
0x3: {  	_ = 	snop  }
0x4: {  	_ = 	snop  }
0x5: {  	_ = 	snop  }
0x6: {  	_ = 	snop  }
0x7: {  	_ = 	snop  }
__scs_overlays_trampoline_lowered:
0x8: {  	[smem:$0x3FAA] =	sst s0  }
0x9: {  	[smem:$0x3FAB] =	sst s1  }
0xa: {  	[smem:$0x3FAC] =	sst s2  }
0xb: {  	[smem:$0x3FAD] =	sst s3  }
0xc: {  	[smem:$0x3FAE] =	sst s4  }
0xd: {  	[smem:$0x3FAF] =	sst s5  }
0xe: {  	[smem:$0x3FB0] =	sst s6  }
0xf: {  	[smem:$0x3FB1] =	sst s7  }
0x10: {  	[smem:$0x3FB2] =	sst s8  }
0x11: {  	[smem:$0x3FB3] =	sst s9;
	s0 =	simm.s32 @!p0 $0x0  }
0x12: {  	s1 =	sld [smem:$0x3F99];
	s0 =	simm.s32 @p0 $0x1  }
0x13: {  	[smem:$0x3FB4] =	sst s0;
	s0 =	simm.s32 @!p1 $0x0  }
0x14: {  	s2 =	sld [smem:$0x3F98];
	s0 =	simm.s32 @p1 $0x1  }
0x15: {  	[smem:$0x3FB5] =	sst s0;
	s0 =	simm.s32 @!p2 $0x0  }
0x16: {  	s3 =	sld [smem:$0x3FDB];
	s0 =	simm.s32 @p2 $0x1  }
0x17: {  	s4 =	simm.s32 $0x1BF5;
	[smem:$0x3FB7] =	sst s0  }
0x18: {  	s0 =	sld [smem:$0x3F9A];
	_ =	swait.ge [sflag:s4], $0x0  }
0x19: {  	s7 =	sld [smem:$0x3F9B]  }
0x1a: {  	s8 =	sadd.s32 $0xFFFFE003, lr  }
0x1b: {  	s9 =	sadd.s32 $0xFFFFFEF7, lr;
	s5 =	simm.s32 $0xFFFFFFFF;
	p2 =	slt.u32 s8, $0xFFFFF086  }
0x1c: {  	p1 =	slt.u32 s9, $0xF7A;
	s5 =	simm.s32 @!p2 $0x0  }
0x1d: {  	s5 =	simm.s32 @p1 $0x1;
	p0 =	seq.s32 s7, s2  }
0x1e: {  	s7 =	smul.u32 @!p0 $0xF7A, s2;
	p2 =	seq.s32 @!p0 s5, $0x0  }
0x1f: {  	s9 =	smul.u32 $0xF7A, s1;
	s8 =	simm.s32 @!p0 $0x1BF5;
	p2 =	por !p2, p0  }
0x20: {  	[sflag:s8] =	ssyncset.s32 @!p0 $0xFFFFF086;
	s6 =	sadd.s32 @!p0 s3, s7;
	s7 =	simm.s32 @!p0 $0x108  }
0x21: {  	s3 =	sadd.s32 s3, s9;
	s6 =	sadd.s32 @!p0 $0x88, s6;
	s7 =	simm.s32 @p2 $0x1082  }
0x22: {  	[simem:s7], [sflag:s8] =	dma.local @!p0 [hbm:s6], $0xF7A  }
0x23: {  	s9 =	sor.u32 $0xD0000000, s2;
	s6 =	simm.s32 $0x108;
	_ =	swait.ge @!p0 [sflag:s8], $0x0  }
0x24: {  	s3 =	sadd.s32 $0x88, s3;
	s6 =	simm.s32 @!p1 $0x1082;
	[sflag:s4] =	ssyncset.s32 $0xFFFFF086  }
0x25: {  	[simem:s6], [sflag:s4] =	dma.local [hbm:s3], $0xF7A  }
0x26: {  	[smem:$0x3F9B] =	sst s1;
	(tag) =	ssettag s2;
	_ =	strace s9  }
0x27: {  	s1 =	sld [smem:$0x3FAB]  }
0x28: {  	s2 =	sld [smem:$0x3FAC]  }
0x29: {  	s4 =	sld [smem:$0x3FAE]  }
0x2a: {  	p0 =	seq.s32 s5, $0x0;
	s5 =	sld [smem:$0x3FAF]  }
0x2b: {  	s6 =	sld [smem:$0x3FB0]  }
0x2c: {  	s7 =	sld [smem:$0x3FB1]  }
0x2d: {  	s3 =	simm.s32 $0x108;
	s8 =	sld [smem:$0x3FB2]  }
0x2e: {  	s3 =	simm.s32 @!p0 $0x1082;
	s9 =	sld [smem:$0x3FB3]  }
0x2f: {  	lr =	sadd.s32 s0, s3;
	s0 =	sld [smem:$0x3FAA]  }
0x30: {  	s3 =	sld [smem:$0x3FAD]  }
0x31: {  	[smem:$0x3FB6] =	sst s10  }
0x32: {  	s10 =	sld [smem:$0x3FB4];
	_ =	sdelay $0x3  }
0x33: {  	p0 =	seq.s32 s10, $0x1;
	s10 =	sld [smem:$0x3FB6];
	_ =	sdelay $0x3  }
0x34: {  	[smem:$0x3FB6] =	sst s10  }
0x35: {  	s10 =	sld [smem:$0x3FB5];
	_ =	sdelay $0x3  }
0x36: {  	p1 =	seq.s32 s10, $0x1;
	s10 =	sld [smem:$0x3FB6];
	_ =	sdelay $0x3  }
0x37: {  	[smem:$0x3FB6] =	sst s10  }
0x38: {  	s10 =	sld [smem:$0x3FB7]  }
0x39: {  	_ = 	snop;
	(pc) =	sbr.ind lr, $3  }
0x3a: {  	_ = 	snop  }
0x3b: {  	_ = 	snop  }
0x3c: {  	p2 =	seq.s32 s10, $0x1;
	s10 =	sld [smem:$0x3FB6]  }
0x3d: {  	_ =	shalt  }
0x3e: {  	_ =	shalt  }
0x3f: {  	_ =	shalt  }
0x40: {  	_ =	shalt  }
0x41: {  	_ =	shalt  }
0x42: {  	_ =	shalt  }
0x43: {  	_ =	shalt  }
0x44: {  	_ =	shalt  }
0x45: {  	_ =	shalt  }
0x46: {  	_ =	shalt  }
0x47: {  	_ =	shalt  }
0x48: {  	_ =	shalt  }
0x49: {  	_ =	shalt  }
0x4a: {  	_ =	shalt  }
0x4b: {  	_ =	shalt  }
0x4c: {  	_ =	shalt  }
0x4d: {  	_ =	shalt  }
0x4e: {  	_ =	shalt  }
0x4f: {  	_ =	shalt  }
0x50: {  	_ =	shalt  }
0x51: {  	_ =	shalt  }
0x52: {  	_ =	shalt  }
0x53: {  	_ =	shalt  }
0x54: {  	_ =	shalt  }
0x55: {  	_ =	shalt  }
0x56: {  	_ =	shalt  }
0x57: {  	_ =	shalt  }
0x58: {  	_ =	shalt  }
0x59: {  	_ =	shalt  }
0x5a: {  	_ =	shalt  }
0x5b: {  	_ =	shalt  }
0x5c: {  	_ =	shalt  }
0x5d: {  	_ =	shalt  }
0x5e: {  	_ =	shalt  }
0x5f: {  	_ =	shalt  }
0x60: {  	_ =	shalt  }
0x61: {  	_ =	shalt  }
0x62: {  	_ =	shalt  }
0x63: {  	_ =	shalt  }
0x64: {  	_ =	shalt  }
0x65: {  	_ =	shalt  }
0x66: {  	_ =	shalt  }
0x67: {  	_ =	shalt  }
0x68: {  	_ =	shalt  }
0x69: {  	_ =	shalt  }
0x6a: {  	_ =	shalt  }
0x6b: {  	_ =	shalt  }
0x6c: {  	_ =	shalt  }
0x6d: {  	_ =	shalt  }
0x6e: {  	_ =	shalt  }
0x6f: {  	_ =	shalt  }
0x70: {  	_ =	shalt  }
0x71: {  	_ =	shalt  }
0x72: {  	_ =	shalt  }
0x73: {  	_ =	shalt  }
0x74: {  	_ =	shalt  }
0x75: {  	_ =	shalt  }
0x76: {  	_ =	shalt  }
0x77: {  	_ =	shalt  }
0x78: {  	_ =	shalt  }
0x79: {  	_ =	shalt  }
0x7a: {  	_ =	shalt  }
0x7b: {  	_ =	shalt  }
0x7c: {  	_ =	shalt  }
0x7d: {  	_ =	shalt  }
0x7e: {  	_ =	shalt  }
0x7f: {  	_ =	shalt  }
0x80: {  	_ =	shalt  }
0x81: {  	_ =	shalt  }
0x82: {  	_ =	shalt  }
0x83: {  	_ =	shalt  }
0x84: {  	_ =	shalt  }
0x85: {  	_ =	shalt  }
0x86: {  	_ =	shalt  }
0x87: {  	_ =	shalt  }
.Lfunc_end0:
.L_simem_size_0:
called_computation.4_lowered:
.L_overlay_start_0:
0x88: {  	s2 =	sld [smem:$0x3FD9]  }
0x89: {  	s3 =	sld [smem:$0x3FFE];
	_ =	sdelay $0x1  }
0x8a: {  	s1 =	srdreg.scid  }
0x8b: {  	s0 =	sand.u32 $0x1, s1  }
0x8c: {  	s17 =	sshll.u32 s0, $0xA;
	s2 =	sadd.s32 s3, s2  }
0x8d: {  	s2 =	sadd.s32 s2, s17  }
0x8e: {  	[smem:$0x3FC2] =	sst s2  }
0x8f: {  	_ = 	snop  }
0x90: {  	s18 =	sld [smem:$0x3FC6];
	(tm) =	ssettm $0x1  }
0x91: {  	s19 =	sld [smem:$0x3FFB];
	_ =	sdelay $0x3  }
0x92: {  	_ =	strace s19  }
0x93: {  	s2 =	sld [smem:$0x3FFC];
	_ =	sdelay $0x3  }
0x94: {  	_ =	strace s2  }
0x95: {  	s2 =	sld [smem:$0x3FFD];
	_ =	sdelay $0x3  }
0x96: {  	_ =	strace s2  }
0x97: {  	_ =	strace $0x8FFFFFFF  }
0x98: {  	s20 =	sld [smem:$0x3FDB];
	_ =	sdelay $0x1  }
0x99: {  	s4 =	simm.s32 $_scs_section_size  }
0x9a: {  	s5 =	simm.s32 $_size__tile_overlayer_lowered;
	s6 =	simm.s32 $_tile_overlayer_lowered  }
0x9b: {  	s7 =	simm.s32 $0x1BFF;
	s21 =	sshll.u32 s6, $0x1;
	s4 =	sadd.s32 s4, s20  }
0x9c: {  	s22 =	simm.s32 $0x0;
	s5 =	sshll.u32 s5, $0x1;
	s6 =	sadd.s32 s21, s4  }
0x9d: {  	[timem:s22], [sflag:s7] =	dma.local [hbm:s6], s5  }
0x9e: {  	_ =	swait.ge [sflag:s7], s5  }
0x9f: {  	s5 =	ssub.s32 $0x0, s5;
	[sflag:s7] =	ssyncset.done $0x0  }
0xa0: {  	[sflag:s7] =	ssyncadd.s32 s5;
	_ =	sdelay $0x1  }
0xa1: {  	s23 =	simm.s32 $0x1B8B  }
0xa2: {  	_ =	swait.ge [sflag:s23], $0x1  }
0xa3: {  	[sflag:s23] =	ssyncset.done $0x0  }
0xa4: {  	[sflag:s23] =	ssyncadd.s32 $0xFFFFFFFF  }
0xa5: {  	s5 =	sld [smem:$0x0]  }
0xa6: {  	s6 =	sand.u32 $0xFFFFFFFE, s1  }
0xa7: {  	p0 =	sne.s32 s1, s6  }
0xa8: {  	s6 =	sshll.u32 @p0 s6, $0xE  }
0xa9: {  	s6 =	sadd.s32 @p0 $0x11B8D, s6;
	s7 =	sshll.u32 @p0 s5, $0x11  }
0xaa: {  	s6 =	sor.u32 @p0 s7, s6  }
0xab: {  	[sflag:s6] =	ssyncadd.remote.s32 @p0 $0x1;
	_ =	sdelay $0x1  }
0xac: {  	s6 =	simm.s32 @p0 $0x1B8D  }
0xad: {  	_ =	swait.eq @p0 [sflag:s6], $0x1  }
0xae: {  	[sflag:s6] =	ssyncadd.s32 @p0 $0xFFFFFFFF  }
0xaf: {  	s7 =	sshll.u32 @!p0 s1, $0xE  }
0xb0: {  	s7 =	sor.u32 @!p0 $0x4000, s7;
	s6 =	simm.s32 @!p0 $0x1B8D  }
0xb1: {  	s5 =	sshll.u32 @!p0 s5, $0x11;
	s7 =	sadd.s32 @!p0 $0x11B8D, s7;
	_ =	swait.eq @!p0 [sflag:s6], $0x1  }
0xb2: {  	s5 =	sor.u32 @!p0 s5, s7;
	[sflag:s6] =	ssyncadd.s32 @!p0 $0xFFFFFFFF  }
0xb3: {  	s25 =	simm.s32 $0x1B8E;
	s24 =	sld [smem:$0x3FFE];
	[sflag:s5] =	ssyncadd.remote.s32 @!p0 $0x1  }
0xb4: {  	s26 =	simm.s32 $execute0_lowered;
	[smem:$0x3FD2] =	sst s25  }
0xb5: {  	s6 =	sshll.u32 s26, $0x1;
	_ =	strace $0x80000052;
	[dreg:$0x1] =	wrdreg $0xFFFFFFFF  }
0xb6: {  	s28 =	simm.s32 $_size_execute0_lowered;
	s4 =	sadd.s32 s4, s6;
	[dreg:$0x0] =	wrdreg $0x0  }
0xb7: {  	s6 =	sshll.u32 s28, $0x1;
	[dreg:$0x2] =	wrdreg s4  }
0xb8: {  	[dreg:$0x3] =	wrdreg s6  }
0xb9: {  	[dreg:$0x4] =	wrdreg $0xC0  }
0xba: {  	_ =	task [dreg:s22], $0x5FFFF  }
0xbb: {  	[dreg:$0x1] =	wrdreg $0xFFFFFFFF  }
0xbc: {  	[dreg:$0x0] =	wrdreg $0x60  }
0xbd: {  	[dreg:$0x2] =	wrdreg s24  }
0xbe: {  	[dreg:$0x3] =	wrdreg s18  }
0xbf: {  	[dreg:$0x4] =	wrdreg $0xD  }
0xc0: {  	_ =	task.clear_ibuf [dreg:s22], $0x5FFFF;
	_ =	strace $0x90000052  }
0xc1: {  	s29 =	simm.s32 $0xD;
	_ =	strace $0x80000054  }
0xc2: {  	_ =	swait.ge [sflag:s29], $0x1  }
0xc3: {  	[sflag:s29] =	ssyncadd.s32 $0xFFFFFFFF  }
0xc4: {  	_ =	strace $0x90000054  }
0xc5: {  	_ =	sfence  }
0xc6: {  	s30 =	sld [smem:$0x0];
	_ =	sdelay $0x2  }
0xc7: {  	s31 =	sshll.u32 s1, $0xD;
	s1 =	sshrl.u32 s1, $0x2  }
0xc8: {  	s4 =	sand.u32 $0x4000, s31;
	s1 =	sadd.s32 s1, s30  }
0xc9: {  	s0 =	sor.u32 s4, s0;
	s1 =	sshll.u32 s1, $0x11  }
0xca: {  	s0 =	sor.u32 s1, s0  }
0xcb: {  	s0 =	sadd.s32 $0x8F2B, s0  }
0xcc: {  	[sflag:s0] =	ssyncadd.remote.s32 $0x1  }
0xcd: {  	_ =	sfence.sel $0xFFFF  }
0xce: {  	[dreg:$0x0] =	wrdreg $0xFFFFFFFF;
	(pc) =	sbr.abs _section_cstart, $3  }
0xcf: {  	[dreg:$0x1] =	wrdreg $0xFFFFFFFF  }
0xd0: {  	_ =	task.clear_ibuf [dreg:s22], $0x2FFFF;
	_ =	strace $0x9FFFFFFF  }
0xd1: {  	(tm) =	ssettm $0x7FFFFFFF  }
tec
execute0_lowered:
.L_overlay_start_1:
0x0: {  	(tag) =	ssettag $0x1  }
0x1: {  	s1 =	srdreg.scid;
	s0 =	stileid.u32  }
0x2: {  	s14 =	sand.u32 $0x1, s1;
	s30 =	sshll.u32 s0, $0x1  }
0x3: {  	s1 =	sor.u32 s14, s30  }
0x4: {  	s12 =	rddreg [dreg:$0x0];
	s4 =	smul.u32 $0x1900, s1  }
0x5: {  	s2 =	rddreg [dreg:$0x1];
	s3 =	simm.s32 $0x0;
	s5 =	simm.s32 $0x1  }
0x6: {  	[smem:$0x7FF] =	sst s3;
	s8 =	sadd.s32 $0xBEC00, s12;
	s13 =	sshrl.u32 s4, $0x3  }
0x7: {  	s1 =	rddreg [dreg:$0x2];
	_ =	strace $0x80000053;
	s4 =	sadd.s32 s8, s13  }
0x8: {  	[tilespmem:s3], [sflag:$0x1] =	stream.linear.gather [hbm4b:s4+s3], $0xC80, $0x38;
	[tilespmem:$0x3200] =	vst v63  }
0x9: {  	_ =	swait.ge [sflag:s5], $0xC80  }
0xa: {  	s6 =	simm.s32 $0xC80;
	[sflag:s5] =	ssyncset.done $0x0  }
0xb: {  	s7 =	simm.s32 $0x1900;
	s15 =	sadd.s32 $0x190, s13;
	[sflag:s5] =	ssyncadd.s32 $0xFFFFF380  }
0xc: {  	[tilespmem:s7], [sflag:$0x3] =	stream.indirect.gather [hbm4b:s2+s6], $0x1, s3, s6, $0xb8;
	[tilespmem:$0x3200] =	vst v63  }
0xd: {  	s9 =	simm.s32 $0x2;
	s8 =	sadd.s32 s8, s15  }
0xe: {  	[tilespmem:s6], [sflag:$0x2] =	stream.linear.gather [hbm4b:s8+s3], $0xC80, $0x38;
	[tilespmem:$0x3200] =	vst v63  }
0xf: {  	_ =	swait.ge [sflag:s9], $0xC80  }
0x10: {  	[sflag:s9] =	ssyncset.done $0x0  }
0x11: {  	s10 =	simm.s32 $0x2580;
	s11 =	simm.s32 $0x3;
	[sflag:s9] =	ssyncadd.s32 $0xFFFFF380  }
0x12: {  	[tilespmem:s10], [sflag:$0x4] =	stream.indirect.gather [hbm4b:s2+s6], $0x1, s6, s6, $0xb8;
	[tilespmem:$0x3200] =	vst v63  }
0x13: {  	s17 =	ssub.s32 $0x2, s14;
	_ =	swait.ge [sflag:s11], $0xC80  }
0x14: {  	s16 =	sadd.s32 $0xC5000, s12;
	s31 =	sshrl.u32 s17, $0x1;
	[sflag:s11] =	ssyncset.done $0x0  }
0x15: {  	s12 =	sadd.s32 s16, s13;
	s13 =	simm.s32 $0x4;
	[sflag:s11] =	ssyncadd.s32 $0xFFFFF380  }
0x16: {  	[hbm4b:s12+s3] =	stream.linear.scatter [tilespmem:s7], [sflag:$0x5], $0xC80, $0x38;
	[tilespmem:$0x3200] =	vst v63  }
0x17: {  	s14 =	sadd.s32 s16, s15;
	s16 =	ssub.s32 s17, s31;
	_ =	swait.ge [sflag:s13], $0xC80  }
0x18: {  	s17 =	smax.u32 s16, $0x1;
	[sflag:s13] =	ssyncset.done $0x0  }
0x19: {  	s15 =	simm.s32 $0x5;
	p0 =	sne.s32 s17, $0x1;
	[sflag:s13] =	ssyncadd.s32 $0xFFFFF380  }
0x1a: {  	[hbm4b:s14+s3] =	stream.linear.scatter [tilespmem:s10], [sflag:$0x6], $0xC80, $0x38;
	[tilespmem:$0x3200] =	vst v63  }
.Ltmp0:
0x1b: {  	_ =	swait.ge [sflag:s15], $0xC80;
	(pc) =	sbr.rel @!p0 .LBB2_2-.Ltmp0, $4  }
0x1c: {  	[sflag:s15] =	ssyncset.done $0x0  }
0x1d: {  	s16 =	simm.s32 $0x6;
	[sflag:s15] =	ssyncadd.s32 $0xFFFFF380  }
0x1e: {  	_ =	swait.ge [sflag:s16], $0xC80  }
0x1f: {  	s17 =	sadd.s32 $0xFFFFFFFF, s17;
	[sflag:s16] =	ssyncset.done $0x0  }
.LBB2_1:
0x20: {  	p0 =	sne.s32 s17, $0x1;
	s17 =	sadd.s32 $0xFFFFFFFF, s17;
	[sflag:s16] =	ssyncadd.s32 $0xFFFFF380  }
0x21: {  	[tilespmem:s3], [sflag:$0x1] =	stream.linear.gather [hbm4b:s4+s3], $0xC80, $0x38;
	[tilespmem:$0x3200] =	vst v63  }
0x22: {  	_ =	swait.ge [sflag:s5], $0xC80  }
0x23: {  	[sflag:s5] =	ssyncset.done $0x0  }
0x24: {  	[sflag:s5] =	ssyncadd.s32 $0xFFFFF380  }
0x25: {  	[tilespmem:s7], [sflag:$0x3] =	stream.indirect.gather [hbm4b:s2+s6], $0x1, s3, s6, $0xb8;
	[tilespmem:$0x3200] =	vst v63  }
0x26: {  	_ = 	snop  }
0x27: {  	[tilespmem:s6], [sflag:$0x2] =	stream.linear.gather [hbm4b:s8+s3], $0xC80, $0x38;
	[tilespmem:$0x3200] =	vst v63  }
0x28: {  	_ =	swait.ge [sflag:s9], $0xC80  }
0x29: {  	[sflag:s9] =	ssyncset.done $0x0  }
0x2a: {  	[sflag:s9] =	ssyncadd.s32 $0xFFFFF380  }
0x2b: {  	[tilespmem:s10], [sflag:$0x4] =	stream.indirect.gather [hbm4b:s2+s6], $0x1, s6, s6, $0xb8;
	[tilespmem:$0x3200] =	vst v63  }
0x2c: {  	_ =	swait.ge [sflag:s11], $0xC80  }
0x2d: {  	[sflag:s11] =	ssyncset.done $0x0  }
0x2e: {  	[sflag:s11] =	ssyncadd.s32 $0xFFFFF380  }
0x2f: {  	[hbm4b:s12+s3] =	stream.linear.scatter [tilespmem:s7], [sflag:$0x5], $0xC80, $0x38;
	[tilespmem:$0x3200] =	vst v63  }
0x30: {  	_ =	swait.ge [sflag:s13], $0xC80  }
0x31: {  	[sflag:s13] =	ssyncset.done $0x0  }
0x32: {  	[sflag:s13] =	ssyncadd.s32 $0xFFFFF380  }
0x33: {  	[hbm4b:s14+s3] =	stream.linear.scatter [tilespmem:s10], [sflag:$0x6], $0xC80, $0x38;
	[tilespmem:$0x3200] =	vst v63  }
.Ltmp1:
0x34: {  	_ =	swait.ge [sflag:s15], $0xC80;
	(pc) =	sbr.rel @p0 .LBB2_1-.Ltmp1, $4  }
0x35: {  	[sflag:s15] =	ssyncset.done $0x0  }
0x36: {  	[sflag:s15] =	ssyncadd.s32 $0xFFFFF380  }
0x37: {  	_ =	swait.ge [sflag:s16], $0xC80  }
0x38: {  	[sflag:s16] =	ssyncset.done $0x0  }
.LBB2_2:
0x39: {  	[sflag:s16] =	ssyncadd.s32 $0xFFFFF380  }
0x3a: {  	_ =	sfence.sel $0x180000  }
0x3b: {  	[bflag:$0x0] =	sbarrier.arrive $0xFFFF  }
0x3c: {  	p0 =	sne.s32 s0, $0x0;
	_ =	strace $0x90000053  }
0x3d: {  	s0 =	sadd.s32 @!p0 $0x100000, s1;
	[bflag:$0x2] =	sbarrier.arrive $0xFFFF  }
0x3e: {  	[sflag:s0] =	ssyncadd.tile.s32 @!p0 $0x1;
	_ =	shalt  }
.Lfunc_end2:
_tile_overlayer_lowered:
.L_overlay_start_2:
0x3f: {  	(tag) =	ssettag $0x2  }
0x40: {  	s0 =	rddreg [dreg:$0x0];
	s2 =	stileid.u32  }
0x41: {  	s1 =	rddreg [dreg:$0x1];
	p0 =	sne.s32 s2, $0x0  }
0x42: {  	s3 =	rddreg [dreg:$0x2];
	[bflag:$0x3] =	sbarrier.arrive $0xFFFF;
	s2 =	simm.s32 @!p0 $0x1C07  }
0x43: {  	[timem:s3], [sflag:s2] =	dma.local @!p0 [hbm:s0], s1  }
0x44: {  	s0 =	simm.s32 @!p0 $0x7  }
0x45: {  	_ =	swait.ge @!p0 [sflag:s0], s1  }
0x46: {  	s1 =	ssub.s32 @!p0 $0x0, s1;
	[sflag:s0] =	ssyncset.done @!p0 $0x0  }
0x47: {  	[sflag:s0] =	ssyncadd.s32 @!p0 s1  }
0x48: {  	[bflag:$0x3] =	sbarrier.arrive $0xFFFF  }
0x49: {  	_ =	shalt  }

</sc_bundles>
